<compile_context>
chip_gen: v7x
topology: tpu7x:2x2x1
jax: 0.10.2.dev20260603
libtpu: 0.0.44.dev20260713+nightly
codegen_flags: <defaults>
</compile_context>

<pallas_src>
import functools

import jax
import jax.numpy as jnp
from jax import lax
from jax.experimental import pallas as pl
from jax.experimental.pallas import tpu as pltpu
from jax.experimental.pallas import tpu_sc as plsc

N_Q = 4096
N_F = 20000
F_PAD = 20480
NW = 32
FBS = 512
QB = 4096


def _sum3_mean(a, b, c):
    return (a + b) + c


def _sum3_sq(a, b, c):
    return (a + c) + b


def _sum3_dot(a, b, c):
    return (a + c) + b


def _bf(x):
    return x.astype(jnp.bfloat16).astype(jnp.float32)


def _sc_gather_rows(table, idx):
    B = idx.shape[0]
    assert B % (8 * NW) == 0
    bpw = B // NW
    mesh = plsc.VectorSubcoreMesh(core_axis_name="c", subcore_axis_name="s")

    @functools.partial(
        pl.kernel,
        mesh=mesh,
        out_type=jax.ShapeDtypeStruct((B, 16), table.dtype),
        compiler_params=pltpu.CompilerParams(use_tc_tiling_on_sc=False),
        scratch_types=[
            pltpu.VMEM((bpw,), jnp.int32),
            pltpu.VMEM((bpw, 16), table.dtype),
            pltpu.SemaphoreType.DMA,
        ],
    )
    def k(table_hbm, idx_hbm, out_hbm, idx_v, rows_v, sem):
        wid = lax.axis_index("s") * 2 + lax.axis_index("c")
        base = wid * bpw
        pltpu.sync_copy(idx_hbm.at[pl.ds(base, bpw)], idx_v)
        pltpu.async_copy(table_hbm.at[idx_v], rows_v, sem).wait()
        pltpu.sync_copy(rows_v, out_hbm.at[pl.ds(base, bpw)])

    return k(table, idx)


def _sc_gather_rows2(table_a, table_b, idx):
    B = idx.shape[0]
    assert B % (8 * NW) == 0
    bpw = B // NW
    mesh = plsc.VectorSubcoreMesh(core_axis_name="c", subcore_axis_name="s")

    @functools.partial(
        pl.kernel,
        mesh=mesh,
        out_type=(jax.ShapeDtypeStruct((B, 16), table_a.dtype),
                  jax.ShapeDtypeStruct((B, 16), table_b.dtype)),
        compiler_params=pltpu.CompilerParams(use_tc_tiling_on_sc=False),
        scratch_types=[
            pltpu.VMEM((bpw,), jnp.int32),
            pltpu.VMEM((bpw, 16), table_a.dtype),
            pltpu.VMEM((bpw, 16), table_b.dtype),
            pltpu.SemaphoreType.DMA,
        ],
    )
    def k(ta_hbm, tb_hbm, idx_hbm, oa_hbm, ob_hbm, idx_v, ra_v, rb_v, sem):
        wid = lax.axis_index("s") * 2 + lax.axis_index("c")
        base = wid * bpw
        pltpu.sync_copy(idx_hbm.at[pl.ds(base, bpw)], idx_v)
        pltpu.async_copy(ta_hbm.at[idx_v], ra_v, sem).wait()
        pltpu.async_copy(tb_hbm.at[idx_v], rb_v, sem).wait()
        pltpu.sync_copy(ra_v, oa_hbm.at[pl.ds(base, bpw)])
        pltpu.sync_copy(rb_v, ob_hbm.at[pl.ds(base, bpw)])

    return k(table_a, table_b, idx)


def _centers_body(v0_ref, v1_ref, v2_ref, fc_ref, fd_ref):
    v0 = v0_ref[...]
    v1 = v1_ref[...]
    v2 = v2_ref[...]
    pid = pl.program_id(0)
    blk = v0.shape[0]
    fcs = []
    for c in range(3):
        s = _sum3_mean(v0[:, c:c + 1], v1[:, c:c + 1], v2[:, c:c + 1])
        fcs.append(s / 3.0)
    n2 = _sum3_sq(fcs[0] * fcs[0], fcs[1] * fcs[1], fcs[2] * fcs[2])
    rowid = lax.broadcasted_iota(jnp.int32, (blk, 1), 0) + pid * blk
    n2 = jnp.where(rowid >= N_F, jnp.float32(1e30), n2)
    fc_ref[...] = jnp.concatenate([fcs[0], fcs[1], fcs[2], n2], axis=1)
    dd = [(fcs[c] * 2.0).astype(jnp.bfloat16) for c in range(3)]
    fd_ref[...] = jnp.concatenate(
        dd + [jnp.zeros((blk, 13), jnp.bfloat16)], axis=1)


def _argmin_body(fc_ref, fd_ref, q_ref, qp_ref, fidx_ref, mind_ref, mask_ref):
    qb = q_ref[...]
    qx = qb[0:1, :]
    qy = qb[1:2, :]
    qz = qb[2:3, :]
    qn2 = _sum3_sq(qx * qx, qy * qy, qz * qz)
    qpb = qp_ref[...]
    iota_s = lax.broadcasted_iota(jnp.int32, (FBS, QB), 0)

    def step(b, carry):
        rmin, ridx = carry
        fn2 = fc_ref[pl.ds(b * FBS, FBS), 3:4]
        fdb = fd_ref[pl.ds(b * FBS, FBS), :]
        m2 = lax.dot_general(
            fdb, qpb, (((1,), (0,)), ((), ())),
            preferred_element_type=jnp.float32)
        d2 = (qn2 + fn2) - m2
        bmin = jnp.min(d2, axis=0, keepdims=True)
        cand = jnp.where(d2 == bmin, iota_s, jnp.int32(2 ** 30))
        barg = jnp.min(cand, axis=0, keepdims=True) + b * FBS
        upd = bmin < rmin
        return (jnp.where(upd, bmin, rmin), jnp.where(upd, barg, ridx))

    rmin0 = jnp.full((1, QB), jnp.inf, jnp.float32)
    ridx0 = jnp.zeros((1, QB), jnp.int32)
    rmin, ridx = lax.fori_loop(0, F_PAD // FBS, step, (rmin0, ridx0))
    fidx_ref[...] = ridx
    mind_ref[...] = rmin
    mask_ref[...] = (rmin > 0.1).astype(jnp.int32)


def _solver_body(tv_ref, tn_ref, q_ref, qn_ref, mind_ref, vw_ref):
    def row(ref, i):
        return ref[i:i + 1, :]

    T = [[row(tv_ref, 3 * k + c) for c in range(3)] for k in range(3)]
    N = [[row(tn_ref, 3 * k + c) for c in range(3)] for k in range(3)]
    q = [row(q_ref, c) for c in range(3)]
    qnr = [row(qn_ref, c) for c in range(3)]

    def dot3(a, b):
        return a[0] * b[0] + a[1] * b[1] + a[2] * b[2]

    nq = jnp.sqrt(dot3(qnr, qnr))
    qden = jnp.maximum(nq, 1e-12)
    qn = [c / qden for c in qnr]

    b0 = [T[0][c] - T[2][c] for c in range(3)]
    b1 = [T[1][c] - T[2][c] for c in range(3)]
    a0 = [N[0][c] - N[2][c] for c in range(3)]
    a1 = [N[1][c] - N[2][c] for c in range(3)]

    w0 = jnp.full_like(q[0], 1.0 / 3.0)
    w1 = jnp.full_like(q[0], 1.0 / 3.0)
    alpha = 1.0
    for _outer in range(2):
        d0 = jnp.zeros_like(w0)
        d1 = jnp.zeros_like(w0)
        A0 = jnp.zeros_like(w0)
        A1 = jnp.zeros_like(w0)
        for i in range(8):
            wd0 = w0 + d0
            wd1 = w1 + d1
            wd2 = (1.0 - wd0) - wd1
            cV = [T[0][c] * wd0 + T[1][c] * wd1 + T[2][c] * wd2 for c in range(3)]
            rv = [cV[c] - q[c] for c in range(3)]
            lv = jnp.sqrt(dot3(rv, rv))
            u = [N[0][c] * wd0 + N[1][c] * wd1 + N[2][c] * wd2 for c in range(3)]
            nu = jnp.sqrt(dot3(u, u))
            mden = jnp.maximum(nu, 1e-12)
            un = [u[c] / mden for c in range(3)]
            rn = [un[c] - qn[c] for c in range(3)]
            ln = jnp.sqrt(dot3(rn, rn))
            rn_u = dot3(rn, u)
            safe = nu > 1e-12
            inv_m2nu = jnp.where(safe, 1.0 / (nu * mden * mden), 0.0)
            gn0 = (dot3(rn, a0) / mden - rn_u * dot3(u, a0) * inv_m2nu) / ln
            gn1 = (dot3(rn, a1) / mden - rn_u * dot3(u, a1) * inv_m2nu) / ln
            g0 = (dot3(rv, b0) / lv + 0.01 * gn0) * (1.0 / 4096.0)
            g1 = (dot3(rv, b1) / lv + 0.01 * gn1) * (1.0 / 4096.0)
            A0 = A0 + g0 * g0
            A1 = A1 + g1 * g1
            clr = 0.2 / (1.0 + i * 0.1)
            d0 = d0 - clr * g0 / (jnp.sqrt(A0) + 1e-10)
            d1 = d1 - clr * g1 / (jnp.sqrt(A1) + 1e-10)
        w0 = w0 + d0 * alpha
        w1 = w1 + d1 * alpha
        alpha = alpha * 0.5

    outlier = mind_ref[...] > 0.1
    third = jnp.full_like(w0, 1.0 / 3.0)
    vw_ref[0:1, :] = jnp.where(outlier, third, w0)
    vw_ref[1:2, :] = jnp.where(outlier, third, w1)


def kernel(query_V, query_N, mesh_V, mesh_F, mesh_N, TC, FTC):
    b, n, _ = query_V.shape
    q = query_V.reshape(n, 3)
    qT = q.T
    qnT = query_N.reshape(n, 3).T

    mesh_F = mesh_F.astype(jnp.int32)
    mesh_V16 = jnp.pad(mesh_V, ((0, 0), (0, 13)))
    mesh_N16 = jnp.pad(mesh_N, ((0, 0), (0, 13)))
    mesh_F16 = jnp.pad(mesh_F, ((0, 0), (0, 13)))

    idxF = jnp.pad(mesh_F.T, ((0, 0), (0, F_PAD - N_F))).reshape(-1)
    vrows = _sc_gather_rows(mesh_V16, idxF)

    nb0 = F_PAD // 1024
    fc4, fd16 = pl.pallas_call(
        _centers_body,
        grid=(nb0,),
        in_specs=[
            pl.BlockSpec((1024, 16), lambda i: (i, 0)),
            pl.BlockSpec((1024, 16), lambda i: (i + nb0, 0)),
            pl.BlockSpec((1024, 16), lambda i: (i + 2 * nb0, 0)),
        ],
        out_specs=[
            pl.BlockSpec((1024, 4), lambda i: (i, 0)),
            pl.BlockSpec((1024, 16), lambda i: (i, 0)),
        ],
        out_shape=[
            jax.ShapeDtypeStruct((F_PAD, 4), jnp.float32),
            jax.ShapeDtypeStruct((F_PAD, 16), jnp.bfloat16),
        ],
    )(vrows, vrows, vrows)

    qp16 = jnp.pad(qT, ((0, 13), (0, 0))).astype(jnp.bfloat16)

    fidx2, mind2, mask2 = pl.pallas_call(
        _argmin_body,
        grid=(n // QB,),
        in_specs=[
            pl.BlockSpec((F_PAD, 4), lambda i: (0, 0)),
            pl.BlockSpec((F_PAD, 16), lambda i: (0, 0)),
            pl.BlockSpec((3, QB), lambda i: (0, i)),
            pl.BlockSpec((16, QB), lambda i: (0, i)),
        ],
        out_specs=[
            pl.BlockSpec((1, QB), lambda i: (0, i)),
            pl.BlockSpec((1, QB), lambda i: (0, i)),
            pl.BlockSpec((1, QB), lambda i: (0, i)),
        ],
        out_shape=[
            jax.ShapeDtypeStruct((1, n), jnp.int32),
            jax.ShapeDtypeStruct((1, n), jnp.float32),
            jax.ShapeDtypeStruct((1, n), jnp.int32),
        ],
    )(fc4, fd16, qT, qp16)

    frows = _sc_gather_rows(mesh_F16, fidx2.reshape(n))
    tri = frows[:, :3].reshape(-1)
    tvrows, tnrows = _sc_gather_rows2(mesh_V16, mesh_N16, tri)
    tv9 = tvrows[:, :3].reshape(n, 3, 3).transpose(1, 2, 0).reshape(9, n)
    tn9 = tnrows[:, :3].reshape(n, 3, 3).transpose(1, 2, 0).reshape(9, n)

    vw2 = pl.pallas_call(
        _solver_body,
        grid=(n // 512,),
        in_specs=[
            pl.BlockSpec((9, 512), lambda i: (0, i)),
            pl.BlockSpec((9, 512), lambda i: (0, i)),
            pl.BlockSpec((3, 512), lambda i: (0, i)),
            pl.BlockSpec((3, 512), lambda i: (0, i)),
            pl.BlockSpec((1, 512), lambda i: (0, i)),
        ],
        out_specs=pl.BlockSpec((2, 512), lambda i: (0, i)),
        out_shape=jax.ShapeDtypeStruct((2, n), jnp.float32),
    )(tv9, tn9, qT, qnT, mind2)

    spt_fidx = fidx2.reshape(b, n)
    spt_vw = vw2.T.reshape(b, n, 2)
    outlier = mask2.reshape(b, n).astype(jnp.bool_)
    return (spt_fidx, spt_vw, outlier)

# --- scband reference (transcript-rebuilt; emitter-appended) ---
"""Pipeline reference for scband-phong-surface-py3d-38397007626379 (READ-ONLY COPY).

The authoritative reference and input builder live on the scoring server;
editing this copy changes nothing except your own understanding.
"""

import jax, jax.numpy as jnp
import numpy as np

LAMBDA_N = 0.01
OUTER_LOOP = 2
INNER_LOOP = 8
MAX_DIST = 0.1


def _normalize(x, eps=1e-12):
    return x / jnp.maximum(jnp.linalg.norm(x, axis=-1, keepdims=True), eps)


def _interp_bary(tri_V, spt_vw):
    # tri_V: [n, 3, d], spt_vw: [n, 2]
    bary = jnp.concatenate([spt_vw, 1.0 - spt_vw[..., :1] - spt_vw[..., 1:2]], axis=-1)
    return jnp.einsum('nij,ni->nj', tri_V, bary)


def setup_inputs(seed: int = 0) -> dict:
    key = jax.random.key(seed)
    ks = jax.random.split(key, 7)
    query_V = jax.random.uniform(ks[0], (1, 4096, 3), dtype=jnp.float32)
    query_N = _normalize(jax.random.normal(ks[1], (1, 4096, 3), dtype=jnp.float32))
    mesh_V = jax.random.uniform(ks[2], (10000, 3), dtype=jnp.float32)
    mesh_F = jax.random.randint(ks[3], (20000, 3), 0, 10000)
    mesh_N = _normalize(jax.random.normal(ks[4], (10000, 3), dtype=jnp.float32))
    TC = jax.random.uniform(ks[5], (10000, 2), dtype=jnp.float32)
    FTC = jax.random.randint(ks[6], (20000, 3), 0, 10000)
    return {"query_V": query_V, "query_N": query_N, "mesh_V": mesh_V,
            "mesh_F": mesh_F, "mesh_N": mesh_N, "TC": TC, "FTC": FTC}


def reference(query_V, query_N, mesh_V, mesh_F, mesh_N, TC, FTC):
    b, n, _ = query_V.shape
    q = query_V.reshape(-1, 3)
    qn = _normalize(query_N.reshape(-1, 3))

    # init_corres_spt: brute-force 1-NN of queries against face centers (squared dists, as in knn_points)
    F_centers = mesh_V[mesh_F].mean(axis=1)  # [Fn, 3]
    d2 = (q ** 2).sum(-1, keepdims=True) + (F_centers ** 2).sum(-1)[None, :] - 2.0 * q @ F_centers.T
    spt_fidx = jnp.argmin(d2, axis=1)                                 # [n]
    nn_dist = jnp.take_along_axis(d2, spt_fidx[:, None], axis=1)[:, 0]
    outlier_mask = nn_dist > MAX_DIST
    vw = jnp.full((q.shape[0], 2), 1.0 / 3.0, dtype=jnp.float32)

    tri = mesh_F[spt_fidx]          # [n, 3]
    tri_V = mesh_V[tri]             # [n, 3, 3]
    tri_N = mesh_N[tri]             # [n, 3, 3]

    def loss_fn(delta, vw_cur):
        vw_d = vw_cur + delta
        corres_V = _interp_bary(tri_V, vw_d)
        loss_v = jnp.linalg.norm(corres_V - q, axis=-1).mean()
        corres_N = _normalize(_interp_bary(tri_N, vw_d))
        loss_n = jnp.linalg.norm(corres_N - qn, axis=-1).mean()
        return loss_v + LAMBDA_N * loss_n

    grad_fn = jax.grad(loss_fn)

    # update_corres_spt: outer loop with Adagrad(lr=0.2, lr_decay=0.1) inner solve for delta_vw.
    # triwalk is unavailable -> fallback branch: spt_vw <- spt_vw + spt_delta.
    alpha = 1.0
    for _outer in range(OUTER_LOOP):
        delta = jnp.zeros_like(vw)
        accum = jnp.zeros_like(vw)
        for i in range(INNER_LOOP):
            g = grad_fn(delta, vw)
            accum = accum + g * g
            clr = 0.2 / (1.0 + i * 0.1)
            delta = delta - clr * g / (jnp.sqrt(accum) + 1e-10)
        vw = vw + delta * alpha
        alpha = alpha * 0.5

    # only valid (non-outlier) points get updated vw; outliers keep 1/3
    spt_vw = jnp.where(outlier_mask[:, None], 1.0 / 3.0, vw)
    return (spt_fidx.reshape(b, n), spt_vw.reshape(b, n, 2), outlier_mask.reshape(b, n))

if __name__ == "__main__":
    import jax
    _d = setup_inputs()
    print(jax.jit(kernel)(*tuple(_d.values())))

</pallas_src>

<mosaic_0001>
#map = affine_map<(d0, d1) -> (0, 0)>
#map1 = affine_map<(d0, d1) -> (0)>
module attributes {stable_mosaic.version = 14 : i64} {
  func.func @k(%arg0: i32, %arg1: i32, %arg2: memref<10000x16xf32, #tpu.memory_space<hbm>>, %arg3: memref<61440xi32, #tpu.memory_space<hbm>>, %arg4: memref<61440x16xf32, #tpu.memory_space<hbm>>, %arg5: memref<1920xi32, #tpu.memory_space<vmem>>, %arg6: memref<1920x16xf32, #tpu.memory_space<vmem>>, %arg7: memref<!tpu.dma_semaphore, #tpu.memory_space<semaphore_mem>>) attributes {dimension_semantics = [#tpu.dimension_semantics<core_parallel>, #tpu.dimension_semantics<subcore_parallel>], iteration_bounds = array<i64: 2, 16>, scalar_prefetch = 0 : i64, scratch_operands = 3 : i64, tpu.core_type = #tpu.core_type<sc_vector_subcore>, window_params = [{transform_indices = #map}, {transform_indices = #map1}, {transform_indices = #map}]} {
    %mul3A = arith.constant 2 : i32
    %mul3A_0 = arith.muli %arg1, %mul3A : i32
    %add3A = arith.addi %mul3A_0, %arg0 : i32
    %mul3A_1 = arith.constant 1920 : i32
    %mul3A_2 = arith.muli %add3A, %mul3A_1 : i32
    "tpu.region"() ({
      %run_scoped3A = tpu.sem_alloc : memref<!tpu.dma_semaphore, #tpu.memory_space<semaphore_mem>>
      %dma_start3A_7 = tpu.memref_slice %arg3[%mul3A_2] : memref<61440xi32, #tpu.memory_space<hbm>> -> memref<1920xi32, #tpu.memory_space<hbm>>
      %dma_start3A_8 = tpu.memref_slice %arg3[%mul3A_2] : memref<61440xi32, #tpu.memory_space<hbm>> -> memref<1920xi32, #tpu.memory_space<hbm>>
      tpu.enqueue_dma source(%dma_start3A_8 : memref<1920xi32, #tpu.memory_space<hbm>>) target(%arg5 : memref<1920xi32, #tpu.memory_space<vmem>>) target_semaphore(%run_scoped3A : memref<!tpu.dma_semaphore, #tpu.memory_space<semaphore_mem>>)
      %dma_wait3A_9 = tpu.memref_slice %arg3[%mul3A_2] : memref<61440xi32, #tpu.memory_space<hbm>> -> memref<1920xi32, #tpu.memory_space<hbm>>
      %dma_wait3A_10 = tpu.memref_slice %arg3[%mul3A_2] : memref<61440xi32, #tpu.memory_space<hbm>> -> memref<1920xi32, #tpu.memory_space<hbm>>
      tpu.wait_dma2 semaphore(%run_scoped3A : memref<!tpu.dma_semaphore, #tpu.memory_space<semaphore_mem>>) src(%dma_wait3A_10 : memref<1920xi32, #tpu.memory_space<hbm>>) dst(%arg5 : memref<1920xi32, #tpu.memory_space<vmem>>)
      tpu.yield
    }) : () -> ()
    %dma_start3A = arith.constant 0 : i32
    %dma_start3A_3 = arith.constant 0 : i32
    %dma_start3A_4 = tpu.memref_slice %arg2[%dma_start3A, %dma_start3A_3] : memref<10000x16xf32, #tpu.memory_space<hbm>> -> memref<10000x16xf32, #tpu.memory_space<hbm>>
    tpu.enqueue_indirect_dma source(%dma_start3A_4 : memref<10000x16xf32, #tpu.memory_space<hbm>>) target(%arg6 : memref<1920x16xf32, #tpu.memory_space<vmem>>) offsets(%arg5 : memref<1920xi32, #tpu.memory_space<vmem>>) semaphore(%arg7 : memref<!tpu.dma_semaphore, #tpu.memory_space<semaphore_mem>>)
    %dma_wait3A = arith.constant 0 : i32
    %dma_wait3A_5 = arith.constant 0 : i32
    %dma_wait3A_6 = tpu.memref_slice %arg2[%dma_wait3A, %dma_wait3A_5] : memref<10000x16xf32, #tpu.memory_space<hbm>> -> memref<10000x16xf32, #tpu.memory_space<hbm>>
    tpu.wait_indirect_dma semaphore(%arg7 : memref<!tpu.dma_semaphore, #tpu.memory_space<semaphore_mem>>) src(%dma_wait3A_6 : memref<10000x16xf32, #tpu.memory_space<hbm>>) dst(%arg6 : memref<1920x16xf32, #tpu.memory_space<vmem>>)
    "tpu.region"() ({
      %run_scoped3A = tpu.sem_alloc : memref<!tpu.dma_semaphore, #tpu.memory_space<semaphore_mem>>
      %dma_start3A_7 = arith.constant 0 : i32
      %dma_start3A_8 = tpu.memref_slice %arg4[%mul3A_2, %dma_start3A_7] : memref<61440x16xf32, #tpu.memory_space<hbm>> -> memref<1920x16xf32, #tpu.memory_space<hbm>>
      %dma_start3A_9 = arith.constant 0 : i32
      %dma_start3A_10 = tpu.memref_slice %arg4[%mul3A_2, %dma_start3A_9] : memref<61440x16xf32, #tpu.memory_space<hbm>> -> memref<1920x16xf32, #tpu.memory_space<hbm>>
      tpu.enqueue_dma source(%arg6 : memref<1920x16xf32, #tpu.memory_space<vmem>>) target(%dma_start3A_10 : memref<1920x16xf32, #tpu.memory_space<hbm>>) target_semaphore(%run_scoped3A : memref<!tpu.dma_semaphore, #tpu.memory_space<semaphore_mem>>)
      %dma_wait3A_11 = arith.constant 0 : i32
      %dma_wait3A_12 = tpu.memref_slice %arg4[%mul3A_2, %dma_wait3A_11] : memref<61440x16xf32, #tpu.memory_space<hbm>> -> memref<1920x16xf32, #tpu.memory_space<hbm>>
      %dma_wait3A_13 = arith.constant 0 : i32
      %dma_wait3A_14 = tpu.memref_slice %arg4[%mul3A_2, %dma_wait3A_13] : memref<61440x16xf32, #tpu.memory_space<hbm>> -> memref<1920x16xf32, #tpu.memory_space<hbm>>
      tpu.wait_dma2 semaphore(%run_scoped3A : memref<!tpu.dma_semaphore, #tpu.memory_space<semaphore_mem>>) src(%arg6 : memref<1920x16xf32, #tpu.memory_space<vmem>>) dst(%dma_wait3A_14 : memref<1920x16xf32, #tpu.memory_space<hbm>>)
      tpu.yield
    }) : () -> ()
    return
  }
}

#map = affine_map<(d0, d1) -> (0, 0)>
#map1 = affine_map<(d0, d1) -> (0)>
module attributes {stable_mosaic.version = 14 : i64} {
  func.func @k(%arg0: i32, %arg1: i32, %arg2: memref<20000x16xi32, #tpu.memory_space<hbm>>, %arg3: memref<4096xi32, #tpu.memory_space<hbm>>, %arg4: memref<4096x16xi32, #tpu.memory_space<hbm>>, %arg5: memref<128xi32, #tpu.memory_space<vmem>>, %arg6: memref<128x16xi32, #tpu.memory_space<vmem>>, %arg7: memref<!tpu.dma_semaphore, #tpu.memory_space<semaphore_mem>>) attributes {dimension_semantics = [#tpu.dimension_semantics<core_parallel>, #tpu.dimension_semantics<subcore_parallel>], iteration_bounds = array<i64: 2, 16>, scalar_prefetch = 0 : i64, scratch_operands = 3 : i64, tpu.core_type = #tpu.core_type<sc_vector_subcore>, window_params = [{transform_indices = #map}, {transform_indices = #map1}, {transform_indices = #map}]} {
    %mul3A = arith.constant 2 : i32
    %mul3A_0 = arith.muli %arg1, %mul3A : i32
    %add3A = arith.addi %mul3A_0, %arg0 : i32
    %mul3A_1 = arith.constant 128 : i32
    %mul3A_2 = arith.muli %add3A, %mul3A_1 : i32
    "tpu.region"() ({
      %run_scoped3A = tpu.sem_alloc : memref<!tpu.dma_semaphore, #tpu.memory_space<semaphore_mem>>
      %dma_start3A_7 = tpu.memref_slice %arg3[%mul3A_2] : memref<4096xi32, #tpu.memory_space<hbm>> -> memref<128xi32, #tpu.memory_space<hbm>>
      %dma_start3A_8 = tpu.memref_slice %arg3[%mul3A_2] : memref<4096xi32, #tpu.memory_space<hbm>> -> memref<128xi32, #tpu.memory_space<hbm>>
      tpu.enqueue_dma source(%dma_start3A_8 : memref<128xi32, #tpu.memory_space<hbm>>) target(%arg5 : memref<128xi32, #tpu.memory_space<vmem>>) target_semaphore(%run_scoped3A : memref<!tpu.dma_semaphore, #tpu.memory_space<semaphore_mem>>)
      %dma_wait3A_9 = tpu.memref_slice %arg3[%mul3A_2] : memref<4096xi32, #tpu.memory_space<hbm>> -> memref<128xi32, #tpu.memory_space<hbm>>
      %dma_wait3A_10 = tpu.memref_slice %arg3[%mul3A_2] : memref<4096xi32, #tpu.memory_space<hbm>> -> memref<128xi32, #tpu.memory_space<hbm>>
      tpu.wait_dma2 semaphore(%run_scoped3A : memref<!tpu.dma_semaphore, #tpu.memory_space<semaphore_mem>>) src(%dma_wait3A_10 : memref<128xi32, #tpu.memory_space<hbm>>) dst(%arg5 : memref<128xi32, #tpu.memory_space<vmem>>)
      tpu.yield
    }) : () -> ()
    %dma_start3A = arith.constant 0 : i32
    %dma_start3A_3 = arith.constant 0 : i32
    %dma_start3A_4 = tpu.memref_slice %arg2[%dma_start3A, %dma_start3A_3] : memref<20000x16xi32, #tpu.memory_space<hbm>> -> memref<20000x16xi32, #tpu.memory_space<hbm>>
    tpu.enqueue_indirect_dma source(%dma_start3A_4 : memref<20000x16xi32, #tpu.memory_space<hbm>>) target(%arg6 : memref<128x16xi32, #tpu.memory_space<vmem>>) offsets(%arg5 : memref<128xi32, #tpu.memory_space<vmem>>) semaphore(%arg7 : memref<!tpu.dma_semaphore, #tpu.memory_space<semaphore_mem>>)
    %dma_wait3A = arith.constant 0 : i32
    %dma_wait3A_5 = arith.constant 0 : i32
    %dma_wait3A_6 = tpu.memref_slice %arg2[%dma_wait3A, %dma_wait3A_5] : memref<20000x16xi32, #tpu.memory_space<hbm>> -> memref<20000x16xi32, #tpu.memory_space<hbm>>
    tpu.wait_indirect_dma semaphore(%arg7 : memref<!tpu.dma_semaphore, #tpu.memory_space<semaphore_mem>>) src(%dma_wait3A_6 : memref<20000x16xi32, #tpu.memory_space<hbm>>) dst(%arg6 : memref<128x16xi32, #tpu.memory_space<vmem>>)
    "tpu.region"() ({
      %run_scoped3A = tpu.sem_alloc : memref<!tpu.dma_semaphore, #tpu.memory_space<semaphore_mem>>
      %dma_start3A_7 = arith.constant 0 : i32
      %dma_start3A_8 = tpu.memref_slice %arg4[%mul3A_2, %dma_start3A_7] : memref<4096x16xi32, #tpu.memory_space<hbm>> -> memref<128x16xi32, #tpu.memory_space<hbm>>
      %dma_start3A_9 = arith.constant 0 : i32
      %dma_start3A_10 = tpu.memref_slice %arg4[%mul3A_2, %dma_start3A_9] : memref<4096x16xi32, #tpu.memory_space<hbm>> -> memref<128x16xi32, #tpu.memory_space<hbm>>
      tpu.enqueue_dma source(%arg6 : memref<128x16xi32, #tpu.memory_space<vmem>>) target(%dma_start3A_10 : memref<128x16xi32, #tpu.memory_space<hbm>>) target_semaphore(%run_scoped3A : memref<!tpu.dma_semaphore, #tpu.memory_space<semaphore_mem>>)
      %dma_wait3A_11 = arith.constant 0 : i32
      %dma_wait3A_12 = tpu.memref_slice %arg4[%mul3A_2, %dma_wait3A_11] : memref<4096x16xi32, #tpu.memory_space<hbm>> -> memref<128x16xi32, #tpu.memory_space<hbm>>
      %dma_wait3A_13 = arith.constant 0 : i32
      %dma_wait3A_14 = tpu.memref_slice %arg4[%mul3A_2, %dma_wait3A_13] : memref<4096x16xi32, #tpu.memory_space<hbm>> -> memref<128x16xi32, #tpu.memory_space<hbm>>
      tpu.wait_dma2 semaphore(%run_scoped3A : memref<!tpu.dma_semaphore, #tpu.memory_space<semaphore_mem>>) src(%arg6 : memref<128x16xi32, #tpu.memory_space<vmem>>) dst(%dma_wait3A_14 : memref<128x16xi32, #tpu.memory_space<hbm>>)
      tpu.yield
    }) : () -> ()
    return
  }
}

#map = affine_map<(d0, d1) -> (0, 0)>
#map1 = affine_map<(d0, d1) -> (0)>
module attributes {stable_mosaic.version = 14 : i64} {
  func.func @k(%arg0: i32, %arg1: i32, %arg2: memref<10000x16xf32, #tpu.memory_space<hbm>>, %arg3: memref<10000x16xf32, #tpu.memory_space<hbm>>, %arg4: memref<12288xi32, #tpu.memory_space<hbm>>, %arg5: memref<12288x16xf32, #tpu.memory_space<hbm>>, %arg6: memref<12288x16xf32, #tpu.memory_space<hbm>>, %arg7: memref<384xi32, #tpu.memory_space<vmem>>, %arg8: memref<384x16xf32, #tpu.memory_space<vmem>>, %arg9: memref<384x16xf32, #tpu.memory_space<vmem>>, %arg10: memref<!tpu.dma_semaphore, #tpu.memory_space<semaphore_mem>>) attributes {dimension_semantics = [#tpu.dimension_semantics<core_parallel>, #tpu.dimension_semantics<subcore_parallel>], iteration_bounds = array<i64: 2, 16>, scalar_prefetch = 0 : i64, scratch_operands = 4 : i64, tpu.core_type = #tpu.core_type<sc_vector_subcore>, window_params = [{transform_indices = #map}, {transform_indices = #map}, {transform_indices = #map1}, {transform_indices = #map}, {transform_indices = #map}]} {
    %mul3A = arith.constant 2 : i32
    %mul3A_0 = arith.muli %arg1, %mul3A : i32
    %add3A = arith.addi %mul3A_0, %arg0 : i32
    %mul3A_1 = arith.constant 384 : i32
    %mul3A_2 = arith.muli %add3A, %mul3A_1 : i32
    "tpu.region"() ({
      %run_scoped3A = tpu.sem_alloc : memref<!tpu.dma_semaphore, #tpu.memory_space<semaphore_mem>>
      %dma_start3A_13 = tpu.memref_slice %arg4[%mul3A_2] : memref<12288xi32, #tpu.memory_space<hbm>> -> memref<384xi32, #tpu.memory_space<hbm>>
      %dma_start3A_14 = tpu.memref_slice %arg4[%mul3A_2] : memref<12288xi32, #tpu.memory_space<hbm>> -> memref<384xi32, #tpu.memory_space<hbm>>
      tpu.enqueue_dma source(%dma_start3A_14 : memref<384xi32, #tpu.memory_space<hbm>>) target(%arg7 : memref<384xi32, #tpu.memory_space<vmem>>) target_semaphore(%run_scoped3A : memref<!tpu.dma_semaphore, #tpu.memory_space<semaphore_mem>>)
      %dma_wait3A_15 = tpu.memref_slice %arg4[%mul3A_2] : memref<12288xi32, #tpu.memory_space<hbm>> -> memref<384xi32, #tpu.memory_space<hbm>>
      %dma_wait3A_16 = tpu.memref_slice %arg4[%mul3A_2] : memref<12288xi32, #tpu.memory_space<hbm>> -> memref<384xi32, #tpu.memory_space<hbm>>
      tpu.wait_dma2 semaphore(%run_scoped3A : memref<!tpu.dma_semaphore, #tpu.memory_space<semaphore_mem>>) src(%dma_wait3A_16 : memref<384xi32, #tpu.memory_space<hbm>>) dst(%arg7 : memref<384xi32, #tpu.memory_space<vmem>>)
      tpu.yield
    }) : () -> ()
    %dma_start3A = arith.constant 0 : i32
    %dma_start3A_3 = arith.constant 0 : i32
    %dma_start3A_4 = tpu.memref_slice %arg2[%dma_start3A, %dma_start3A_3] : memref<10000x16xf32, #tpu.memory_space<hbm>> -> memref<10000x16xf32, #tpu.memory_space<hbm>>
    tpu.enqueue_indirect_dma source(%dma_start3A_4 : memref<10000x16xf32, #tpu.memory_space<hbm>>) target(%arg8 : memref<384x16xf32, #tpu.memory_space<vmem>>) offsets(%arg7 : memref<384xi32, #tpu.memory_space<vmem>>) semaphore(%arg10 : memref<!tpu.dma_semaphore, #tpu.memory_space<semaphore_mem>>)
    %dma_wait3A = arith.constant 0 : i32
    %dma_wait3A_5 = arith.constant 0 : i32
    %dma_wait3A_6 = tpu.memref_slice %arg2[%dma_wait3A, %dma_wait3A_5] : memref<10000x16xf32, #tpu.memory_space<hbm>> -> memref<10000x16xf32, #tpu.memory_space<hbm>>
    tpu.wait_indirect_dma semaphore(%arg10 : memref<!tpu.dma_semaphore, #tpu.memory_space<semaphore_mem>>) src(%dma_wait3A_6 : memref<10000x16xf32, #tpu.memory_space<hbm>>) dst(%arg8 : memref<384x16xf32, #tpu.memory_space<vmem>>)
    %dma_start3A_7 = arith.constant 0 : i32
    %dma_start3A_8 = arith.constant 0 : i32
    %dma_start3A_9 = tpu.memref_slice %arg3[%dma_start3A_7, %dma_start3A_8] : memref<10000x16xf32, #tpu.memory_space<hbm>> -> memref<10000x16xf32, #tpu.memory_space<hbm>>
    tpu.enqueue_indirect_dma source(%dma_start3A_9 : memref<10000x16xf32, #tpu.memory_space<hbm>>) target(%arg9 : memref<384x16xf32, #tpu.memory_space<vmem>>) offsets(%arg7 : memref<384xi32, #tpu.memory_space<vmem>>) semaphore(%arg10 : memref<!tpu.dma_semaphore, #tpu.memory_space<semaphore_mem>>)
    %dma_wait3A_10 = arith.constant 0 : i32
    %dma_wait3A_11 = arith.constant 0 : i32
    %dma_wait3A_12 = tpu.memref_slice %arg3[%dma_wait3A_10, %dma_wait3A_11] : memref<10000x16xf32, #tpu.memory_space<hbm>> -> memref<10000x16xf32, #tpu.memory_space<hbm>>
    tpu.wait_indirect_dma semaphore(%arg10 : memref<!tpu.dma_semaphore, #tpu.memory_space<semaphore_mem>>) src(%dma_wait3A_12 : memref<10000x16xf32, #tpu.memory_space<hbm>>) dst(%arg9 : memref<384x16xf32, #tpu.memory_space<vmem>>)
    "tpu.region"() ({
      %run_scoped3A = tpu.sem_alloc : memref<!tpu.dma_semaphore, #tpu.memory_space<semaphore_mem>>
      %dma_start3A_13 = arith.constant 0 : i32
      %dma_start3A_14 = tpu.memref_slice %arg5[%mul3A_2, %dma_start3A_13] : memref<12288x16xf32, #tpu.memory_space<hbm>> -> memref<384x16xf32, #tpu.memory_space<hbm>>
      %dma_start3A_15 = arith.constant 0 : i32
      %dma_start3A_16 = tpu.memref_slice %arg5[%mul3A_2, %dma_start3A_15] : memref<12288x16xf32, #tpu.memory_space<hbm>> -> memref<384x16xf32, #tpu.memory_space<hbm>>
      tpu.enqueue_dma source(%arg8 : memref<384x16xf32, #tpu.memory_space<vmem>>) target(%dma_start3A_16 : memref<384x16xf32, #tpu.memory_space<hbm>>) target_semaphore(%run_scoped3A : memref<!tpu.dma_semaphore, #tpu.memory_space<semaphore_mem>>)
      %dma_wait3A_17 = arith.constant 0 : i32
      %dma_wait3A_18 = tpu.memref_slice %arg5[%mul3A_2, %dma_wait3A_17] : memref<12288x16xf32, #tpu.memory_space<hbm>> -> memref<384x16xf32, #tpu.memory_space<hbm>>
      %dma_wait3A_19 = arith.constant 0 : i32
      %dma_wait3A_20 = tpu.memref_slice %arg5[%mul3A_2, %dma_wait3A_19] : memref<12288x16xf32, #tpu.memory_space<hbm>> -> memref<384x16xf32, #tpu.memory_space<hbm>>
      tpu.wait_dma2 semaphore(%run_scoped3A : memref<!tpu.dma_semaphore, #tpu.memory_space<semaphore_mem>>) src(%arg8 : memref<384x16xf32, #tpu.memory_space<vmem>>) dst(%dma_wait3A_20 : memref<384x16xf32, #tpu.memory_space<hbm>>)
      tpu.yield
    }) : () -> ()
    "tpu.region"() ({
      %run_scoped3A = tpu.sem_alloc : memref<!tpu.dma_semaphore, #tpu.memory_space<semaphore_mem>>
      %dma_start3A_13 = arith.constant 0 : i32
      %dma_start3A_14 = tpu.memref_slice %arg6[%mul3A_2, %dma_start3A_13] : memref<12288x16xf32, #tpu.memory_space<hbm>> -> memref<384x16xf32, #tpu.memory_space<hbm>>
      %dma_start3A_15 = arith.constant 0 : i32
      %dma_start3A_16 = tpu.memref_slice %arg6[%mul3A_2, %dma_start3A_15] : memref<12288x16xf32, #tpu.memory_space<hbm>> -> memref<384x16xf32, #tpu.memory_space<hbm>>
      tpu.enqueue_dma source(%arg9 : memref<384x16xf32, #tpu.memory_space<vmem>>) target(%dma_start3A_16 : memref<384x16xf32, #tpu.memory_space<hbm>>) target_semaphore(%run_scoped3A : memref<!tpu.dma_semaphore, #tpu.memory_space<semaphore_mem>>)
      %dma_wait3A_17 = arith.constant 0 : i32
      %dma_wait3A_18 = tpu.memref_slice %arg6[%mul3A_2, %dma_wait3A_17] : memref<12288x16xf32, #tpu.memory_space<hbm>> -> memref<384x16xf32, #tpu.memory_space<hbm>>
      %dma_wait3A_19 = arith.constant 0 : i32
      %dma_wait3A_20 = tpu.memref_slice %arg6[%mul3A_2, %dma_wait3A_19] : memref<12288x16xf32, #tpu.memory_space<hbm>> -> memref<384x16xf32, #tpu.memory_space<hbm>>
      tpu.wait_dma2 semaphore(%run_scoped3A : memref<!tpu.dma_semaphore, #tpu.memory_space<semaphore_mem>>) src(%arg9 : memref<384x16xf32, #tpu.memory_space<vmem>>) dst(%dma_wait3A_20 : memref<384x16xf32, #tpu.memory_space<hbm>>)
      tpu.yield
    }) : () -> ()
    return
  }
}

module attributes {stable_mosaic.version = 14 : i64} {
  func.func @_centers_body(%arg0: i32, %arg1: memref<1024x16xf32, #tpu.memory_space<vmem>>, %arg2: memref<1024x16xf32, #tpu.memory_space<vmem>>, %arg3: memref<1024x16xf32, #tpu.memory_space<vmem>>, %arg4: memref<1024x4xf32, #tpu.memory_space<vmem>>, %arg5: memref<1024x16xbf16, #tpu.memory_space<vmem>>) attributes {dimension_semantics = [#tpu.dimension_semantics<arbitrary>], iteration_bounds = array<i64: 20>, scalar_prefetch = 0 : i64, scratch_operands = 0 : i64, tpu.core_type = #tpu.core_type<tc>, window_params = [{transform_indices = @transform_0, window_bounds = array<i64: 1024, 16>}, {transform_indices = @transform_1, window_bounds = array<i64: 1024, 16>}, {transform_indices = @transform_2, window_bounds = array<i64: 1024, 16>}, {transform_indices = @transform_3, window_bounds = array<i64: 1024, 4>}, {transform_indices = @transform_4, window_bounds = array<i64: 1024, 16>}]} {
    %get3A = arith.constant 0 : index
    %get3A_0 = arith.constant 0 : index
    %get3A_1 = vector.load %arg1[%get3A, %get3A_0] : memref<1024x16xf32, #tpu.memory_space<vmem>>, vector<1024x16xf32>
    %get3A_2 = arith.constant 0 : index
    %get3A_3 = arith.constant 0 : index
    %get3A_4 = vector.load %arg2[%get3A_2, %get3A_3] : memref<1024x16xf32, #tpu.memory_space<vmem>>, vector<1024x16xf32>
    %get3A_5 = arith.constant 0 : index
    %get3A_6 = arith.constant 0 : index
    %get3A_7 = vector.load %arg3[%get3A_5, %get3A_6] : memref<1024x16xf32, #tpu.memory_space<vmem>>, vector<1024x16xf32>
    %slice3A = vector.extract_strided_slice %get3A_1 {offsets = [0, 0], sizes = [1024, 1], strides = [1, 1]} : vector<1024x16xf32> to vector<1024x1xf32>
    %slice3A_8 = vector.extract_strided_slice %get3A_4 {offsets = [0, 0], sizes = [1024, 1], strides = [1, 1]} : vector<1024x16xf32> to vector<1024x1xf32>
    %slice3A_9 = vector.extract_strided_slice %get3A_7 {offsets = [0, 0], sizes = [1024, 1], strides = [1, 1]} : vector<1024x16xf32> to vector<1024x1xf32>
    %add3A = arith.addf %slice3A, %slice3A_8 : vector<1024x1xf32>
    %add3A_10 = arith.addf %add3A, %slice3A_9 : vector<1024x1xf32>
    %div3A = arith.constant 3.000000e+00 : f32
    %div3A_11 = vector.broadcast %div3A : f32 to vector<1024x1xf32>
    %div3A_12 = arith.divf %add3A_10, %div3A_11 : vector<1024x1xf32>
    %slice3A_13 = vector.extract_strided_slice %get3A_1 {offsets = [0, 1], sizes = [1024, 1], strides = [1, 1]} : vector<1024x16xf32> to vector<1024x1xf32>
    %slice3A_14 = vector.extract_strided_slice %get3A_4 {offsets = [0, 1], sizes = [1024, 1], strides = [1, 1]} : vector<1024x16xf32> to vector<1024x1xf32>
    %slice3A_15 = vector.extract_strided_slice %get3A_7 {offsets = [0, 1], sizes = [1024, 1], strides = [1, 1]} : vector<1024x16xf32> to vector<1024x1xf32>
    %add3A_16 = arith.addf %slice3A_13, %slice3A_14 : vector<1024x1xf32>
    %add3A_17 = arith.addf %add3A_16, %slice3A_15 : vector<1024x1xf32>
    %div3A_18 = arith.constant 3.000000e+00 : f32
    %div3A_19 = vector.broadcast %div3A_18 : f32 to vector<1024x1xf32>
    %div3A_20 = arith.divf %add3A_17, %div3A_19 : vector<1024x1xf32>
    %slice3A_21 = vector.extract_strided_slice %get3A_1 {offsets = [0, 2], sizes = [1024, 1], strides = [1, 1]} : vector<1024x16xf32> to vector<1024x1xf32>
    %slice3A_22 = vector.extract_strided_slice %get3A_4 {offsets = [0, 2], sizes = [1024, 1], strides = [1, 1]} : vector<1024x16xf32> to vector<1024x1xf32>
    %slice3A_23 = vector.extract_strided_slice %get3A_7 {offsets = [0, 2], sizes = [1024, 1], strides = [1, 1]} : vector<1024x16xf32> to vector<1024x1xf32>
    %add3A_24 = arith.addf %slice3A_21, %slice3A_22 : vector<1024x1xf32>
    %add3A_25 = arith.addf %add3A_24, %slice3A_23 : vector<1024x1xf32>
    %div3A_26 = arith.constant 3.000000e+00 : f32
    %div3A_27 = vector.broadcast %div3A_26 : f32 to vector<1024x1xf32>
    %div3A_28 = arith.divf %add3A_25, %div3A_27 : vector<1024x1xf32>
    %mul3A = arith.mulf %div3A_12, %div3A_12 : vector<1024x1xf32>
    %mul3A_29 = arith.mulf %div3A_20, %div3A_20 : vector<1024x1xf32>
    %mul3A_30 = arith.mulf %div3A_28, %div3A_28 : vector<1024x1xf32>
    %add3A_31 = arith.addf %mul3A, %mul3A_30 : vector<1024x1xf32>
    %add3A_32 = arith.addf %add3A_31, %mul3A_29 : vector<1024x1xf32>
    %iota3A = tpu.iota {dimensions = array<i32: 0>} : vector<1024x1xi32>
    %mul3A_33 = arith.constant 1024 : i32
    %mul3A_34 = arith.muli %arg0, %mul3A_33 : i32
    %add3A_35 = vector.broadcast %mul3A_34 : i32 to vector<1024x1xi32>
    %add3A_36 = arith.addi %iota3A, %add3A_35 : vector<1024x1xi32>
    %ge3A = arith.constant 20000 : i32
    %ge3A_37 = vector.broadcast %ge3A : i32 to vector<1024x1xi32>
    %ge3A_38 = arith.cmpi sge, %add3A_36, %ge3A_37 : vector<1024x1xi32>
    %jit3A = arith.constant 1.000000e+30 : f32
    %broadcast_in_dim3A = vector.broadcast %jit3A : f32 to vector<1024x1xf32>
    %select_n3A = arith.select %ge3A_38, %broadcast_in_dim3A, %add3A_32 : vector<1024x1xi1>, vector<1024x1xf32>
    %concatenate3A = tpu.concatenate %div3A_12, %div3A_20, %div3A_28, %select_n3A in 1 : vector<1024x1xf32>, vector<1024x1xf32>, vector<1024x1xf32>, vector<1024x1xf32> -> vector<1024x4xf32>
    %swap3A = arith.constant 0 : index
    %swap3A_39 = arith.constant 0 : index
    %swap3A_40 = vector.load %arg4[%swap3A, %swap3A_39] : memref<1024x4xf32, #tpu.memory_space<vmem>>, vector<1024x4xf32>
    tpu.vector_store %arg4[%swap3A, %swap3A_39], %concatenate3A {strides = array<i32>} : memref<1024x4xf32, #tpu.memory_space<vmem>>, vector<1024x4xf32>,
    %mul3A_41 = arith.constant 2.000000e+00 : f32
    %mul3A_42 = vector.broadcast %mul3A_41 : f32 to vector<1024x1xf32>
    %mul3A_43 = arith.mulf %div3A_12, %mul3A_42 : vector<1024x1xf32>
    %convert_element_type3A = arith.truncf %mul3A_43 : vector<1024x1xf32> to vector<1024x1xbf16>
    %mul3A_44 = arith.constant 2.000000e+00 : f32
    %mul3A_45 = vector.broadcast %mul3A_44 : f32 to vector<1024x1xf32>
    %mul3A_46 = arith.mulf %div3A_20, %mul3A_45 : vector<1024x1xf32>
    %convert_element_type3A_47 = arith.truncf %mul3A_46 : vector<1024x1xf32> to vector<1024x1xbf16>
    %mul3A_48 = arith.constant 2.000000e+00 : f32
    %mul3A_49 = vector.broadcast %mul3A_48 : f32 to vector<1024x1xf32>
    %mul3A_50 = arith.mulf %div3A_28, %mul3A_49 : vector<1024x1xf32>
    %convert_element_type3A_51 = arith.truncf %mul3A_50 : vector<1024x1xf32> to vector<1024x1xbf16>
    %broadcast_in_dim3A_52 = arith.constant 0.000000e+00 : bf16
    %broadcast_in_dim3A_53 = vector.broadcast %broadcast_in_dim3A_52 : bf16 to vector<1024x13xbf16>
    %concatenate3A_54 = tpu.concatenate %convert_element_type3A, %convert_element_type3A_47, %convert_element_type3A_51, %broadcast_in_dim3A_53 in 1 : vector<1024x1xbf16>, vector<1024x1xbf16>, vector<1024x1xbf16>, vector<1024x13xbf16> -> vector<1024x16xbf16>
    %swap3A_55 = arith.constant 0 : index
    %swap3A_56 = arith.constant 0 : index
    %swap3A_57 = vector.load %arg5[%swap3A_55, %swap3A_56] : memref<1024x16xbf16, #tpu.memory_space<vmem>>, vector<1024x16xbf16>
    tpu.vector_store %arg5[%swap3A_55, %swap3A_56], %concatenate3A_54 {strides = array<i32>} : memref<1024x16xbf16, #tpu.memory_space<vmem>>, vector<1024x16xbf16>,
    return
  }
  func.func @transform_0(%arg0: i32) -> (i32, i32) {
    %c0_i32 = arith.constant 0 : i32
    %c0_i32_0 = arith.constant 0 : i32
    return %arg0, %c0_i32 : i32, i32
  }
  func.func @transform_1(%arg0: i32) -> (i32, i32) {
    %add3A = arith.constant 20 : i32
    %add3A_0 = arith.addi %arg0, %add3A : i32
    %c0_i32 = arith.constant 0 : i32
    %c0_i32_1 = arith.constant 0 : i32
    return %add3A_0, %c0_i32 : i32, i32
  }
  func.func @transform_2(%arg0: i32) -> (i32, i32) {
    %add3A = arith.constant 40 : i32
    %add3A_0 = arith.addi %arg0, %add3A : i32
    %c0_i32 = arith.constant 0 : i32
    %c0_i32_1 = arith.constant 0 : i32
    return %add3A_0, %c0_i32 : i32, i32
  }
  func.func @transform_3(%arg0: i32) -> (i32, i32) {
    %c0_i32 = arith.constant 0 : i32
    %c0_i32_0 = arith.constant 0 : i32
    return %arg0, %c0_i32 : i32, i32
  }
  func.func @transform_4(%arg0: i32) -> (i32, i32) {
    %c0_i32 = arith.constant 0 : i32
    %c0_i32_0 = arith.constant 0 : i32
    return %arg0, %c0_i32 : i32, i32
  }
}

module attributes {stable_mosaic.version = 14 : i64} {
  func.func @_argmin_body(%arg0: i32, %arg1: memref<20480x4xf32, #tpu.memory_space<vmem>>, %arg2: memref<20480x16xbf16, #tpu.memory_space<vmem>>, %arg3: memref<3x4096xf32, #tpu.memory_space<vmem>>, %arg4: memref<16x4096xbf16, #tpu.memory_space<vmem>>, %arg5: memref<1x4096xi32, #tpu.memory_space<vmem>>, %arg6: memref<1x4096xf32, #tpu.memory_space<vmem>>, %arg7: memref<1x4096xi32, #tpu.memory_space<vmem>>) attributes {dimension_semantics = [#tpu.dimension_semantics<arbitrary>], iteration_bounds = array<i64: 1>, scalar_prefetch = 0 : i64, scratch_operands = 0 : i64, tpu.core_type = #tpu.core_type<tc>, window_params = [{pipeline_mode = #tpu.pipeline_mode<synchronous>, transform_indices = @transform_0, window_bounds = array<i64: 20480, 4>}, {pipeline_mode = #tpu.pipeline_mode<synchronous>, transform_indices = @transform_1, window_bounds = array<i64: 20480, 16>}, {transform_indices = @transform_2, window_bounds = array<i64: 3, 4096>}, {transform_indices = @transform_3, window_bounds = array<i64: 16, 4096>}, {transform_indices = @transform_4, window_bounds = array<i64: 1, 4096>}, {transform_indices = @transform_5, window_bounds = array<i64: 1, 4096>}, {transform_indices = @transform_6, window_bounds = array<i64: 1, 4096>}]} {
    %get3A = arith.constant 0 : index
    %get3A_0 = arith.constant 0 : index
    %get3A_1 = vector.load %arg3[%get3A, %get3A_0] : memref<3x4096xf32, #tpu.memory_space<vmem>>, vector<3x4096xf32>
    %slice3A = vector.extract_strided_slice %get3A_1 {offsets = [0, 0], sizes = [1, 4096], strides = [1, 1]} : vector<3x4096xf32> to vector<1x4096xf32>
    %slice3A_2 = vector.extract_strided_slice %get3A_1 {offsets = [1, 0], sizes = [1, 4096], strides = [1, 1]} : vector<3x4096xf32> to vector<1x4096xf32>
    %slice3A_3 = vector.extract_strided_slice %get3A_1 {offsets = [2, 0], sizes = [1, 4096], strides = [1, 1]} : vector<3x4096xf32> to vector<1x4096xf32>
    %mul3A = arith.mulf %slice3A, %slice3A : vector<1x4096xf32>
    %mul3A_4 = arith.mulf %slice3A_2, %slice3A_2 : vector<1x4096xf32>
    %mul3A_5 = arith.mulf %slice3A_3, %slice3A_3 : vector<1x4096xf32>
    %add3A = arith.addf %mul3A, %mul3A_5 : vector<1x4096xf32>
    %add3A_6 = arith.addf %add3A, %mul3A_4 : vector<1x4096xf32>
    %get3A_7 = arith.constant 0 : index
    %get3A_8 = arith.constant 0 : index
    %get3A_9 = vector.load %arg4[%get3A_7, %get3A_8] : memref<16x4096xbf16, #tpu.memory_space<vmem>>, vector<16x4096xbf16>
    %iota3A = tpu.iota {dimensions = array<i32: 0>} : vector<512x4096xi32>
    %broadcast_in_dim3A = arith.constant 0x7F800000 : f32
    %broadcast_in_dim3A_10 = vector.broadcast %broadcast_in_dim3A : f32 to vector<1x4096xf32>
    %broadcast_in_dim3A_11 = arith.constant 0 : i32
    %broadcast_in_dim3A_12 = vector.broadcast %broadcast_in_dim3A_11 : i32 to vector<1x4096xi32>
    %scan3A = arith.constant 0 : i32
    %scan3A_13 = arith.constant 40 : i32
    %scan3A_14 = arith.addi %scan3A, %scan3A_13 : i32
    %scan3A_15 = arith.constant 1 : i32
    %scan3A_16:2 = scf.for %scan3A_28 = %scan3A to %scan3A_14 step %scan3A_15 iter_args(%scan3A_29 = %broadcast_in_dim3A_10, %scan3A_30 = %broadcast_in_dim3A_12) -> (vector<1x4096xf32>, vector<1x4096xi32>)  : i32 {
      %mul3A_31 = arith.constant 512 : i32
      %mul3A_32 = arith.muli %scan3A_28, %mul3A_31 : i32
      %get3A_33 = arith.index_cast %mul3A_32 : i32 to index
      %get3A_34 = arith.constant 3 : index
      %get3A_35 = vector.load %arg1[%get3A_33, %get3A_34] : memref<20480x4xf32, #tpu.memory_space<vmem>>, vector<512x1xf32>
      %mul3A_36 = arith.constant 512 : i32
      %mul3A_37 = arith.muli %scan3A_28, %mul3A_36 : i32
      %get3A_38 = arith.index_cast %mul3A_37 : i32 to index
      %get3A_39 = arith.constant 0 : index
      %get3A_40 = vector.load %arg2[%get3A_38, %get3A_39] : memref<20480x16xbf16, #tpu.memory_space<vmem>>, vector<512x16xbf16>
      %dot_general3A = arith.constant dense<0.000000e+00> : vector<512x4096xf32>
      %dot_general3A_41 = tpu.matmul %get3A_40, %get3A_9, %dot_general3A {dimension_numbers = #tpu.dot_dimension_numbers<[1], [0], [0], [1], [0, 0, 1, 1], [], []>, transpose_lhs_hint = false} : vector<512x16xbf16>, vector<16x4096xbf16>, vector<512x4096xf32> -> vector<512x4096xf32>
      %add3A_42 = vector.broadcast %add3A_6 : vector<1x4096xf32> to vector<512x4096xf32>
      %add3A_43 = vector.broadcast %get3A_35 : vector<512x1xf32> to vector<512x4096xf32>
      %add3A_44 = arith.addf %add3A_42, %add3A_43 : vector<512x4096xf32>
      %sub3A = arith.subf %add3A_44, %dot_general3A_41 : vector<512x4096xf32>
      %reduce_min3A = arith.constant dense<0x7F800000> : vector<4096xf32>
      %reduce_min3A_45 = vector.multi_reduction <minimumf>, %sub3A, %reduce_min3A [0] : vector<512x4096xf32> to vector<4096xf32>
      %broadcast_in_dim3A_46 = vector.shape_cast %reduce_min3A_45 : vector<4096xf32> to vector<1x4096xf32>
      %eq3A = vector.broadcast %broadcast_in_dim3A_46 : vector<1x4096xf32> to vector<512x4096xf32>
      %eq3A_47 = arith.cmpf oeq, %sub3A, %eq3A : vector<512x4096xf32>
      %jit3A = arith.constant 1073741824 : i32
      %broadcast_in_dim3A_48 = vector.broadcast %jit3A : i32 to vector<512x4096xi32>
      %select_n3A = arith.select %eq3A_47, %iota3A, %broadcast_in_dim3A_48 : vector<512x4096xi1>, vector<512x4096xi32>
      %reduce_min3A_49 = arith.constant dense<2147483647> : vector<4096xi32>
      %reduce_min3A_50 = vector.multi_reduction <minsi>, %select_n3A, %reduce_min3A_49 [0] : vector<512x4096xi32> to vector<4096xi32>
      %broadcast_in_dim3A_51 = vector.shape_cast %reduce_min3A_50 : vector<4096xi32> to vector<1x4096xi32>
      %mul3A_52 = arith.constant 512 : i32
      %mul3A_53 = arith.muli %scan3A_28, %mul3A_52 : i32
      %add3A_54 = vector.broadcast %mul3A_53 : i32 to vector<1x4096xi32>
      %add3A_55 = arith.addi %broadcast_in_dim3A_51, %add3A_54 : vector<1x4096xi32>
      %lt3A = arith.cmpf olt, %broadcast_in_dim3A_46, %scan3A_29 : vector<1x4096xf32>
      %select_n3A_56 = arith.select %lt3A, %broadcast_in_dim3A_46, %scan3A_29 : vector<1x4096xi1>, vector<1x4096xf32>
      %select_n3A_57 = arith.select %lt3A, %add3A_55, %scan3A_30 : vector<1x4096xi1>, vector<1x4096xi32>
      scf.yield %select_n3A_56, %select_n3A_57 : vector<1x4096xf32>, vector<1x4096xi32>
    }
    %scan3A_17 = arith.constant 40 : i32
    %swap3A = arith.constant 0 : index
    %swap3A_18 = arith.constant 0 : index
    %swap3A_19 = vector.load %arg5[%swap3A, %swap3A_18] : memref<1x4096xi32, #tpu.memory_space<vmem>>, vector<1x4096xi32>
    tpu.vector_store %arg5[%swap3A, %swap3A_18], %scan3A_16#1 {strides = array<i32>} : memref<1x4096xi32, #tpu.memory_space<vmem>>, vector<1x4096xi32>,
    %swap3A_20 = arith.constant 0 : index
    %swap3A_21 = arith.constant 0 : index
    %swap3A_22 = vector.load %arg6[%swap3A_20, %swap3A_21] : memref<1x4096xf32, #tpu.memory_space<vmem>>, vector<1x4096xf32>
    tpu.vector_store %arg6[%swap3A_20, %swap3A_21], %scan3A_16#0 {strides = array<i32>} : memref<1x4096xf32, #tpu.memory_space<vmem>>, vector<1x4096xf32>,
    %gt3A = arith.constant 1.000000e-01 : f32
    %gt3A_23 = vector.broadcast %gt3A : f32 to vector<1x4096xf32>
    %gt3A_24 = arith.cmpf ogt, %scan3A_16#0, %gt3A_23 : vector<1x4096xf32>
    %convert_element_type3A = arith.extui %gt3A_24 : vector<1x4096xi1> to vector<1x4096xi32>
    %swap3A_25 = arith.constant 0 : index
    %swap3A_26 = arith.constant 0 : index
    %swap3A_27 = vector.load %arg7[%swap3A_25, %swap3A_26] : memref<1x4096xi32, #tpu.memory_space<vmem>>, vector<1x4096xi32>
    tpu.vector_store %arg7[%swap3A_25, %swap3A_26], %convert_element_type3A {strides = array<i32>} : memref<1x4096xi32, #tpu.memory_space<vmem>>, vector<1x4096xi32>,
    return
  }
  func.func @transform_0(%arg0: i32) -> (i32, i32) {
    %c0_i32 = arith.constant 0 : i32
    %c0_i32_0 = arith.constant 0 : i32
    %c0_i32_1 = arith.constant 0 : i32
    return %c0_i32, %c0_i32_0 : i32, i32
  }
  func.func @transform_1(%arg0: i32) -> (i32, i32) {
    %c0_i32 = arith.constant 0 : i32
    %c0_i32_0 = arith.constant 0 : i32
    %c0_i32_1 = arith.constant 0 : i32
    return %c0_i32, %c0_i32_0 : i32, i32
  }
  func.func @transform_2(%arg0: i32) -> (i32, i32) {
    %c0_i32 = arith.constant 0 : i32
    %c0_i32_0 = arith.constant 0 : i32
    return %c0_i32, %arg0 : i32, i32
  }
  func.func @transform_3(%arg0: i32) -> (i32, i32) {
    %c0_i32 = arith.constant 0 : i32
    %c0_i32_0 = arith.constant 0 : i32
    return %c0_i32, %arg0 : i32, i32
  }
  func.func @transform_4(%arg0: i32) -> (i32, i32) {
    %c0_i32 = arith.constant 0 : i32
    %c0_i32_0 = arith.constant 0 : i32
    return %c0_i32, %arg0 : i32, i32
  }
  func.func @transform_5(%arg0: i32) -> (i32, i32) {
    %c0_i32 = arith.constant 0 : i32
    %c0_i32_0 = arith.constant 0 : i32
    return %c0_i32, %arg0 : i32, i32
  }
  func.func @transform_6(%arg0: i32) -> (i32, i32) {
    %c0_i32 = arith.constant 0 : i32
    %c0_i32_0 = arith.constant 0 : i32
    return %c0_i32, %arg0 : i32, i32
  }
}

module attributes {stable_mosaic.version = 14 : i64} {
  func.func @_solver_body(%arg0: i32, %arg1: memref<9x512xf32, #tpu.memory_space<vmem>>, %arg2: memref<9x512xf32, #tpu.memory_space<vmem>>, %arg3: memref<3x512xf32, #tpu.memory_space<vmem>>, %arg4: memref<3x512xf32, #tpu.memory_space<vmem>>, %arg5: memref<1x512xf32, #tpu.memory_space<vmem>>, %arg6: memref<2x512xf32, #tpu.memory_space<vmem>>) attributes {dimension_semantics = [#tpu.dimension_semantics<arbitrary>], iteration_bounds = array<i64: 8>, scalar_prefetch = 0 : i64, scratch_operands = 0 : i64, tpu.core_type = #tpu.core_type<tc>, window_params = [{transform_indices = @transform_0, window_bounds = array<i64: 9, 512>}, {transform_indices = @transform_1, window_bounds = array<i64: 9, 512>}, {transform_indices = @transform_2, window_bounds = array<i64: 3, 512>}, {transform_indices = @transform_3, window_bounds = array<i64: 3, 512>}, {transform_indices = @transform_4, window_bounds = array<i64: 1, 512>}, {transform_indices = @transform_5, window_bounds = array<i64: 2, 512>}]} {
    %get3A = arith.constant 0 : index
    %get3A_0 = arith.constant 0 : index
    %get3A_1 = vector.load %arg1[%get3A, %get3A_0] : memref<9x512xf32, #tpu.memory_space<vmem>>, vector<1x512xf32>
    %get3A_2 = arith.constant 1 : index
    %get3A_3 = arith.constant 0 : index
    %get3A_4 = vector.load %arg1[%get3A_2, %get3A_3] : memref<9x512xf32, #tpu.memory_space<vmem>>, vector<1x512xf32>
    %get3A_5 = arith.constant 2 : index
    %get3A_6 = arith.constant 0 : index
    %get3A_7 = vector.load %arg1[%get3A_5, %get3A_6] : memref<9x512xf32, #tpu.memory_space<vmem>>, vector<1x512xf32>
    %get3A_8 = arith.constant 3 : index
    %get3A_9 = arith.constant 0 : index
    %get3A_10 = vector.load %arg1[%get3A_8, %get3A_9] : memref<9x512xf32, #tpu.memory_space<vmem>>, vector<1x512xf32>
    %get3A_11 = arith.constant 4 : index
    %get3A_12 = arith.constant 0 : index
    %get3A_13 = vector.load %arg1[%get3A_11, %get3A_12] : memref<9x512xf32, #tpu.memory_space<vmem>>, vector<1x512xf32>
    %get3A_14 = arith.constant 5 : index
    %get3A_15 = arith.constant 0 : index
    %get3A_16 = vector.load %arg1[%get3A_14, %get3A_15] : memref<9x512xf32, #tpu.memory_space<vmem>>, vector<1x512xf32>
    %get3A_17 = arith.constant 6 : index
    %get3A_18 = arith.constant 0 : index
    %get3A_19 = vector.load %arg1[%get3A_17, %get3A_18] : memref<9x512xf32, #tpu.memory_space<vmem>>, vector<1x512xf32>
    %get3A_20 = arith.constant 7 : index
    %get3A_21 = arith.constant 0 : index
    %get3A_22 = vector.load %arg1[%get3A_20, %get3A_21] : memref<9x512xf32, #tpu.memory_space<vmem>>, vector<1x512xf32>
    %get3A_23 = arith.constant 8 : index
    %get3A_24 = arith.constant 0 : index
    %get3A_25 = vector.load %arg1[%get3A_23, %get3A_24] : memref<9x512xf32, #tpu.memory_space<vmem>>, vector<1x512xf32>
    %get3A_26 = arith.constant 0 : index
    %get3A_27 = arith.constant 0 : index
    %get3A_28 = vector.load %arg2[%get3A_26, %get3A_27] : memref<9x512xf32, #tpu.memory_space<vmem>>, vector<1x512xf32>
    %get3A_29 = arith.constant 1 : index
    %get3A_30 = arith.constant 0 : index
    %get3A_31 = vector.load %arg2[%get3A_29, %get3A_30] : memref<9x512xf32, #tpu.memory_space<vmem>>, vector<1x512xf32>
    %get3A_32 = arith.constant 2 : index
    %get3A_33 = arith.constant 0 : index
    %get3A_34 = vector.load %arg2[%get3A_32, %get3A_33] : memref<9x512xf32, #tpu.memory_space<vmem>>, vector<1x512xf32>
    %get3A_35 = arith.constant 3 : index
    %get3A_36 = arith.constant 0 : index
    %get3A_37 = vector.load %arg2[%get3A_35, %get3A_36] : memref<9x512xf32, #tpu.memory_space<vmem>>, vector<1x512xf32>
    %get3A_38 = arith.constant 4 : index
    %get3A_39 = arith.constant 0 : index
    %get3A_40 = vector.load %arg2[%get3A_38, %get3A_39] : memref<9x512xf32, #tpu.memory_space<vmem>>, vector<1x512xf32>
    %get3A_41 = arith.constant 5 : index
    %get3A_42 = arith.constant 0 : index
    %get3A_43 = vector.load %arg2[%get3A_41, %get3A_42] : memref<9x512xf32, #tpu.memory_space<vmem>>, vector<1x512xf32>
    %get3A_44 = arith.constant 6 : index
    %get3A_45 = arith.constant 0 : index
    %get3A_46 = vector.load %arg2[%get3A_44, %get3A_45] : memref<9x512xf32, #tpu.memory_space<vmem>>, vector<1x512xf32>
    %get3A_47 = arith.constant 7 : index
    %get3A_48 = arith.constant 0 : index
    %get3A_49 = vector.load %arg2[%get3A_47, %get3A_48] : memref<9x512xf32, #tpu.memory_space<vmem>>, vector<1x512xf32>
    %get3A_50 = arith.constant 8 : index
    %get3A_51 = arith.constant 0 : index
    %get3A_52 = vector.load %arg2[%get3A_50, %get3A_51] : memref<9x512xf32, #tpu.memory_space<vmem>>, vector<1x512xf32>
    %get3A_53 = arith.constant 0 : index
    %get3A_54 = arith.constant 0 : index
    %get3A_55 = vector.load %arg3[%get3A_53, %get3A_54] : memref<3x512xf32, #tpu.memory_space<vmem>>, vector<1x512xf32>
    %get3A_56 = arith.constant 1 : index
    %get3A_57 = arith.constant 0 : index
    %get3A_58 = vector.load %arg3[%get3A_56, %get3A_57] : memref<3x512xf32, #tpu.memory_space<vmem>>, vector<1x512xf32>
    %get3A_59 = arith.constant 2 : index
    %get3A_60 = arith.constant 0 : index
    %get3A_61 = vector.load %arg3[%get3A_59, %get3A_60] : memref<3x512xf32, #tpu.memory_space<vmem>>, vector<1x512xf32>
    %get3A_62 = arith.constant 0 : index
    %get3A_63 = arith.constant 0 : index
    %get3A_64 = vector.load %arg4[%get3A_62, %get3A_63] : memref<3x512xf32, #tpu.memory_space<vmem>>, vector<1x512xf32>
    %get3A_65 = arith.constant 1 : index
    %get3A_66 = arith.constant 0 : index
    %get3A_67 = vector.load %arg4[%get3A_65, %get3A_66] : memref<3x512xf32, #tpu.memory_space<vmem>>, vector<1x512xf32>
    %get3A_68 = arith.constant 2 : index
    %get3A_69 = arith.constant 0 : index
    %get3A_70 = vector.load %arg4[%get3A_68, %get3A_69] : memref<3x512xf32, #tpu.memory_space<vmem>>, vector<1x512xf32>
    %mul3A = arith.mulf %get3A_64, %get3A_64 : vector<1x512xf32>
    %mul3A_71 = arith.mulf %get3A_67, %get3A_67 : vector<1x512xf32>
    %add3A = arith.addf %mul3A, %mul3A_71 : vector<1x512xf32>
    %mul3A_72 = arith.mulf %get3A_70, %get3A_70 : vector<1x512xf32>
    %add3A_73 = arith.addf %add3A, %mul3A_72 : vector<1x512xf32>
    %sqrt3A = math.sqrt %add3A_73 : vector<1x512xf32>
    %max3A = arith.constant 9.99999996E-13 : f32
    %max3A_74 = vector.broadcast %max3A : f32 to vector<1x512xf32>
    %max3A_75 = arith.maximumf %sqrt3A, %max3A_74 : vector<1x512xf32>
    %div3A = arith.divf %get3A_64, %max3A_75 : vector<1x512xf32>
    %div3A_76 = arith.divf %get3A_67, %max3A_75 : vector<1x512xf32>
    %div3A_77 = arith.divf %get3A_70, %max3A_75 : vector<1x512xf32>
    %sub3A = arith.subf %get3A_1, %get3A_19 : vector<1x512xf32>
    %sub3A_78 = arith.subf %get3A_4, %get3A_22 : vector<1x512xf32>
    %sub3A_79 = arith.subf %get3A_7, %get3A_25 : vector<1x512xf32>
    %sub3A_80 = arith.subf %get3A_10, %get3A_19 : vector<1x512xf32>
    %sub3A_81 = arith.subf %get3A_13, %get3A_22 : vector<1x512xf32>
    %sub3A_82 = arith.subf %get3A_16, %get3A_25 : vector<1x512xf32>
    %sub3A_83 = arith.subf %get3A_28, %get3A_46 : vector<1x512xf32>
    %sub3A_84 = arith.subf %get3A_31, %get3A_49 : vector<1x512xf32>
    %sub3A_85 = arith.subf %get3A_34, %get3A_52 : vector<1x512xf32>
    %sub3A_86 = arith.subf %get3A_37, %get3A_46 : vector<1x512xf32>
    %sub3A_87 = arith.subf %get3A_40, %get3A_49 : vector<1x512xf32>
    %sub3A_88 = arith.subf %get3A_43, %get3A_52 : vector<1x512xf32>
    %broadcast_in_dim3A = arith.constant 0.333333343 : f32
    %broadcast_in_dim3A_89 = vector.broadcast %broadcast_in_dim3A : f32 to vector<1x512xf32>
    %broadcast_in_dim3A_90 = arith.constant 0.333333343 : f32
    %broadcast_in_dim3A_91 = vector.broadcast %broadcast_in_dim3A_90 : f32 to vector<1x512xf32>
    %broadcast_in_dim3A_92 = arith.constant 0.000000e+00 : f32
    %broadcast_in_dim3A_93 = vector.broadcast %broadcast_in_dim3A_92 : f32 to vector<1x512xf32>
    %broadcast_in_dim3A_94 = arith.constant 0.000000e+00 : f32
    %broadcast_in_dim3A_95 = vector.broadcast %broadcast_in_dim3A_94 : f32 to vector<1x512xf32>
    %broadcast_in_dim3A_96 = arith.constant 0.000000e+00 : f32
    %broadcast_in_dim3A_97 = vector.broadcast %broadcast_in_dim3A_96 : f32 to vector<1x512xf32>
    %broadcast_in_dim3A_98 = arith.constant 0.000000e+00 : f32
    %broadcast_in_dim3A_99 = vector.broadcast %broadcast_in_dim3A_98 : f32 to vector<1x512xf32>
    %add3A_100 = arith.addf %broadcast_in_dim3A_89, %broadcast_in_dim3A_93 : vector<1x512xf32>
    %add3A_101 = arith.addf %broadcast_in_dim3A_91, %broadcast_in_dim3A_95 : vector<1x512xf32>
    %sub3A_102 = arith.constant 1.000000e+00 : f32
    %sub3A_103 = vector.broadcast %sub3A_102 : f32 to vector<1x512xf32>
    %sub3A_104 = arith.subf %sub3A_103, %add3A_100 : vector<1x512xf32>
    %sub3A_105 = arith.subf %sub3A_104, %add3A_101 : vector<1x512xf32>
    %mul3A_106 = arith.mulf %get3A_1, %add3A_100 : vector<1x512xf32>
    %mul3A_107 = arith.mulf %get3A_10, %add3A_101 : vector<1x512xf32>
    %add3A_108 = arith.addf %mul3A_106, %mul3A_107 : vector<1x512xf32>
    %mul3A_109 = arith.mulf %get3A_19, %sub3A_105 : vector<1x512xf32>
    %add3A_110 = arith.addf %add3A_108, %mul3A_109 : vector<1x512xf32>
    %mul3A_111 = arith.mulf %get3A_4, %add3A_100 : vector<1x512xf32>
    %mul3A_112 = arith.mulf %get3A_13, %add3A_101 : vector<1x512xf32>
    %add3A_113 = arith.addf %mul3A_111, %mul3A_112 : vector<1x512xf32>
    %mul3A_114 = arith.mulf %get3A_22, %sub3A_105 : vector<1x512xf32>
    %add3A_115 = arith.addf %add3A_113, %mul3A_114 : vector<1x512xf32>
    %mul3A_116 = arith.mulf %get3A_7, %add3A_100 : vector<1x512xf32>
    %mul3A_117 = arith.mulf %get3A_16, %add3A_101 : vector<1x512xf32>
    %add3A_118 = arith.addf %mul3A_116, %mul3A_117 : vector<1x512xf32>
    %mul3A_119 = arith.mulf %get3A_25, %sub3A_105 : vector<1x512xf32>
    %add3A_120 = arith.addf %add3A_118, %mul3A_119 : vector<1x512xf32>
    %sub3A_121 = arith.subf %add3A_110, %get3A_55 : vector<1x512xf32>
    %sub3A_122 = arith.subf %add3A_115, %get3A_58 : vector<1x512xf32>
    %sub3A_123 = arith.subf %add3A_120, %get3A_61 : vector<1x512xf32>
    %mul3A_124 = arith.mulf %sub3A_121, %sub3A_121 : vector<1x512xf32>
    %mul3A_125 = arith.mulf %sub3A_122, %sub3A_122 : vector<1x512xf32>
    %add3A_126 = arith.addf %mul3A_124, %mul3A_125 : vector<1x512xf32>
    %mul3A_127 = arith.mulf %sub3A_123, %sub3A_123 : vector<1x512xf32>
    %add3A_128 = arith.addf %add3A_126, %mul3A_127 : vector<1x512xf32>
    %sqrt3A_129 = math.sqrt %add3A_128 : vector<1x512xf32>
    %mul3A_130 = arith.mulf %get3A_28, %add3A_100 : vector<1x512xf32>
    %mul3A_131 = arith.mulf %get3A_37, %add3A_101 : vector<1x512xf32>
    %add3A_132 = arith.addf %mul3A_130, %mul3A_131 : vector<1x512xf32>
    %mul3A_133 = arith.mulf %get3A_46, %sub3A_105 : vector<1x512xf32>
    %add3A_134 = arith.addf %add3A_132, %mul3A_133 : vector<1x512xf32>
    %mul3A_135 = arith.mulf %get3A_31, %add3A_100 : vector<1x512xf32>
    %mul3A_136 = arith.mulf %get3A_40, %add3A_101 : vector<1x512xf32>
    %add3A_137 = arith.addf %mul3A_135, %mul3A_136 : vector<1x512xf32>
    %mul3A_138 = arith.mulf %get3A_49, %sub3A_105 : vector<1x512xf32>
    %add3A_139 = arith.addf %add3A_137, %mul3A_138 : vector<1x512xf32>
    %mul3A_140 = arith.mulf %get3A_34, %add3A_100 : vector<1x512xf32>
    %mul3A_141 = arith.mulf %get3A_43, %add3A_101 : vector<1x512xf32>
    %add3A_142 = arith.addf %mul3A_140, %mul3A_141 : vector<1x512xf32>
    %mul3A_143 = arith.mulf %get3A_52, %sub3A_105 : vector<1x512xf32>
    %add3A_144 = arith.addf %add3A_142, %mul3A_143 : vector<1x512xf32>
    %mul3A_145 = arith.mulf %add3A_134, %add3A_134 : vector<1x512xf32>
    %mul3A_146 = arith.mulf %add3A_139, %add3A_139 : vector<1x512xf32>
    %add3A_147 = arith.addf %mul3A_145, %mul3A_146 : vector<1x512xf32>
    %mul3A_148 = arith.mulf %add3A_144, %add3A_144 : vector<1x512xf32>
    %add3A_149 = arith.addf %add3A_147, %mul3A_148 : vector<1x512xf32>
    %sqrt3A_150 = math.sqrt %add3A_149 : vector<1x512xf32>
    %max3A_151 = arith.constant 9.99999996E-13 : f32
    %max3A_152 = vector.broadcast %max3A_151 : f32 to vector<1x512xf32>
    %max3A_153 = arith.maximumf %sqrt3A_150, %max3A_152 : vector<1x512xf32>
    %div3A_154 = arith.divf %add3A_134, %max3A_153 : vector<1x512xf32>
    %div3A_155 = arith.divf %add3A_139, %max3A_153 : vector<1x512xf32>
    %div3A_156 = arith.divf %add3A_144, %max3A_153 : vector<1x512xf32>
    %sub3A_157 = arith.subf %div3A_154, %div3A : vector<1x512xf32>
    %sub3A_158 = arith.subf %div3A_155, %div3A_76 : vector<1x512xf32>
    %sub3A_159 = arith.subf %div3A_156, %div3A_77 : vector<1x512xf32>
    %mul3A_160 = arith.mulf %sub3A_157, %sub3A_157 : vector<1x512xf32>
    %mul3A_161 = arith.mulf %sub3A_158, %sub3A_158 : vector<1x512xf32>
    %add3A_162 = arith.addf %mul3A_160, %mul3A_161 : vector<1x512xf32>
    %mul3A_163 = arith.mulf %sub3A_159, %sub3A_159 : vector<1x512xf32>
    %add3A_164 = arith.addf %add3A_162, %mul3A_163 : vector<1x512xf32>
    %sqrt3A_165 = math.sqrt %add3A_164 : vector<1x512xf32>
    %mul3A_166 = arith.mulf %sub3A_157, %add3A_134 : vector<1x512xf32>
    %mul3A_167 = arith.mulf %sub3A_158, %add3A_139 : vector<1x512xf32>
    %add3A_168 = arith.addf %mul3A_166, %mul3A_167 : vector<1x512xf32>
    %mul3A_169 = arith.mulf %sub3A_159, %add3A_144 : vector<1x512xf32>
    %add3A_170 = arith.addf %add3A_168, %mul3A_169 : vector<1x512xf32>
    %gt3A = arith.constant 9.99999996E-13 : f32
    %gt3A_171 = vector.broadcast %gt3A : f32 to vector<1x512xf32>
    %gt3A_172 = arith.cmpf ogt, %sqrt3A_150, %gt3A_171 : vector<1x512xf32>
    %mul3A_173 = arith.mulf %sqrt3A_150, %max3A_153 : vector<1x512xf32>
    %mul3A_174 = arith.mulf %mul3A_173, %max3A_153 : vector<1x512xf32>
    %div3A_175 = arith.constant 1.000000e+00 : f32
    %div3A_176 = vector.broadcast %div3A_175 : f32 to vector<1x512xf32>
    %div3A_177 = arith.divf %div3A_176, %mul3A_174 : vector<1x512xf32>
    %jit3A = arith.constant 0.000000e+00 : f32
    %broadcast_in_dim3A_178 = vector.broadcast %jit3A : f32 to vector<1x512xf32>
    %select_n3A = arith.select %gt3A_172, %div3A_177, %broadcast_in_dim3A_178 : vector<1x512xi1>, vector<1x512xf32>
    %mul3A_179 = arith.mulf %sub3A_157, %sub3A_83 : vector<1x512xf32>
    %mul3A_180 = arith.mulf %sub3A_158, %sub3A_84 : vector<1x512xf32>
    %add3A_181 = arith.addf %mul3A_179, %mul3A_180 : vector<1x512xf32>
    %mul3A_182 = arith.mulf %sub3A_159, %sub3A_85 : vector<1x512xf32>
    %add3A_183 = arith.addf %add3A_181, %mul3A_182 : vector<1x512xf32>
    %div3A_184 = arith.divf %add3A_183, %max3A_153 : vector<1x512xf32>
    %mul3A_185 = arith.mulf %add3A_134, %sub3A_83 : vector<1x512xf32>
    %mul3A_186 = arith.mulf %add3A_139, %sub3A_84 : vector<1x512xf32>
    %add3A_187 = arith.addf %mul3A_185, %mul3A_186 : vector<1x512xf32>
    %mul3A_188 = arith.mulf %add3A_144, %sub3A_85 : vector<1x512xf32>
    %add3A_189 = arith.addf %add3A_187, %mul3A_188 : vector<1x512xf32>
    %mul3A_190 = arith.mulf %add3A_170, %add3A_189 : vector<1x512xf32>
    %mul3A_191 = arith.mulf %mul3A_190, %select_n3A : vector<1x512xf32>
    %sub3A_192 = arith.subf %div3A_184, %mul3A_191 : vector<1x512xf32>
    %div3A_193 = arith.divf %sub3A_192, %sqrt3A_165 : vector<1x512xf32>
    %mul3A_194 = arith.mulf %sub3A_157, %sub3A_86 : vector<1x512xf32>
    %mul3A_195 = arith.mulf %sub3A_158, %sub3A_87 : vector<1x512xf32>
    %add3A_196 = arith.addf %mul3A_194, %mul3A_195 : vector<1x512xf32>
    %mul3A_197 = arith.mulf %sub3A_159, %sub3A_88 : vector<1x512xf32>
    %add3A_198 = arith.addf %add3A_196, %mul3A_197 : vector<1x512xf32>
    %div3A_199 = arith.divf %add3A_198, %max3A_153 : vector<1x512xf32>
    %mul3A_200 = arith.mulf %add3A_134, %sub3A_86 : vector<1x512xf32>
    %mul3A_201 = arith.mulf %add3A_139, %sub3A_87 : vector<1x512xf32>
    %add3A_202 = arith.addf %mul3A_200, %mul3A_201 : vector<1x512xf32>
    %mul3A_203 = arith.mulf %add3A_144, %sub3A_88 : vector<1x512xf32>
    %add3A_204 = arith.addf %add3A_202, %mul3A_203 : vector<1x512xf32>
    %mul3A_205 = arith.mulf %add3A_170, %add3A_204 : vector<1x512xf32>
    %mul3A_206 = arith.mulf %mul3A_205, %select_n3A : vector<1x512xf32>
    %sub3A_207 = arith.subf %div3A_199, %mul3A_206 : vector<1x512xf32>
    %div3A_208 = arith.divf %sub3A_207, %sqrt3A_165 : vector<1x512xf32>
    %mul3A_209 = arith.mulf %sub3A_121, %sub3A : vector<1x512xf32>
    %mul3A_210 = arith.mulf %sub3A_122, %sub3A_78 : vector<1x512xf32>
    %add3A_211 = arith.addf %mul3A_209, %mul3A_210 : vector<1x512xf32>
    %mul3A_212 = arith.mulf %sub3A_123, %sub3A_79 : vector<1x512xf32>
    %add3A_213 = arith.addf %add3A_211, %mul3A_212 : vector<1x512xf32>
    %div3A_214 = arith.divf %add3A_213, %sqrt3A_129 : vector<1x512xf32>
    %mul3A_215 = arith.constant 0.00999999977 : f32
    %mul3A_216 = vector.broadcast %mul3A_215 : f32 to vector<1x512xf32>
    %mul3A_217 = arith.mulf %mul3A_216, %div3A_193 : vector<1x512xf32>
    %add3A_218 = arith.addf %div3A_214, %mul3A_217 : vector<1x512xf32>
    %mul3A_219 = arith.constant 2.44140625E-4 : f32
    %mul3A_220 = vector.broadcast %mul3A_219 : f32 to vector<1x512xf32>
    %mul3A_221 = arith.mulf %add3A_218, %mul3A_220 : vector<1x512xf32>
    %mul3A_222 = arith.mulf %sub3A_121, %sub3A_80 : vector<1x512xf32>
    %mul3A_223 = arith.mulf %sub3A_122, %sub3A_81 : vector<1x512xf32>
    %add3A_224 = arith.addf %mul3A_222, %mul3A_223 : vector<1x512xf32>
    %mul3A_225 = arith.mulf %sub3A_123, %sub3A_82 : vector<1x512xf32>
    %add3A_226 = arith.addf %add3A_224, %mul3A_225 : vector<1x512xf32>
    %div3A_227 = arith.divf %add3A_226, %sqrt3A_129 : vector<1x512xf32>
    %mul3A_228 = arith.constant 0.00999999977 : f32
    %mul3A_229 = vector.broadcast %mul3A_228 : f32 to vector<1x512xf32>
    %mul3A_230 = arith.mulf %mul3A_229, %div3A_208 : vector<1x512xf32>
    %add3A_231 = arith.addf %div3A_227, %mul3A_230 : vector<1x512xf32>
    %mul3A_232 = arith.constant 2.44140625E-4 : f32
    %mul3A_233 = vector.broadcast %mul3A_232 : f32 to vector<1x512xf32>
    %mul3A_234 = arith.mulf %add3A_231, %mul3A_233 : vector<1x512xf32>
    %mul3A_235 = arith.mulf %mul3A_221, %mul3A_221 : vector<1x512xf32>
    %add3A_236 = arith.addf %broadcast_in_dim3A_97, %mul3A_235 : vector<1x512xf32>
    %mul3A_237 = arith.mulf %mul3A_234, %mul3A_234 : vector<1x512xf32>
    %add3A_238 = arith.addf %broadcast_in_dim3A_99, %mul3A_237 : vector<1x512xf32>
    %mul3A_239 = arith.constant 2.000000e-01 : f32
    %mul3A_240 = vector.broadcast %mul3A_239 : f32 to vector<1x512xf32>
    %mul3A_241 = arith.mulf %mul3A_240, %mul3A_221 : vector<1x512xf32>
    %sqrt3A_242 = math.sqrt %add3A_236 : vector<1x512xf32>
    %add3A_243 = arith.constant 1.000000e-10 : f32
    %add3A_244 = vector.broadcast %add3A_243 : f32 to vector<1x512xf32>
    %add3A_245 = arith.addf %sqrt3A_242, %add3A_244 : vector<1x512xf32>
    %div3A_246 = arith.divf %mul3A_241, %add3A_245 : vector<1x512xf32>
    %sub3A_247 = arith.subf %broadcast_in_dim3A_93, %div3A_246 : vector<1x512xf32>
    %mul3A_248 = arith.constant 2.000000e-01 : f32
    %mul3A_249 = vector.broadcast %mul3A_248 : f32 to vector<1x512xf32>
    %mul3A_250 = arith.mulf %mul3A_249, %mul3A_234 : vector<1x512xf32>
    %sqrt3A_251 = math.sqrt %add3A_238 : vector<1x512xf32>
    %add3A_252 = arith.constant 1.000000e-10 : f32
    %add3A_253 = vector.broadcast %add3A_252 : f32 to vector<1x512xf32>
    %add3A_254 = arith.addf %sqrt3A_251, %add3A_253 : vector<1x512xf32>
    %div3A_255 = arith.divf %mul3A_250, %add3A_254 : vector<1x512xf32>
    %sub3A_256 = arith.subf %broadcast_in_dim3A_95, %div3A_255 : vector<1x512xf32>
    %add3A_257 = arith.addf %broadcast_in_dim3A_89, %sub3A_247 : vector<1x512xf32>
    %add3A_258 = arith.addf %broadcast_in_dim3A_91, %sub3A_256 : vector<1x512xf32>
    %sub3A_259 = arith.constant 1.000000e+00 : f32
    %sub3A_260 = vector.broadcast %sub3A_259 : f32 to vector<1x512xf32>
    %sub3A_261 = arith.subf %sub3A_260, %add3A_257 : vector<1x512xf32>
    %sub3A_262 = arith.subf %sub3A_261, %add3A_258 : vector<1x512xf32>
    %mul3A_263 = arith.mulf %get3A_1, %add3A_257 : vector<1x512xf32>
    %mul3A_264 = arith.mulf %get3A_10, %add3A_258 : vector<1x512xf32>
    %add3A_265 = arith.addf %mul3A_263, %mul3A_264 : vector<1x512xf32>
    %mul3A_266 = arith.mulf %get3A_19, %sub3A_262 : vector<1x512xf32>
    %add3A_267 = arith.addf %add3A_265, %mul3A_266 : vector<1x512xf32>
    %mul3A_268 = arith.mulf %get3A_4, %add3A_257 : vector<1x512xf32>
    %mul3A_269 = arith.mulf %get3A_13, %add3A_258 : vector<1x512xf32>
    %add3A_270 = arith.addf %mul3A_268, %mul3A_269 : vector<1x512xf32>
    %mul3A_271 = arith.mulf %get3A_22, %sub3A_262 : vector<1x512xf32>
    %add3A_272 = arith.addf %add3A_270, %mul3A_271 : vector<1x512xf32>
    %mul3A_273 = arith.mulf %get3A_7, %add3A_257 : vector<1x512xf32>
    %mul3A_274 = arith.mulf %get3A_16, %add3A_258 : vector<1x512xf32>
    %add3A_275 = arith.addf %mul3A_273, %mul3A_274 : vector<1x512xf32>
    %mul3A_276 = arith.mulf %get3A_25, %sub3A_262 : vector<1x512xf32>
    %add3A_277 = arith.addf %add3A_275, %mul3A_276 : vector<1x512xf32>
    %sub3A_278 = arith.subf %add3A_267, %get3A_55 : vector<1x512xf32>
    %sub3A_279 = arith.subf %add3A_272, %get3A_58 : vector<1x512xf32>
    %sub3A_280 = arith.subf %add3A_277, %get3A_61 : vector<1x512xf32>
    %mul3A_281 = arith.mulf %sub3A_278, %sub3A_278 : vector<1x512xf32>
    %mul3A_282 = arith.mulf %sub3A_279, %sub3A_279 : vector<1x512xf32>
    %add3A_283 = arith.addf %mul3A_281, %mul3A_282 : vector<1x512xf32>
    %mul3A_284 = arith.mulf %sub3A_280, %sub3A_280 : vector<1x512xf32>
    %add3A_285 = arith.addf %add3A_283, %mul3A_284 : vector<1x512xf32>
    %sqrt3A_286 = math.sqrt %add3A_285 : vector<1x512xf32>
    %mul3A_287 = arith.mulf %get3A_28, %add3A_257 : vector<1x512xf32>
    %mul3A_288 = arith.mulf %get3A_37, %add3A_258 : vector<1x512xf32>
    %add3A_289 = arith.addf %mul3A_287, %mul3A_288 : vector<1x512xf32>
    %mul3A_290 = arith.mulf %get3A_46, %sub3A_262 : vector<1x512xf32>
    %add3A_291 = arith.addf %add3A_289, %mul3A_290 : vector<1x512xf32>
    %mul3A_292 = arith.mulf %get3A_31, %add3A_257 : vector<1x512xf32>
    %mul3A_293 = arith.mulf %get3A_40, %add3A_258 : vector<1x512xf32>
    %add3A_294 = arith.addf %mul3A_292, %mul3A_293 : vector<1x512xf32>
    %mul3A_295 = arith.mulf %get3A_49, %sub3A_262 : vector<1x512xf32>
    %add3A_296 = arith.addf %add3A_294, %mul3A_295 : vector<1x512xf32>
    %mul3A_297 = arith.mulf %get3A_34, %add3A_257 : vector<1x512xf32>
    %mul3A_298 = arith.mulf %get3A_43, %add3A_258 : vector<1x512xf32>
    %add3A_299 = arith.addf %mul3A_297, %mul3A_298 : vector<1x512xf32>
    %mul3A_300 = arith.mulf %get3A_52, %sub3A_262 : vector<1x512xf32>
    %add3A_301 = arith.addf %add3A_299, %mul3A_300 : vector<1x512xf32>
    %mul3A_302 = arith.mulf %add3A_291, %add3A_291 : vector<1x512xf32>
    %mul3A_303 = arith.mulf %add3A_296, %add3A_296 : vector<1x512xf32>
    %add3A_304 = arith.addf %mul3A_302, %mul3A_303 : vector<1x512xf32>
    %mul3A_305 = arith.mulf %add3A_301, %add3A_301 : vector<1x512xf32>
    %add3A_306 = arith.addf %add3A_304, %mul3A_305 : vector<1x512xf32>
    %sqrt3A_307 = math.sqrt %add3A_306 : vector<1x512xf32>
    %max3A_308 = arith.constant 9.99999996E-13 : f32
    %max3A_309 = vector.broadcast %max3A_308 : f32 to vector<1x512xf32>
    %max3A_310 = arith.maximumf %sqrt3A_307, %max3A_309 : vector<1x512xf32>
    %div3A_311 = arith.divf %add3A_291, %max3A_310 : vector<1x512xf32>
    %div3A_312 = arith.divf %add3A_296, %max3A_310 : vector<1x512xf32>
    %div3A_313 = arith.divf %add3A_301, %max3A_310 : vector<1x512xf32>
    %sub3A_314 = arith.subf %div3A_311, %div3A : vector<1x512xf32>
    %sub3A_315 = arith.subf %div3A_312, %div3A_76 : vector<1x512xf32>
    %sub3A_316 = arith.subf %div3A_313, %div3A_77 : vector<1x512xf32>
    %mul3A_317 = arith.mulf %sub3A_314, %sub3A_314 : vector<1x512xf32>
    %mul3A_318 = arith.mulf %sub3A_315, %sub3A_315 : vector<1x512xf32>
    %add3A_319 = arith.addf %mul3A_317, %mul3A_318 : vector<1x512xf32>
    %mul3A_320 = arith.mulf %sub3A_316, %sub3A_316 : vector<1x512xf32>
    %add3A_321 = arith.addf %add3A_319, %mul3A_320 : vector<1x512xf32>
    %sqrt3A_322 = math.sqrt %add3A_321 : vector<1x512xf32>
    %mul3A_323 = arith.mulf %sub3A_314, %add3A_291 : vector<1x512xf32>
    %mul3A_324 = arith.mulf %sub3A_315, %add3A_296 : vector<1x512xf32>
    %add3A_325 = arith.addf %mul3A_323, %mul3A_324 : vector<1x512xf32>
    %mul3A_326 = arith.mulf %sub3A_316, %add3A_301 : vector<1x512xf32>
    %add3A_327 = arith.addf %add3A_325, %mul3A_326 : vector<1x512xf32>
    %gt3A_328 = arith.constant 9.99999996E-13 : f32
    %gt3A_329 = vector.broadcast %gt3A_328 : f32 to vector<1x512xf32>
    %gt3A_330 = arith.cmpf ogt, %sqrt3A_307, %gt3A_329 : vector<1x512xf32>
    %mul3A_331 = arith.mulf %sqrt3A_307, %max3A_310 : vector<1x512xf32>
    %mul3A_332 = arith.mulf %mul3A_331, %max3A_310 : vector<1x512xf32>
    %div3A_333 = arith.constant 1.000000e+00 : f32
    %div3A_334 = vector.broadcast %div3A_333 : f32 to vector<1x512xf32>
    %div3A_335 = arith.divf %div3A_334, %mul3A_332 : vector<1x512xf32>
    %jit3A_336 = arith.constant 0.000000e+00 : f32
    %broadcast_in_dim3A_337 = vector.broadcast %jit3A_336 : f32 to vector<1x512xf32>
    %select_n3A_338 = arith.select %gt3A_330, %div3A_335, %broadcast_in_dim3A_337 : vector<1x512xi1>, vector<1x512xf32>
    %mul3A_339 = arith.mulf %sub3A_314, %sub3A_83 : vector<1x512xf32>
    %mul3A_340 = arith.mulf %sub3A_315, %sub3A_84 : vector<1x512xf32>
    %add3A_341 = arith.addf %mul3A_339, %mul3A_340 : vector<1x512xf32>
    %mul3A_342 = arith.mulf %sub3A_316, %sub3A_85 : vector<1x512xf32>
    %add3A_343 = arith.addf %add3A_341, %mul3A_342 : vector<1x512xf32>
    %div3A_344 = arith.divf %add3A_343, %max3A_310 : vector<1x512xf32>
    %mul3A_345 = arith.mulf %add3A_291, %sub3A_83 : vector<1x512xf32>
    %mul3A_346 = arith.mulf %add3A_296, %sub3A_84 : vector<1x512xf32>
    %add3A_347 = arith.addf %mul3A_345, %mul3A_346 : vector<1x512xf32>
    %mul3A_348 = arith.mulf %add3A_301, %sub3A_85 : vector<1x512xf32>
    %add3A_349 = arith.addf %add3A_347, %mul3A_348 : vector<1x512xf32>
    %mul3A_350 = arith.mulf %add3A_327, %add3A_349 : vector<1x512xf32>
    %mul3A_351 = arith.mulf %mul3A_350, %select_n3A_338 : vector<1x512xf32>
    %sub3A_352 = arith.subf %div3A_344, %mul3A_351 : vector<1x512xf32>
    %div3A_353 = arith.divf %sub3A_352, %sqrt3A_322 : vector<1x512xf32>
    %mul3A_354 = arith.mulf %sub3A_314, %sub3A_86 : vector<1x512xf32>
    %mul3A_355 = arith.mulf %sub3A_315, %sub3A_87 : vector<1x512xf32>
    %add3A_356 = arith.addf %mul3A_354, %mul3A_355 : vector<1x512xf32>
    %mul3A_357 = arith.mulf %sub3A_316, %sub3A_88 : vector<1x512xf32>
    %add3A_358 = arith.addf %add3A_356, %mul3A_357 : vector<1x512xf32>
    %div3A_359 = arith.divf %add3A_358, %max3A_310 : vector<1x512xf32>
    %mul3A_360 = arith.mulf %add3A_291, %sub3A_86 : vector<1x512xf32>
    %mul3A_361 = arith.mulf %add3A_296, %sub3A_87 : vector<1x512xf32>
    %add3A_362 = arith.addf %mul3A_360, %mul3A_361 : vector<1x512xf32>
    %mul3A_363 = arith.mulf %add3A_301, %sub3A_88 : vector<1x512xf32>
    %add3A_364 = arith.addf %add3A_362, %mul3A_363 : vector<1x512xf32>
    %mul3A_365 = arith.mulf %add3A_327, %add3A_364 : vector<1x512xf32>
    %mul3A_366 = arith.mulf %mul3A_365, %select_n3A_338 : vector<1x512xf32>
    %sub3A_367 = arith.subf %div3A_359, %mul3A_366 : vector<1x512xf32>
    %div3A_368 = arith.divf %sub3A_367, %sqrt3A_322 : vector<1x512xf32>
    %mul3A_369 = arith.mulf %sub3A_278, %sub3A : vector<1x512xf32>
    %mul3A_370 = arith.mulf %sub3A_279, %sub3A_78 : vector<1x512xf32>
    %add3A_371 = arith.addf %mul3A_369, %mul3A_370 : vector<1x512xf32>
    %mul3A_372 = arith.mulf %sub3A_280, %sub3A_79 : vector<1x512xf32>
    %add3A_373 = arith.addf %add3A_371, %mul3A_372 : vector<1x512xf32>
    %div3A_374 = arith.divf %add3A_373, %sqrt3A_286 : vector<1x512xf32>
    %mul3A_375 = arith.constant 0.00999999977 : f32
    %mul3A_376 = vector.broadcast %mul3A_375 : f32 to vector<1x512xf32>
    %mul3A_377 = arith.mulf %mul3A_376, %div3A_353 : vector<1x512xf32>
    %add3A_378 = arith.addf %div3A_374, %mul3A_377 : vector<1x512xf32>
    %mul3A_379 = arith.constant 2.44140625E-4 : f32
    %mul3A_380 = vector.broadcast %mul3A_379 : f32 to vector<1x512xf32>
    %mul3A_381 = arith.mulf %add3A_378, %mul3A_380 : vector<1x512xf32>
    %mul3A_382 = arith.mulf %sub3A_278, %sub3A_80 : vector<1x512xf32>
    %mul3A_383 = arith.mulf %sub3A_279, %sub3A_81 : vector<1x512xf32>
    %add3A_384 = arith.addf %mul3A_382, %mul3A_383 : vector<1x512xf32>
    %mul3A_385 = arith.mulf %sub3A_280, %sub3A_82 : vector<1x512xf32>
    %add3A_386 = arith.addf %add3A_384, %mul3A_385 : vector<1x512xf32>
    %div3A_387 = arith.divf %add3A_386, %sqrt3A_286 : vector<1x512xf32>
    %mul3A_388 = arith.constant 0.00999999977 : f32
    %mul3A_389 = vector.broadcast %mul3A_388 : f32 to vector<1x512xf32>
    %mul3A_390 = arith.mulf %mul3A_389, %div3A_368 : vector<1x512xf32>
    %add3A_391 = arith.addf %div3A_387, %mul3A_390 : vector<1x512xf32>
    %mul3A_392 = arith.constant 2.44140625E-4 : f32
    %mul3A_393 = vector.broadcast %mul3A_392 : f32 to vector<1x512xf32>
    %mul3A_394 = arith.mulf %add3A_391, %mul3A_393 : vector<1x512xf32>
    %mul3A_395 = arith.mulf %mul3A_381, %mul3A_381 : vector<1x512xf32>
    %add3A_396 = arith.addf %add3A_236, %mul3A_395 : vector<1x512xf32>
    %mul3A_397 = arith.mulf %mul3A_394, %mul3A_394 : vector<1x512xf32>
    %add3A_398 = arith.addf %add3A_238, %mul3A_397 : vector<1x512xf32>
    %mul3A_399 = arith.constant 0.181818187 : f32
    %mul3A_400 = vector.broadcast %mul3A_399 : f32 to vector<1x512xf32>
    %mul3A_401 = arith.mulf %mul3A_400, %mul3A_381 : vector<1x512xf32>
    %sqrt3A_402 = math.sqrt %add3A_396 : vector<1x512xf32>
    %add3A_403 = arith.constant 1.000000e-10 : f32
    %add3A_404 = vector.broadcast %add3A_403 : f32 to vector<1x512xf32>
    %add3A_405 = arith.addf %sqrt3A_402, %add3A_404 : vector<1x512xf32>
    %div3A_406 = arith.divf %mul3A_401, %add3A_405 : vector<1x512xf32>
    %sub3A_407 = arith.subf %sub3A_247, %div3A_406 : vector<1x512xf32>
    %mul3A_408 = arith.constant 0.181818187 : f32
    %mul3A_409 = vector.broadcast %mul3A_408 : f32 to vector<1x512xf32>
    %mul3A_410 = arith.mulf %mul3A_409, %mul3A_394 : vector<1x512xf32>
    %sqrt3A_411 = math.sqrt %add3A_398 : vector<1x512xf32>
    %add3A_412 = arith.constant 1.000000e-10 : f32
    %add3A_413 = vector.broadcast %add3A_412 : f32 to vector<1x512xf32>
    %add3A_414 = arith.addf %sqrt3A_411, %add3A_413 : vector<1x512xf32>
    %div3A_415 = arith.divf %mul3A_410, %add3A_414 : vector<1x512xf32>
    %sub3A_416 = arith.subf %sub3A_256, %div3A_415 : vector<1x512xf32>
    %add3A_417 = arith.addf %broadcast_in_dim3A_89, %sub3A_407 : vector<1x512xf32>
    %add3A_418 = arith.addf %broadcast_in_dim3A_91, %sub3A_416 : vector<1x512xf32>
    %sub3A_419 = arith.constant 1.000000e+00 : f32
    %sub3A_420 = vector.broadcast %sub3A_419 : f32 to vector<1x512xf32>
    %sub3A_421 = arith.subf %sub3A_420, %add3A_417 : vector<1x512xf32>
    %sub3A_422 = arith.subf %sub3A_421, %add3A_418 : vector<1x512xf32>
    %mul3A_423 = arith.mulf %get3A_1, %add3A_417 : vector<1x512xf32>
    %mul3A_424 = arith.mulf %get3A_10, %add3A_418 : vector<1x512xf32>
    %add3A_425 = arith.addf %mul3A_423, %mul3A_424 : vector<1x512xf32>
    %mul3A_426 = arith.mulf %get3A_19, %sub3A_422 : vector<1x512xf32>
    %add3A_427 = arith.addf %add3A_425, %mul3A_426 : vector<1x512xf32>
    %mul3A_428 = arith.mulf %get3A_4, %add3A_417 : vector<1x512xf32>
    %mul3A_429 = arith.mulf %get3A_13, %add3A_418 : vector<1x512xf32>
    %add3A_430 = arith.addf %mul3A_428, %mul3A_429 : vector<1x512xf32>
    %mul3A_431 = arith.mulf %get3A_22, %sub3A_422 : vector<1x512xf32>
    %add3A_432 = arith.addf %add3A_430, %mul3A_431 : vector<1x512xf32>
    %mul3A_433 = arith.mulf %get3A_7, %add3A_417 : vector<1x512xf32>
    %mul3A_434 = arith.mulf %get3A_16, %add3A_418 : vector<1x512xf32>
    %add3A_435 = arith.addf %mul3A_433, %mul3A_434 : vector<1x512xf32>
    %mul3A_436 = arith.mulf %get3A_25, %sub3A_422 : vector<1x512xf32>
    %add3A_437 = arith.addf %add3A_435, %mul3A_436 : vector<1x512xf32>
    %sub3A_438 = arith.subf %add3A_427, %get3A_55 : vector<1x512xf32>
    %sub3A_439 = arith.subf %add3A_432, %get3A_58 : vector<1x512xf32>
    %sub3A_440 = arith.subf %add3A_437, %get3A_61 : vector<1x512xf32>
    %mul3A_441 = arith.mulf %sub3A_438, %sub3A_438 : vector<1x512xf32>
    %mul3A_442 = arith.mulf %sub3A_439, %sub3A_439 : vector<1x512xf32>
    %add3A_443 = arith.addf %mul3A_441, %mul3A_442 : vector<1x512xf32>
    %mul3A_444 = arith.mulf %sub3A_440, %sub3A_440 : vector<1x512xf32>
    %add3A_445 = arith.addf %add3A_443, %mul3A_444 : vector<1x512xf32>
    %sqrt3A_446 = math.sqrt %add3A_445 : vector<1x512xf32>
    %mul3A_447 = arith.mulf %get3A_28, %add3A_417 : vector<1x512xf32>
    %mul3A_448 = arith.mulf %get3A_37, %add3A_418 : vector<1x512xf32>
    %add3A_449 = arith.addf %mul3A_447, %mul3A_448 : vector<1x512xf32>
    %mul3A_450 = arith.mulf %get3A_46, %sub3A_422 : vector<1x512xf32>
    %add3A_451 = arith.addf %add3A_449, %mul3A_450 : vector<1x512xf32>
    %mul3A_452 = arith.mulf %get3A_31, %add3A_417 : vector<1x512xf32>
    %mul3A_453 = arith.mulf %get3A_40, %add3A_418 : vector<1x512xf32>
    %add3A_454 = arith.addf %mul3A_452, %mul3A_453 : vector<1x512xf32>
    %mul3A_455 = arith.mulf %get3A_49, %sub3A_422 : vector<1x512xf32>
    %add3A_456 = arith.addf %add3A_454, %mul3A_455 : vector<1x512xf32>
    %mul3A_457 = arith.mulf %get3A_34, %add3A_417 : vector<1x512xf32>
    %mul3A_458 = arith.mulf %get3A_43, %add3A_418 : vector<1x512xf32>
    %add3A_459 = arith.addf %mul3A_457, %mul3A_458 : vector<1x512xf32>
    %mul3A_460 = arith.mulf %get3A_52, %sub3A_422 : vector<1x512xf32>
    %add3A_461 = arith.addf %add3A_459, %mul3A_460 : vector<1x512xf32>
    %mul3A_462 = arith.mulf %add3A_451, %add3A_451 : vector<1x512xf32>
    %mul3A_463 = arith.mulf %add3A_456, %add3A_456 : vector<1x512xf32>
    %add3A_464 = arith.addf %mul3A_462, %mul3A_463 : vector<1x512xf32>
    %mul3A_465 = arith.mulf %add3A_461, %add3A_461 : vector<1x512xf32>
    %add3A_466 = arith.addf %add3A_464, %mul3A_465 : vector<1x512xf32>
    %sqrt3A_467 = math.sqrt %add3A_466 : vector<1x512xf32>
    %max3A_468 = arith.constant 9.99999996E-13 : f32
    %max3A_469 = vector.broadcast %max3A_468 : f32 to vector<1x512xf32>
    %max3A_470 = arith.maximumf %sqrt3A_467, %max3A_469 : vector<1x512xf32>
    %div3A_471 = arith.divf %add3A_451, %max3A_470 : vector<1x512xf32>
    %div3A_472 = arith.divf %add3A_456, %max3A_470 : vector<1x512xf32>
    %div3A_473 = arith.divf %add3A_461, %max3A_470 : vector<1x512xf32>
    %sub3A_474 = arith.subf %div3A_471, %div3A : vector<1x512xf32>
    %sub3A_475 = arith.subf %div3A_472, %div3A_76 : vector<1x512xf32>
    %sub3A_476 = arith.subf %div3A_473, %div3A_77 : vector<1x512xf32>
    %mul3A_477 = arith.mulf %sub3A_474, %sub3A_474 : vector<1x512xf32>
    %mul3A_478 = arith.mulf %sub3A_475, %sub3A_475 : vector<1x512xf32>
    %add3A_479 = arith.addf %mul3A_477, %mul3A_478 : vector<1x512xf32>
    %mul3A_480 = arith.mulf %sub3A_476, %sub3A_476 : vector<1x512xf32>
    %add3A_481 = arith.addf %add3A_479, %mul3A_480 : vector<1x512xf32>
    %sqrt3A_482 = math.sqrt %add3A_481 : vector<1x512xf32>
    %mul3A_483 = arith.mulf %sub3A_474, %add3A_451 : vector<1x512xf32>
    %mul3A_484 = arith.mulf %sub3A_475, %add3A_456 : vector<1x512xf32>
    %add3A_485 = arith.addf %mul3A_483, %mul3A_484 : vector<1x512xf32>
    %mul3A_486 = arith.mulf %sub3A_476, %add3A_461 : vector<1x512xf32>
    %add3A_487 = arith.addf %add3A_485, %mul3A_486 : vector<1x512xf32>
    %gt3A_488 = arith.constant 9.99999996E-13 : f32
    %gt3A_489 = vector.broadcast %gt3A_488 : f32 to vector<1x512xf32>
    %gt3A_490 = arith.cmpf ogt, %sqrt3A_467, %gt3A_489 : vector<1x512xf32>
    %mul3A_491 = arith.mulf %sqrt3A_467, %max3A_470 : vector<1x512xf32>
    %mul3A_492 = arith.mulf %mul3A_491, %max3A_470 : vector<1x512xf32>
    %div3A_493 = arith.constant 1.000000e+00 : f32
    %div3A_494 = vector.broadcast %div3A_493 : f32 to vector<1x512xf32>
    %div3A_495 = arith.divf %div3A_494, %mul3A_492 : vector<1x512xf32>
    %jit3A_496 = arith.constant 0.000000e+00 : f32
    %broadcast_in_dim3A_497 = vector.broadcast %jit3A_496 : f32 to vector<1x512xf32>
    %select_n3A_498 = arith.select %gt3A_490, %div3A_495, %broadcast_in_dim3A_497 : vector<1x512xi1>, vector<1x512xf32>
    %mul3A_499 = arith.mulf %sub3A_474, %sub3A_83 : vector<1x512xf32>
    %mul3A_500 = arith.mulf %sub3A_475, %sub3A_84 : vector<1x512xf32>
    %add3A_501 = arith.addf %mul3A_499, %mul3A_500 : vector<1x512xf32>
    %mul3A_502 = arith.mulf %sub3A_476, %sub3A_85 : vector<1x512xf32>
    %add3A_503 = arith.addf %add3A_501, %mul3A_502 : vector<1x512xf32>
    %div3A_504 = arith.divf %add3A_503, %max3A_470 : vector<1x512xf32>
    %mul3A_505 = arith.mulf %add3A_451, %sub3A_83 : vector<1x512xf32>
    %mul3A_506 = arith.mulf %add3A_456, %sub3A_84 : vector<1x512xf32>
    %add3A_507 = arith.addf %mul3A_505, %mul3A_506 : vector<1x512xf32>
    %mul3A_508 = arith.mulf %add3A_461, %sub3A_85 : vector<1x512xf32>
    %add3A_509 = arith.addf %add3A_507, %mul3A_508 : vector<1x512xf32>
    %mul3A_510 = arith.mulf %add3A_487, %add3A_509 : vector<1x512xf32>
    %mul3A_511 = arith.mulf %mul3A_510, %select_n3A_498 : vector<1x512xf32>
    %sub3A_512 = arith.subf %div3A_504, %mul3A_511 : vector<1x512xf32>
    %div3A_513 = arith.divf %sub3A_512, %sqrt3A_482 : vector<1x512xf32>
    %mul3A_514 = arith.mulf %sub3A_474, %sub3A_86 : vector<1x512xf32>
    %mul3A_515 = arith.mulf %sub3A_475, %sub3A_87 : vector<1x512xf32>
    %add3A_516 = arith.addf %mul3A_514, %mul3A_515 : vector<1x512xf32>
    %mul3A_517 = arith.mulf %sub3A_476, %sub3A_88 : vector<1x512xf32>
    %add3A_518 = arith.addf %add3A_516, %mul3A_517 : vector<1x512xf32>
    %div3A_519 = arith.divf %add3A_518, %max3A_470 : vector<1x512xf32>
    %mul3A_520 = arith.mulf %add3A_451, %sub3A_86 : vector<1x512xf32>
    %mul3A_521 = arith.mulf %add3A_456, %sub3A_87 : vector<1x512xf32>
    %add3A_522 = arith.addf %mul3A_520, %mul3A_521 : vector<1x512xf32>
    %mul3A_523 = arith.mulf %add3A_461, %sub3A_88 : vector<1x512xf32>
    %add3A_524 = arith.addf %add3A_522, %mul3A_523 : vector<1x512xf32>
    %mul3A_525 = arith.mulf %add3A_487, %add3A_524 : vector<1x512xf32>
    %mul3A_526 = arith.mulf %mul3A_525, %select_n3A_498 : vector<1x512xf32>
    %sub3A_527 = arith.subf %div3A_519, %mul3A_526 : vector<1x512xf32>
    %div3A_528 = arith.divf %sub3A_527, %sqrt3A_482 : vector<1x512xf32>
    %mul3A_529 = arith.mulf %sub3A_438, %sub3A : vector<1x512xf32>
    %mul3A_530 = arith.mulf %sub3A_439, %sub3A_78 : vector<1x512xf32>
    %add3A_531 = arith.addf %mul3A_529, %mul3A_530 : vector<1x512xf32>
    %mul3A_532 = arith.mulf %sub3A_440, %sub3A_79 : vector<1x512xf32>
    %add3A_533 = arith.addf %add3A_531, %mul3A_532 : vector<1x512xf32>
    %div3A_534 = arith.divf %add3A_533, %sqrt3A_446 : vector<1x512xf32>
    %mul3A_535 = arith.constant 0.00999999977 : f32
    %mul3A_536 = vector.broadcast %mul3A_535 : f32 to vector<1x512xf32>
    %mul3A_537 = arith.mulf %mul3A_536, %div3A_513 : vector<1x512xf32>
    %add3A_538 = arith.addf %div3A_534, %mul3A_537 : vector<1x512xf32>
    %mul3A_539 = arith.constant 2.44140625E-4 : f32
    %mul3A_540 = vector.broadcast %mul3A_539 : f32 to vector<1x512xf32>
    %mul3A_541 = arith.mulf %add3A_538, %mul3A_540 : vector<1x512xf32>
    %mul3A_542 = arith.mulf %sub3A_438, %sub3A_80 : vector<1x512xf32>
    %mul3A_543 = arith.mulf %sub3A_439, %sub3A_81 : vector<1x512xf32>
    %add3A_544 = arith.addf %mul3A_542, %mul3A_543 : vector<1x512xf32>
    %mul3A_545 = arith.mulf %sub3A_440, %sub3A_82 : vector<1x512xf32>
    %add3A_546 = arith.addf %add3A_544, %mul3A_545 : vector<1x512xf32>
    %div3A_547 = arith.divf %add3A_546, %sqrt3A_446 : vector<1x512xf32>
    %mul3A_548 = arith.constant 0.00999999977 : f32
    %mul3A_549 = vector.broadcast %mul3A_548 : f32 to vector<1x512xf32>
    %mul3A_550 = arith.mulf %mul3A_549, %div3A_528 : vector<1x512xf32>
    %add3A_551 = arith.addf %div3A_547, %mul3A_550 : vector<1x512xf32>
    %mul3A_552 = arith.constant 2.44140625E-4 : f32
    %mul3A_553 = vector.broadcast %mul3A_552 : f32 to vector<1x512xf32>
    %mul3A_554 = arith.mulf %add3A_551, %mul3A_553 : vector<1x512xf32>
    %mul3A_555 = arith.mulf %mul3A_541, %mul3A_541 : vector<1x512xf32>
    %add3A_556 = arith.addf %add3A_396, %mul3A_555 : vector<1x512xf32>
    %mul3A_557 = arith.mulf %mul3A_554, %mul3A_554 : vector<1x512xf32>
    %add3A_558 = arith.addf %add3A_398, %mul3A_557 : vector<1x512xf32>
    %mul3A_559 = arith.constant 0.166666672 : f32
    %mul3A_560 = vector.broadcast %mul3A_559 : f32 to vector<1x512xf32>
    %mul3A_561 = arith.mulf %mul3A_560, %mul3A_541 : vector<1x512xf32>
    %sqrt3A_562 = math.sqrt %add3A_556 : vector<1x512xf32>
    %add3A_563 = arith.constant 1.000000e-10 : f32
    %add3A_564 = vector.broadcast %add3A_563 : f32 to vector<1x512xf32>
    %add3A_565 = arith.addf %sqrt3A_562, %add3A_564 : vector<1x512xf32>
    %div3A_566 = arith.divf %mul3A_561, %add3A_565 : vector<1x512xf32>
    %sub3A_567 = arith.subf %sub3A_407, %div3A_566 : vector<1x512xf32>
    %mul3A_568 = arith.constant 0.166666672 : f32
    %mul3A_569 = vector.broadcast %mul3A_568 : f32 to vector<1x512xf32>
    %mul3A_570 = arith.mulf %mul3A_569, %mul3A_554 : vector<1x512xf32>
    %sqrt3A_571 = math.sqrt %add3A_558 : vector<1x512xf32>
    %add3A_572 = arith.constant 1.000000e-10 : f32
    %add3A_573 = vector.broadcast %add3A_572 : f32 to vector<1x512xf32>
    %add3A_574 = arith.addf %sqrt3A_571, %add3A_573 : vector<1x512xf32>
    %div3A_575 = arith.divf %mul3A_570, %add3A_574 : vector<1x512xf32>
    %sub3A_576 = arith.subf %sub3A_416, %div3A_575 : vector<1x512xf32>
    %add3A_577 = arith.addf %broadcast_in_dim3A_89, %sub3A_567 : vector<1x512xf32>
    %add3A_578 = arith.addf %broadcast_in_dim3A_91, %sub3A_576 : vector<1x512xf32>
    %sub3A_579 = arith.constant 1.000000e+00 : f32
    %sub3A_580 = vector.broadcast %sub3A_579 : f32 to vector<1x512xf32>
    %sub3A_581 = arith.subf %sub3A_580, %add3A_577 : vector<1x512xf32>
    %sub3A_582 = arith.subf %sub3A_581, %add3A_578 : vector<1x512xf32>
    %mul3A_583 = arith.mulf %get3A_1, %add3A_577 : vector<1x512xf32>
    %mul3A_584 = arith.mulf %get3A_10, %add3A_578 : vector<1x512xf32>
    %add3A_585 = arith.addf %mul3A_583, %mul3A_584 : vector<1x512xf32>
    %mul3A_586 = arith.mulf %get3A_19, %sub3A_582 : vector<1x512xf32>
    %add3A_587 = arith.addf %add3A_585, %mul3A_586 : vector<1x512xf32>
    %mul3A_588 = arith.mulf %get3A_4, %add3A_577 : vector<1x512xf32>
    %mul3A_589 = arith.mulf %get3A_13, %add3A_578 : vector<1x512xf32>
    %add3A_590 = arith.addf %mul3A_588, %mul3A_589 : vector<1x512xf32>
    %mul3A_591 = arith.mulf %get3A_22, %sub3A_582 : vector<1x512xf32>
    %add3A_592 = arith.addf %add3A_590, %mul3A_591 : vector<1x512xf32>
    %mul3A_593 = arith.mulf %get3A_7, %add3A_577 : vector<1x512xf32>
    %mul3A_594 = arith.mulf %get3A_16, %add3A_578 : vector<1x512xf32>
    %add3A_595 = arith.addf %mul3A_593, %mul3A_594 : vector<1x512xf32>
    %mul3A_596 = arith.mulf %get3A_25, %sub3A_582 : vector<1x512xf32>
    %add3A_597 = arith.addf %add3A_595, %mul3A_596 : vector<1x512xf32>
    %sub3A_598 = arith.subf %add3A_587, %get3A_55 : vector<1x512xf32>
    %sub3A_599 = arith.subf %add3A_592, %get3A_58 : vector<1x512xf32>
    %sub3A_600 = arith.subf %add3A_597, %get3A_61 : vector<1x512xf32>
    %mul3A_601 = arith.mulf %sub3A_598, %sub3A_598 : vector<1x512xf32>
    %mul3A_602 = arith.mulf %sub3A_599, %sub3A_599 : vector<1x512xf32>
    %add3A_603 = arith.addf %mul3A_601, %mul3A_602 : vector<1x512xf32>
    %mul3A_604 = arith.mulf %sub3A_600, %sub3A_600 : vector<1x512xf32>
    %add3A_605 = arith.addf %add3A_603, %mul3A_604 : vector<1x512xf32>
    %sqrt3A_606 = math.sqrt %add3A_605 : vector<1x512xf32>
    %mul3A_607 = arith.mulf %get3A_28, %add3A_577 : vector<1x512xf32>
    %mul3A_608 = arith.mulf %get3A_37, %add3A_578 : vector<1x512xf32>
    %add3A_609 = arith.addf %mul3A_607, %mul3A_608 : vector<1x512xf32>
    %mul3A_610 = arith.mulf %get3A_46, %sub3A_582 : vector<1x512xf32>
    %add3A_611 = arith.addf %add3A_609, %mul3A_610 : vector<1x512xf32>
    %mul3A_612 = arith.mulf %get3A_31, %add3A_577 : vector<1x512xf32>
    %mul3A_613 = arith.mulf %get3A_40, %add3A_578 : vector<1x512xf32>
    %add3A_614 = arith.addf %mul3A_612, %mul3A_613 : vector<1x512xf32>
    %mul3A_615 = arith.mulf %get3A_49, %sub3A_582 : vector<1x512xf32>
    %add3A_616 = arith.addf %add3A_614, %mul3A_615 : vector<1x512xf32>
    %mul3A_617 = arith.mulf %get3A_34, %add3A_577 : vector<1x512xf32>
    %mul3A_618 = arith.mulf %get3A_43, %add3A_578 : vector<1x512xf32>
    %add3A_619 = arith.addf %mul3A_617, %mul3A_618 : vector<1x512xf32>
    %mul3A_620 = arith.mulf %get3A_52, %sub3A_582 : vector<1x512xf32>
    %add3A_621 = arith.addf %add3A_619, %mul3A_620 : vector<1x512xf32>
    %mul3A_622 = arith.mulf %add3A_611, %add3A_611 : vector<1x512xf32>
    %mul3A_623 = arith.mulf %add3A_616, %add3A_616 : vector<1x512xf32>
    %add3A_624 = arith.addf %mul3A_622, %mul3A_623 : vector<1x512xf32>
    %mul3A_625 = arith.mulf %add3A_621, %add3A_621 : vector<1x512xf32>
    %add3A_626 = arith.addf %add3A_624, %mul3A_625 : vector<1x512xf32>
    %sqrt3A_627 = math.sqrt %add3A_626 : vector<1x512xf32>
    %max3A_628 = arith.constant 9.99999996E-13 : f32
    %max3A_629 = vector.broadcast %max3A_628 : f32 to vector<1x512xf32>
    %max3A_630 = arith.maximumf %sqrt3A_627, %max3A_629 : vector<1x512xf32>
    %div3A_631 = arith.divf %add3A_611, %max3A_630 : vector<1x512xf32>
    %div3A_632 = arith.divf %add3A_616, %max3A_630 : vector<1x512xf32>
    %div3A_633 = arith.divf %add3A_621, %max3A_630 : vector<1x512xf32>
    %sub3A_634 = arith.subf %div3A_631, %div3A : vector<1x512xf32>
    %sub3A_635 = arith.subf %div3A_632, %div3A_76 : vector<1x512xf32>
    %sub3A_636 = arith.subf %div3A_633, %div3A_77 : vector<1x512xf32>
    %mul3A_637 = arith.mulf %sub3A_634, %sub3A_634 : vector<1x512xf32>
    %mul3A_638 = arith.mulf %sub3A_635, %sub3A_635 : vector<1x512xf32>
    %add3A_639 = arith.addf %mul3A_637, %mul3A_638 : vector<1x512xf32>
    %mul3A_640 = arith.mulf %sub3A_636, %sub3A_636 : vector<1x512xf32>
    %add3A_641 = arith.addf %add3A_639, %mul3A_640 : vector<1x512xf32>
    %sqrt3A_642 = math.sqrt %add3A_641 : vector<1x512xf32>
    %mul3A_643 = arith.mulf %sub3A_634, %add3A_611 : vector<1x512xf32>
    %mul3A_644 = arith.mulf %sub3A_635, %add3A_616 : vector<1x512xf32>
    %add3A_645 = arith.addf %mul3A_643, %mul3A_644 : vector<1x512xf32>
    %mul3A_646 = arith.mulf %sub3A_636, %add3A_621 : vector<1x512xf32>
    %add3A_647 = arith.addf %add3A_645, %mul3A_646 : vector<1x512xf32>
    %gt3A_648 = arith.constant 9.99999996E-13 : f32
    %gt3A_649 = vector.broadcast %gt3A_648 : f32 to vector<1x512xf32>
    %gt3A_650 = arith.cmpf ogt, %sqrt3A_627, %gt3A_649 : vector<1x512xf32>
    %mul3A_651 = arith.mulf %sqrt3A_627, %max3A_630 : vector<1x512xf32>
    %mul3A_652 = arith.mulf %mul3A_651, %max3A_630 : vector<1x512xf32>
    %div3A_653 = arith.constant 1.000000e+00 : f32
    %div3A_654 = vector.broadcast %div3A_653 : f32 to vector<1x512xf32>
    %div3A_655 = arith.divf %div3A_654, %mul3A_652 : vector<1x512xf32>
    %jit3A_656 = arith.constant 0.000000e+00 : f32
    %broadcast_in_dim3A_657 = vector.broadcast %jit3A_656 : f32 to vector<1x512xf32>
    %select_n3A_658 = arith.select %gt3A_650, %div3A_655, %broadcast_in_dim3A_657 : vector<1x512xi1>, vector<1x512xf32>
    %mul3A_659 = arith.mulf %sub3A_634, %sub3A_83 : vector<1x512xf32>
    %mul3A_660 = arith.mulf %sub3A_635, %sub3A_84 : vector<1x512xf32>
    %add3A_661 = arith.addf %mul3A_659, %mul3A_660 : vector<1x512xf32>
    %mul3A_662 = arith.mulf %sub3A_636, %sub3A_85 : vector<1x512xf32>
    %add3A_663 = arith.addf %add3A_661, %mul3A_662 : vector<1x512xf32>
    %div3A_664 = arith.divf %add3A_663, %max3A_630 : vector<1x512xf32>
    %mul3A_665 = arith.mulf %add3A_611, %sub3A_83 : vector<1x512xf32>
    %mul3A_666 = arith.mulf %add3A_616, %sub3A_84 : vector<1x512xf32>
    %add3A_667 = arith.addf %mul3A_665, %mul3A_666 : vector<1x512xf32>
    %mul3A_668 = arith.mulf %add3A_621, %sub3A_85 : vector<1x512xf32>
    %add3A_669 = arith.addf %add3A_667, %mul3A_668 : vector<1x512xf32>
    %mul3A_670 = arith.mulf %add3A_647, %add3A_669 : vector<1x512xf32>
    %mul3A_671 = arith.mulf %mul3A_670, %select_n3A_658 : vector<1x512xf32>
    %sub3A_672 = arith.subf %div3A_664, %mul3A_671 : vector<1x512xf32>
    %div3A_673 = arith.divf %sub3A_672, %sqrt3A_642 : vector<1x512xf32>
    %mul3A_674 = arith.mulf %sub3A_634, %sub3A_86 : vector<1x512xf32>
    %mul3A_675 = arith.mulf %sub3A_635, %sub3A_87 : vector<1x512xf32>
    %add3A_676 = arith.addf %mul3A_674, %mul3A_675 : vector<1x512xf32>
    %mul3A_677 = arith.mulf %sub3A_636, %sub3A_88 : vector<1x512xf32>
    %add3A_678 = arith.addf %add3A_676, %mul3A_677 : vector<1x512xf32>
    %div3A_679 = arith.divf %add3A_678, %max3A_630 : vector<1x512xf32>
    %mul3A_680 = arith.mulf %add3A_611, %sub3A_86 : vector<1x512xf32>
    %mul3A_681 = arith.mulf %add3A_616, %sub3A_87 : vector<1x512xf32>
    %add3A_682 = arith.addf %mul3A_680, %mul3A_681 : vector<1x512xf32>
    %mul3A_683 = arith.mulf %add3A_621, %sub3A_88 : vector<1x512xf32>
    %add3A_684 = arith.addf %add3A_682, %mul3A_683 : vector<1x512xf32>
    %mul3A_685 = arith.mulf %add3A_647, %add3A_684 : vector<1x512xf32>
    %mul3A_686 = arith.mulf %mul3A_685, %select_n3A_658 : vector<1x512xf32>
    %sub3A_687 = arith.subf %div3A_679, %mul3A_686 : vector<1x512xf32>
    %div3A_688 = arith.divf %sub3A_687, %sqrt3A_642 : vector<1x512xf32>
    %mul3A_689 = arith.mulf %sub3A_598, %sub3A : vector<1x512xf32>
    %mul3A_690 = arith.mulf %sub3A_599, %sub3A_78 : vector<1x512xf32>
    %add3A_691 = arith.addf %mul3A_689, %mul3A_690 : vector<1x512xf32>
    %mul3A_692 = arith.mulf %sub3A_600, %sub3A_79 : vector<1x512xf32>
    %add3A_693 = arith.addf %add3A_691, %mul3A_692 : vector<1x512xf32>
    %div3A_694 = arith.divf %add3A_693, %sqrt3A_606 : vector<1x512xf32>
    %mul3A_695 = arith.constant 0.00999999977 : f32
    %mul3A_696 = vector.broadcast %mul3A_695 : f32 to vector<1x512xf32>
    %mul3A_697 = arith.mulf %mul3A_696, %div3A_673 : vector<1x512xf32>
    %add3A_698 = arith.addf %div3A_694, %mul3A_697 : vector<1x512xf32>
    %mul3A_699 = arith.constant 2.44140625E-4 : f32
    %mul3A_700 = vector.broadcast %mul3A_699 : f32 to vector<1x512xf32>
    %mul3A_701 = arith.mulf %add3A_698, %mul3A_700 : vector<1x512xf32>
    %mul3A_702 = arith.mulf %sub3A_598, %sub3A_80 : vector<1x512xf32>
    %mul3A_703 = arith.mulf %sub3A_599, %sub3A_81 : vector<1x512xf32>
    %add3A_704 = arith.addf %mul3A_702, %mul3A_703 : vector<1x512xf32>
    %mul3A_705 = arith.mulf %sub3A_600, %sub3A_82 : vector<1x512xf32>
    %add3A_706 = arith.addf %add3A_704, %mul3A_705 : vector<1x512xf32>
    %div3A_707 = arith.divf %add3A_706, %sqrt3A_606 : vector<1x512xf32>
    %mul3A_708 = arith.constant 0.00999999977 : f32
    %mul3A_709 = vector.broadcast %mul3A_708 : f32 to vector<1x512xf32>
    %mul3A_710 = arith.mulf %mul3A_709, %div3A_688 : vector<1x512xf32>
    %add3A_711 = arith.addf %div3A_707, %mul3A_710 : vector<1x512xf32>
    %mul3A_712 = arith.constant 2.44140625E-4 : f32
    %mul3A_713 = vector.broadcast %mul3A_712 : f32 to vector<1x512xf32>
    %mul3A_714 = arith.mulf %add3A_711, %mul3A_713 : vector<1x512xf32>
    %mul3A_715 = arith.mulf %mul3A_701, %mul3A_701 : vector<1x512xf32>
    %add3A_716 = arith.addf %add3A_556, %mul3A_715 : vector<1x512xf32>
    %mul3A_717 = arith.mulf %mul3A_714, %mul3A_714 : vector<1x512xf32>
    %add3A_718 = arith.addf %add3A_558, %mul3A_717 : vector<1x512xf32>
    %mul3A_719 = arith.constant 0.15384616 : f32
    %mul3A_720 = vector.broadcast %mul3A_719 : f32 to vector<1x512xf32>
    %mul3A_721 = arith.mulf %mul3A_720, %mul3A_701 : vector<1x512xf32>
    %sqrt3A_722 = math.sqrt %add3A_716 : vector<1x512xf32>
    %add3A_723 = arith.constant 1.000000e-10 : f32
    %add3A_724 = vector.broadcast %add3A_723 : f32 to vector<1x512xf32>
    %add3A_725 = arith.addf %sqrt3A_722, %add3A_724 : vector<1x512xf32>
    %div3A_726 = arith.divf %mul3A_721, %add3A_725 : vector<1x512xf32>
    %sub3A_727 = arith.subf %sub3A_567, %div3A_726 : vector<1x512xf32>
    %mul3A_728 = arith.constant 0.15384616 : f32
    %mul3A_729 = vector.broadcast %mul3A_728 : f32 to vector<1x512xf32>
    %mul3A_730 = arith.mulf %mul3A_729, %mul3A_714 : vector<1x512xf32>
    %sqrt3A_731 = math.sqrt %add3A_718 : vector<1x512xf32>
    %add3A_732 = arith.constant 1.000000e-10 : f32
    %add3A_733 = vector.broadcast %add3A_732 : f32 to vector<1x512xf32>
    %add3A_734 = arith.addf %sqrt3A_731, %add3A_733 : vector<1x512xf32>
    %div3A_735 = arith.divf %mul3A_730, %add3A_734 : vector<1x512xf32>
    %sub3A_736 = arith.subf %sub3A_576, %div3A_735 : vector<1x512xf32>
    %add3A_737 = arith.addf %broadcast_in_dim3A_89, %sub3A_727 : vector<1x512xf32>
    %add3A_738 = arith.addf %broadcast_in_dim3A_91, %sub3A_736 : vector<1x512xf32>
    %sub3A_739 = arith.constant 1.000000e+00 : f32
    %sub3A_740 = vector.broadcast %sub3A_739 : f32 to vector<1x512xf32>
    %sub3A_741 = arith.subf %sub3A_740, %add3A_737 : vector<1x512xf32>
    %sub3A_742 = arith.subf %sub3A_741, %add3A_738 : vector<1x512xf32>
    %mul3A_743 = arith.mulf %get3A_1, %add3A_737 : vector<1x512xf32>
    %mul3A_744 = arith.mulf %get3A_10, %add3A_738 : vector<1x512xf32>
    %add3A_745 = arith.addf %mul3A_743, %mul3A_744 : vector<1x512xf32>
    %mul3A_746 = arith.mulf %get3A_19, %sub3A_742 : vector<1x512xf32>
    %add3A_747 = arith.addf %add3A_745, %mul3A_746 : vector<1x512xf32>
    %mul3A_748 = arith.mulf %get3A_4, %add3A_737 : vector<1x512xf32>
    %mul3A_749 = arith.mulf %get3A_13, %add3A_738 : vector<1x512xf32>
    %add3A_750 = arith.addf %mul3A_748, %mul3A_749 : vector<1x512xf32>
    %mul3A_751 = arith.mulf %get3A_22, %sub3A_742 : vector<1x512xf32>
    %add3A_752 = arith.addf %add3A_750, %mul3A_751 : vector<1x512xf32>
    %mul3A_753 = arith.mulf %get3A_7, %add3A_737 : vector<1x512xf32>
    %mul3A_754 = arith.mulf %get3A_16, %add3A_738 : vector<1x512xf32>
    %add3A_755 = arith.addf %mul3A_753, %mul3A_754 : vector<1x512xf32>
    %mul3A_756 = arith.mulf %get3A_25, %sub3A_742 : vector<1x512xf32>
    %add3A_757 = arith.addf %add3A_755, %mul3A_756 : vector<1x512xf32>
    %sub3A_758 = arith.subf %add3A_747, %get3A_55 : vector<1x512xf32>
    %sub3A_759 = arith.subf %add3A_752, %get3A_58 : vector<1x512xf32>
    %sub3A_760 = arith.subf %add3A_757, %get3A_61 : vector<1x512xf32>
    %mul3A_761 = arith.mulf %sub3A_758, %sub3A_758 : vector<1x512xf32>
    %mul3A_762 = arith.mulf %sub3A_759, %sub3A_759 : vector<1x512xf32>
    %add3A_763 = arith.addf %mul3A_761, %mul3A_762 : vector<1x512xf32>
    %mul3A_764 = arith.mulf %sub3A_760, %sub3A_760 : vector<1x512xf32>
    %add3A_765 = arith.addf %add3A_763, %mul3A_764 : vector<1x512xf32>
    %sqrt3A_766 = math.sqrt %add3A_765 : vector<1x512xf32>
    %mul3A_767 = arith.mulf %get3A_28, %add3A_737 : vector<1x512xf32>
    %mul3A_768 = arith.mulf %get3A_37, %add3A_738 : vector<1x512xf32>
    %add3A_769 = arith.addf %mul3A_767, %mul3A_768 : vector<1x512xf32>
    %mul3A_770 = arith.mulf %get3A_46, %sub3A_742 : vector<1x512xf32>
    %add3A_771 = arith.addf %add3A_769, %mul3A_770 : vector<1x512xf32>
    %mul3A_772 = arith.mulf %get3A_31, %add3A_737 : vector<1x512xf32>
    %mul3A_773 = arith.mulf %get3A_40, %add3A_738 : vector<1x512xf32>
    %add3A_774 = arith.addf %mul3A_772, %mul3A_773 : vector<1x512xf32>
    %mul3A_775 = arith.mulf %get3A_49, %sub3A_742 : vector<1x512xf32>
    %add3A_776 = arith.addf %add3A_774, %mul3A_775 : vector<1x512xf32>
    %mul3A_777 = arith.mulf %get3A_34, %add3A_737 : vector<1x512xf32>
    %mul3A_778 = arith.mulf %get3A_43, %add3A_738 : vector<1x512xf32>
    %add3A_779 = arith.addf %mul3A_777, %mul3A_778 : vector<1x512xf32>
    %mul3A_780 = arith.mulf %get3A_52, %sub3A_742 : vector<1x512xf32>
    %add3A_781 = arith.addf %add3A_779, %mul3A_780 : vector<1x512xf32>
    %mul3A_782 = arith.mulf %add3A_771, %add3A_771 : vector<1x512xf32>
    %mul3A_783 = arith.mulf %add3A_776, %add3A_776 : vector<1x512xf32>
    %add3A_784 = arith.addf %mul3A_782, %mul3A_783 : vector<1x512xf32>
    %mul3A_785 = arith.mulf %add3A_781, %add3A_781 : vector<1x512xf32>
    %add3A_786 = arith.addf %add3A_784, %mul3A_785 : vector<1x512xf32>
    %sqrt3A_787 = math.sqrt %add3A_786 : vector<1x512xf32>
    %max3A_788 = arith.constant 9.99999996E-13 : f32
    %max3A_789 = vector.broadcast %max3A_788 : f32 to vector<1x512xf32>
    %max3A_790 = arith.maximumf %sqrt3A_787, %max3A_789 : vector<1x512xf32>
    %div3A_791 = arith.divf %add3A_771, %max3A_790 : vector<1x512xf32>
    %div3A_792 = arith.divf %add3A_776, %max3A_790 : vector<1x512xf32>
    %div3A_793 = arith.divf %add3A_781, %max3A_790 : vector<1x512xf32>
    %sub3A_794 = arith.subf %div3A_791, %div3A : vector<1x512xf32>
    %sub3A_795 = arith.subf %div3A_792, %div3A_76 : vector<1x512xf32>
    %sub3A_796 = arith.subf %div3A_793, %div3A_77 : vector<1x512xf32>
    %mul3A_797 = arith.mulf %sub3A_794, %sub3A_794 : vector<1x512xf32>
    %mul3A_798 = arith.mulf %sub3A_795, %sub3A_795 : vector<1x512xf32>
    %add3A_799 = arith.addf %mul3A_797, %mul3A_798 : vector<1x512xf32>
    %mul3A_800 = arith.mulf %sub3A_796, %sub3A_796 : vector<1x512xf32>
    %add3A_801 = arith.addf %add3A_799, %mul3A_800 : vector<1x512xf32>
    %sqrt3A_802 = math.sqrt %add3A_801 : vector<1x512xf32>
    %mul3A_803 = arith.mulf %sub3A_794, %add3A_771 : vector<1x512xf32>
    %mul3A_804 = arith.mulf %sub3A_795, %add3A_776 : vector<1x512xf32>
    %add3A_805 = arith.addf %mul3A_803, %mul3A_804 : vector<1x512xf32>
    %mul3A_806 = arith.mulf %sub3A_796, %add3A_781 : vector<1x512xf32>
    %add3A_807 = arith.addf %add3A_805, %mul3A_806 : vector<1x512xf32>
    %gt3A_808 = arith.constant 9.99999996E-13 : f32
    %gt3A_809 = vector.broadcast %gt3A_808 : f32 to vector<1x512xf32>
    %gt3A_810 = arith.cmpf ogt, %sqrt3A_787, %gt3A_809 : vector<1x512xf32>
    %mul3A_811 = arith.mulf %sqrt3A_787, %max3A_790 : vector<1x512xf32>
    %mul3A_812 = arith.mulf %mul3A_811, %max3A_790 : vector<1x512xf32>
    %div3A_813 = arith.constant 1.000000e+00 : f32
    %div3A_814 = vector.broadcast %div3A_813 : f32 to vector<1x512xf32>
    %div3A_815 = arith.divf %div3A_814, %mul3A_812 : vector<1x512xf32>
    %jit3A_816 = arith.constant 0.000000e+00 : f32
    %broadcast_in_dim3A_817 = vector.broadcast %jit3A_816 : f32 to vector<1x512xf32>
    %select_n3A_818 = arith.select %gt3A_810, %div3A_815, %broadcast_in_dim3A_817 : vector<1x512xi1>, vector<1x512xf32>
    %mul3A_819 = arith.mulf %sub3A_794, %sub3A_83 : vector<1x512xf32>
    %mul3A_820 = arith.mulf %sub3A_795, %sub3A_84 : vector<1x512xf32>
    %add3A_821 = arith.addf %mul3A_819, %mul3A_820 : vector<1x512xf32>
    %mul3A_822 = arith.mulf %sub3A_796, %sub3A_85 : vector<1x512xf32>
    %add3A_823 = arith.addf %add3A_821, %mul3A_822 : vector<1x512xf32>
    %div3A_824 = arith.divf %add3A_823, %max3A_790 : vector<1x512xf32>
    %mul3A_825 = arith.mulf %add3A_771, %sub3A_83 : vector<1x512xf32>
    %mul3A_826 = arith.mulf %add3A_776, %sub3A_84 : vector<1x512xf32>
    %add3A_827 = arith.addf %mul3A_825, %mul3A_826 : vector<1x512xf32>
    %mul3A_828 = arith.mulf %add3A_781, %sub3A_85 : vector<1x512xf32>
    %add3A_829 = arith.addf %add3A_827, %mul3A_828 : vector<1x512xf32>
    %mul3A_830 = arith.mulf %add3A_807, %add3A_829 : vector<1x512xf32>
    %mul3A_831 = arith.mulf %mul3A_830, %select_n3A_818 : vector<1x512xf32>
    %sub3A_832 = arith.subf %div3A_824, %mul3A_831 : vector<1x512xf32>
    %div3A_833 = arith.divf %sub3A_832, %sqrt3A_802 : vector<1x512xf32>
    %mul3A_834 = arith.mulf %sub3A_794, %sub3A_86 : vector<1x512xf32>
    %mul3A_835 = arith.mulf %sub3A_795, %sub3A_87 : vector<1x512xf32>
    %add3A_836 = arith.addf %mul3A_834, %mul3A_835 : vector<1x512xf32>
    %mul3A_837 = arith.mulf %sub3A_796, %sub3A_88 : vector<1x512xf32>
    %add3A_838 = arith.addf %add3A_836, %mul3A_837 : vector<1x512xf32>
    %div3A_839 = arith.divf %add3A_838, %max3A_790 : vector<1x512xf32>
    %mul3A_840 = arith.mulf %add3A_771, %sub3A_86 : vector<1x512xf32>
    %mul3A_841 = arith.mulf %add3A_776, %sub3A_87 : vector<1x512xf32>
    %add3A_842 = arith.addf %mul3A_840, %mul3A_841 : vector<1x512xf32>
    %mul3A_843 = arith.mulf %add3A_781, %sub3A_88 : vector<1x512xf32>
    %add3A_844 = arith.addf %add3A_842, %mul3A_843 : vector<1x512xf32>
    %mul3A_845 = arith.mulf %add3A_807, %add3A_844 : vector<1x512xf32>
    %mul3A_846 = arith.mulf %mul3A_845, %select_n3A_818 : vector<1x512xf32>
    %sub3A_847 = arith.subf %div3A_839, %mul3A_846 : vector<1x512xf32>
    %div3A_848 = arith.divf %sub3A_847, %sqrt3A_802 : vector<1x512xf32>
    %mul3A_849 = arith.mulf %sub3A_758, %sub3A : vector<1x512xf32>
    %mul3A_850 = arith.mulf %sub3A_759, %sub3A_78 : vector<1x512xf32>
    %add3A_851 = arith.addf %mul3A_849, %mul3A_850 : vector<1x512xf32>
    %mul3A_852 = arith.mulf %sub3A_760, %sub3A_79 : vector<1x512xf32>
    %add3A_853 = arith.addf %add3A_851, %mul3A_852 : vector<1x512xf32>
    %div3A_854 = arith.divf %add3A_853, %sqrt3A_766 : vector<1x512xf32>
    %mul3A_855 = arith.constant 0.00999999977 : f32
    %mul3A_856 = vector.broadcast %mul3A_855 : f32 to vector<1x512xf32>
    %mul3A_857 = arith.mulf %mul3A_856, %div3A_833 : vector<1x512xf32>
    %add3A_858 = arith.addf %div3A_854, %mul3A_857 : vector<1x512xf32>
    %mul3A_859 = arith.constant 2.44140625E-4 : f32
    %mul3A_860 = vector.broadcast %mul3A_859 : f32 to vector<1x512xf32>
    %mul3A_861 = arith.mulf %add3A_858, %mul3A_860 : vector<1x512xf32>
    %mul3A_862 = arith.mulf %sub3A_758, %sub3A_80 : vector<1x512xf32>
    %mul3A_863 = arith.mulf %sub3A_759, %sub3A_81 : vector<1x512xf32>
    %add3A_864 = arith.addf %mul3A_862, %mul3A_863 : vector<1x512xf32>
    %mul3A_865 = arith.mulf %sub3A_760, %sub3A_82 : vector<1x512xf32>
    %add3A_866 = arith.addf %add3A_864, %mul3A_865 : vector<1x512xf32>
    %div3A_867 = arith.divf %add3A_866, %sqrt3A_766 : vector<1x512xf32>
    %mul3A_868 = arith.constant 0.00999999977 : f32
    %mul3A_869 = vector.broadcast %mul3A_868 : f32 to vector<1x512xf32>
    %mul3A_870 = arith.mulf %mul3A_869, %div3A_848 : vector<1x512xf32>
    %add3A_871 = arith.addf %div3A_867, %mul3A_870 : vector<1x512xf32>
    %mul3A_872 = arith.constant 2.44140625E-4 : f32
    %mul3A_873 = vector.broadcast %mul3A_872 : f32 to vector<1x512xf32>
    %mul3A_874 = arith.mulf %add3A_871, %mul3A_873 : vector<1x512xf32>
    %mul3A_875 = arith.mulf %mul3A_861, %mul3A_861 : vector<1x512xf32>
    %add3A_876 = arith.addf %add3A_716, %mul3A_875 : vector<1x512xf32>
    %mul3A_877 = arith.mulf %mul3A_874, %mul3A_874 : vector<1x512xf32>
    %add3A_878 = arith.addf %add3A_718, %mul3A_877 : vector<1x512xf32>
    %mul3A_879 = arith.constant 0.142857149 : f32
    %mul3A_880 = vector.broadcast %mul3A_879 : f32 to vector<1x512xf32>
    %mul3A_881 = arith.mulf %mul3A_880, %mul3A_861 : vector<1x512xf32>
    %sqrt3A_882 = math.sqrt %add3A_876 : vector<1x512xf32>
    %add3A_883 = arith.constant 1.000000e-10 : f32
    %add3A_884 = vector.broadcast %add3A_883 : f32 to vector<1x512xf32>
    %add3A_885 = arith.addf %sqrt3A_882, %add3A_884 : vector<1x512xf32>
    %div3A_886 = arith.divf %mul3A_881, %add3A_885 : vector<1x512xf32>
    %sub3A_887 = arith.subf %sub3A_727, %div3A_886 : vector<1x512xf32>
    %mul3A_888 = arith.constant 0.142857149 : f32
    %mul3A_889 = vector.broadcast %mul3A_888 : f32 to vector<1x512xf32>
    %mul3A_890 = arith.mulf %mul3A_889, %mul3A_874 : vector<1x512xf32>
    %sqrt3A_891 = math.sqrt %add3A_878 : vector<1x512xf32>
    %add3A_892 = arith.constant 1.000000e-10 : f32
    %add3A_893 = vector.broadcast %add3A_892 : f32 to vector<1x512xf32>
    %add3A_894 = arith.addf %sqrt3A_891, %add3A_893 : vector<1x512xf32>
    %div3A_895 = arith.divf %mul3A_890, %add3A_894 : vector<1x512xf32>
    %sub3A_896 = arith.subf %sub3A_736, %div3A_895 : vector<1x512xf32>
    %add3A_897 = arith.addf %broadcast_in_dim3A_89, %sub3A_887 : vector<1x512xf32>
    %add3A_898 = arith.addf %broadcast_in_dim3A_91, %sub3A_896 : vector<1x512xf32>
    %sub3A_899 = arith.constant 1.000000e+00 : f32
    %sub3A_900 = vector.broadcast %sub3A_899 : f32 to vector<1x512xf32>
    %sub3A_901 = arith.subf %sub3A_900, %add3A_897 : vector<1x512xf32>
    %sub3A_902 = arith.subf %sub3A_901, %add3A_898 : vector<1x512xf32>
    %mul3A_903 = arith.mulf %get3A_1, %add3A_897 : vector<1x512xf32>
    %mul3A_904 = arith.mulf %get3A_10, %add3A_898 : vector<1x512xf32>
    %add3A_905 = arith.addf %mul3A_903, %mul3A_904 : vector<1x512xf32>
    %mul3A_906 = arith.mulf %get3A_19, %sub3A_902 : vector<1x512xf32>
    %add3A_907 = arith.addf %add3A_905, %mul3A_906 : vector<1x512xf32>
    %mul3A_908 = arith.mulf %get3A_4, %add3A_897 : vector<1x512xf32>
    %mul3A_909 = arith.mulf %get3A_13, %add3A_898 : vector<1x512xf32>
    %add3A_910 = arith.addf %mul3A_908, %mul3A_909 : vector<1x512xf32>
    %mul3A_911 = arith.mulf %get3A_22, %sub3A_902 : vector<1x512xf32>
    %add3A_912 = arith.addf %add3A_910, %mul3A_911 : vector<1x512xf32>
    %mul3A_913 = arith.mulf %get3A_7, %add3A_897 : vector<1x512xf32>
    %mul3A_914 = arith.mulf %get3A_16, %add3A_898 : vector<1x512xf32>
    %add3A_915 = arith.addf %mul3A_913, %mul3A_914 : vector<1x512xf32>
    %mul3A_916 = arith.mulf %get3A_25, %sub3A_902 : vector<1x512xf32>
    %add3A_917 = arith.addf %add3A_915, %mul3A_916 : vector<1x512xf32>
    %sub3A_918 = arith.subf %add3A_907, %get3A_55 : vector<1x512xf32>
    %sub3A_919 = arith.subf %add3A_912, %get3A_58 : vector<1x512xf32>
    %sub3A_920 = arith.subf %add3A_917, %get3A_61 : vector<1x512xf32>
    %mul3A_921 = arith.mulf %sub3A_918, %sub3A_918 : vector<1x512xf32>
    %mul3A_922 = arith.mulf %sub3A_919, %sub3A_919 : vector<1x512xf32>
    %add3A_923 = arith.addf %mul3A_921, %mul3A_922 : vector<1x512xf32>
    %mul3A_924 = arith.mulf %sub3A_920, %sub3A_920 : vector<1x512xf32>
    %add3A_925 = arith.addf %add3A_923, %mul3A_924 : vector<1x512xf32>
    %sqrt3A_926 = math.sqrt %add3A_925 : vector<1x512xf32>
    %mul3A_927 = arith.mulf %get3A_28, %add3A_897 : vector<1x512xf32>
    %mul3A_928 = arith.mulf %get3A_37, %add3A_898 : vector<1x512xf32>
    %add3A_929 = arith.addf %mul3A_927, %mul3A_928 : vector<1x512xf32>
    %mul3A_930 = arith.mulf %get3A_46, %sub3A_902 : vector<1x512xf32>
    %add3A_931 = arith.addf %add3A_929, %mul3A_930 : vector<1x512xf32>
    %mul3A_932 = arith.mulf %get3A_31, %add3A_897 : vector<1x512xf32>
    %mul3A_933 = arith.mulf %get3A_40, %add3A_898 : vector<1x512xf32>
    %add3A_934 = arith.addf %mul3A_932, %mul3A_933 : vector<1x512xf32>
    %mul3A_935 = arith.mulf %get3A_49, %sub3A_902 : vector<1x512xf32>
    %add3A_936 = arith.addf %add3A_934, %mul3A_935 : vector<1x512xf32>
    %mul3A_937 = arith.mulf %get3A_34, %add3A_897 : vector<1x512xf32>
    %mul3A_938 = arith.mulf %get3A_43, %add3A_898 : vector<1x512xf32>
    %add3A_939 = arith.addf %mul3A_937, %mul3A_938 : vector<1x512xf32>
    %mul3A_940 = arith.mulf %get3A_52, %sub3A_902 : vector<1x512xf32>
    %add3A_941 = arith.addf %add3A_939, %mul3A_940 : vector<1x512xf32>
    %mul3A_942 = arith.mulf %add3A_931, %add3A_931 : vector<1x512xf32>
    %mul3A_943 = arith.mulf %add3A_936, %add3A_936 : vector<1x512xf32>
    %add3A_944 = arith.addf %mul3A_942, %mul3A_943 : vector<1x512xf32>
    %mul3A_945 = arith.mulf %add3A_941, %add3A_941 : vector<1x512xf32>
    %add3A_946 = arith.addf %add3A_944, %mul3A_945 : vector<1x512xf32>
    %sqrt3A_947 = math.sqrt %add3A_946 : vector<1x512xf32>
    %max3A_948 = arith.constant 9.99999996E-13 : f32
    %max3A_949 = vector.broadcast %max3A_948 : f32 to vector<1x512xf32>
    %max3A_950 = arith.maximumf %sqrt3A_947, %max3A_949 : vector<1x512xf32>
    %div3A_951 = arith.divf %add3A_931, %max3A_950 : vector<1x512xf32>
    %div3A_952 = arith.divf %add3A_936, %max3A_950 : vector<1x512xf32>
    %div3A_953 = arith.divf %add3A_941, %max3A_950 : vector<1x512xf32>
    %sub3A_954 = arith.subf %div3A_951, %div3A : vector<1x512xf32>
    %sub3A_955 = arith.subf %div3A_952, %div3A_76 : vector<1x512xf32>
    %sub3A_956 = arith.subf %div3A_953, %div3A_77 : vector<1x512xf32>
    %mul3A_957 = arith.mulf %sub3A_954, %sub3A_954 : vector<1x512xf32>
    %mul3A_958 = arith.mulf %sub3A_955, %sub3A_955 : vector<1x512xf32>
    %add3A_959 = arith.addf %mul3A_957, %mul3A_958 : vector<1x512xf32>
    %mul3A_960 = arith.mulf %sub3A_956, %sub3A_956 : vector<1x512xf32>
    %add3A_961 = arith.addf %add3A_959, %mul3A_960 : vector<1x512xf32>
    %sqrt3A_962 = math.sqrt %add3A_961 : vector<1x512xf32>
    %mul3A_963 = arith.mulf %sub3A_954, %add3A_931 : vector<1x512xf32>
    %mul3A_964 = arith.mulf %sub3A_955, %add3A_936 : vector<1x512xf32>
    %add3A_965 = arith.addf %mul3A_963, %mul3A_964 : vector<1x512xf32>
    %mul3A_966 = arith.mulf %sub3A_956, %add3A_941 : vector<1x512xf32>
    %add3A_967 = arith.addf %add3A_965, %mul3A_966 : vector<1x512xf32>
    %gt3A_968 = arith.constant 9.99999996E-13 : f32
    %gt3A_969 = vector.broadcast %gt3A_968 : f32 to vector<1x512xf32>
    %gt3A_970 = arith.cmpf ogt, %sqrt3A_947, %gt3A_969 : vector<1x512xf32>
    %mul3A_971 = arith.mulf %sqrt3A_947, %max3A_950 : vector<1x512xf32>
    %mul3A_972 = arith.mulf %mul3A_971, %max3A_950 : vector<1x512xf32>
    %div3A_973 = arith.constant 1.000000e+00 : f32
    %div3A_974 = vector.broadcast %div3A_973 : f32 to vector<1x512xf32>
    %div3A_975 = arith.divf %div3A_974, %mul3A_972 : vector<1x512xf32>
    %jit3A_976 = arith.constant 0.000000e+00 : f32
    %broadcast_in_dim3A_977 = vector.broadcast %jit3A_976 : f32 to vector<1x512xf32>
    %select_n3A_978 = arith.select %gt3A_970, %div3A_975, %broadcast_in_dim3A_977 : vector<1x512xi1>, vector<1x512xf32>
    %mul3A_979 = arith.mulf %sub3A_954, %sub3A_83 : vector<1x512xf32>
    %mul3A_980 = arith.mulf %sub3A_955, %sub3A_84 : vector<1x512xf32>
    %add3A_981 = arith.addf %mul3A_979, %mul3A_980 : vector<1x512xf32>
    %mul3A_982 = arith.mulf %sub3A_956, %sub3A_85 : vector<1x512xf32>
    %add3A_983 = arith.addf %add3A_981, %mul3A_982 : vector<1x512xf32>
    %div3A_984 = arith.divf %add3A_983, %max3A_950 : vector<1x512xf32>
    %mul3A_985 = arith.mulf %add3A_931, %sub3A_83 : vector<1x512xf32>
    %mul3A_986 = arith.mulf %add3A_936, %sub3A_84 : vector<1x512xf32>
    %add3A_987 = arith.addf %mul3A_985, %mul3A_986 : vector<1x512xf32>
    %mul3A_988 = arith.mulf %add3A_941, %sub3A_85 : vector<1x512xf32>
    %add3A_989 = arith.addf %add3A_987, %mul3A_988 : vector<1x512xf32>
    %mul3A_990 = arith.mulf %add3A_967, %add3A_989 : vector<1x512xf32>
    %mul3A_991 = arith.mulf %mul3A_990, %select_n3A_978 : vector<1x512xf32>
    %sub3A_992 = arith.subf %div3A_984, %mul3A_991 : vector<1x512xf32>
    %div3A_993 = arith.divf %sub3A_992, %sqrt3A_962 : vector<1x512xf32>
    %mul3A_994 = arith.mulf %sub3A_954, %sub3A_86 : vector<1x512xf32>
    %mul3A_995 = arith.mulf %sub3A_955, %sub3A_87 : vector<1x512xf32>
    %add3A_996 = arith.addf %mul3A_994, %mul3A_995 : vector<1x512xf32>
    %mul3A_997 = arith.mulf %sub3A_956, %sub3A_88 : vector<1x512xf32>
    %add3A_998 = arith.addf %add3A_996, %mul3A_997 : vector<1x512xf32>
    %div3A_999 = arith.divf %add3A_998, %max3A_950 : vector<1x512xf32>
    %mul3A_1000 = arith.mulf %add3A_931, %sub3A_86 : vector<1x512xf32>
    %mul3A_1001 = arith.mulf %add3A_936, %sub3A_87 : vector<1x512xf32>
    %add3A_1002 = arith.addf %mul3A_1000, %mul3A_1001 : vector<1x512xf32>
    %mul3A_1003 = arith.mulf %add3A_941, %sub3A_88 : vector<1x512xf32>
    %add3A_1004 = arith.addf %add3A_1002, %mul3A_1003 : vector<1x512xf32>
    %mul3A_1005 = arith.mulf %add3A_967, %add3A_1004 : vector<1x512xf32>
    %mul3A_1006 = arith.mulf %mul3A_1005, %select_n3A_978 : vector<1x512xf32>
    %sub3A_1007 = arith.subf %div3A_999, %mul3A_1006 : vector<1x512xf32>
    %div3A_1008 = arith.divf %sub3A_1007, %sqrt3A_962 : vector<1x512xf32>
    %mul3A_1009 = arith.mulf %sub3A_918, %sub3A : vector<1x512xf32>
    %mul3A_1010 = arith.mulf %sub3A_919, %sub3A_78 : vector<1x512xf32>
    %add3A_1011 = arith.addf %mul3A_1009, %mul3A_1010 : vector<1x512xf32>
    %mul3A_1012 = arith.mulf %sub3A_920, %sub3A_79 : vector<1x512xf32>
    %add3A_1013 = arith.addf %add3A_1011, %mul3A_1012 : vector<1x512xf32>
    %div3A_1014 = arith.divf %add3A_1013, %sqrt3A_926 : vector<1x512xf32>
    %mul3A_1015 = arith.constant 0.00999999977 : f32
    %mul3A_1016 = vector.broadcast %mul3A_1015 : f32 to vector<1x512xf32>
    %mul3A_1017 = arith.mulf %mul3A_1016, %div3A_993 : vector<1x512xf32>
    %add3A_1018 = arith.addf %div3A_1014, %mul3A_1017 : vector<1x512xf32>
    %mul3A_1019 = arith.constant 2.44140625E-4 : f32
    %mul3A_1020 = vector.broadcast %mul3A_1019 : f32 to vector<1x512xf32>
    %mul3A_1021 = arith.mulf %add3A_1018, %mul3A_1020 : vector<1x512xf32>
    %mul3A_1022 = arith.mulf %sub3A_918, %sub3A_80 : vector<1x512xf32>
    %mul3A_1023 = arith.mulf %sub3A_919, %sub3A_81 : vector<1x512xf32>
    %add3A_1024 = arith.addf %mul3A_1022, %mul3A_1023 : vector<1x512xf32>
    %mul3A_1025 = arith.mulf %sub3A_920, %sub3A_82 : vector<1x512xf32>
    %add3A_1026 = arith.addf %add3A_1024, %mul3A_1025 : vector<1x512xf32>
    %div3A_1027 = arith.divf %add3A_1026, %sqrt3A_926 : vector<1x512xf32>
    %mul3A_1028 = arith.constant 0.00999999977 : f32
    %mul3A_1029 = vector.broadcast %mul3A_1028 : f32 to vector<1x512xf32>
    %mul3A_1030 = arith.mulf %mul3A_1029, %div3A_1008 : vector<1x512xf32>
    %add3A_1031 = arith.addf %div3A_1027, %mul3A_1030 : vector<1x512xf32>
    %mul3A_1032 = arith.constant 2.44140625E-4 : f32
    %mul3A_1033 = vector.broadcast %mul3A_1032 : f32 to vector<1x512xf32>
    %mul3A_1034 = arith.mulf %add3A_1031, %mul3A_1033 : vector<1x512xf32>
    %mul3A_1035 = arith.mulf %mul3A_1021, %mul3A_1021 : vector<1x512xf32>
    %add3A_1036 = arith.addf %add3A_876, %mul3A_1035 : vector<1x512xf32>
    %mul3A_1037 = arith.mulf %mul3A_1034, %mul3A_1034 : vector<1x512xf32>
    %add3A_1038 = arith.addf %add3A_878, %mul3A_1037 : vector<1x512xf32>
    %mul3A_1039 = arith.constant 0.13333334 : f32
    %mul3A_1040 = vector.broadcast %mul3A_1039 : f32 to vector<1x512xf32>
    %mul3A_1041 = arith.mulf %mul3A_1040, %mul3A_1021 : vector<1x512xf32>
    %sqrt3A_1042 = math.sqrt %add3A_1036 : vector<1x512xf32>
    %add3A_1043 = arith.constant 1.000000e-10 : f32
    %add3A_1044 = vector.broadcast %add3A_1043 : f32 to vector<1x512xf32>
    %add3A_1045 = arith.addf %sqrt3A_1042, %add3A_1044 : vector<1x512xf32>
    %div3A_1046 = arith.divf %mul3A_1041, %add3A_1045 : vector<1x512xf32>
    %sub3A_1047 = arith.subf %sub3A_887, %div3A_1046 : vector<1x512xf32>
    %mul3A_1048 = arith.constant 0.13333334 : f32
    %mul3A_1049 = vector.broadcast %mul3A_1048 : f32 to vector<1x512xf32>
    %mul3A_1050 = arith.mulf %mul3A_1049, %mul3A_1034 : vector<1x512xf32>
    %sqrt3A_1051 = math.sqrt %add3A_1038 : vector<1x512xf32>
    %add3A_1052 = arith.constant 1.000000e-10 : f32
    %add3A_1053 = vector.broadcast %add3A_1052 : f32 to vector<1x512xf32>
    %add3A_1054 = arith.addf %sqrt3A_1051, %add3A_1053 : vector<1x512xf32>
    %div3A_1055 = arith.divf %mul3A_1050, %add3A_1054 : vector<1x512xf32>
    %sub3A_1056 = arith.subf %sub3A_896, %div3A_1055 : vector<1x512xf32>
    %add3A_1057 = arith.addf %broadcast_in_dim3A_89, %sub3A_1047 : vector<1x512xf32>
    %add3A_1058 = arith.addf %broadcast_in_dim3A_91, %sub3A_1056 : vector<1x512xf32>
    %sub3A_1059 = arith.constant 1.000000e+00 : f32
    %sub3A_1060 = vector.broadcast %sub3A_1059 : f32 to vector<1x512xf32>
    %sub3A_1061 = arith.subf %sub3A_1060, %add3A_1057 : vector<1x512xf32>
    %sub3A_1062 = arith.subf %sub3A_1061, %add3A_1058 : vector<1x512xf32>
    %mul3A_1063 = arith.mulf %get3A_1, %add3A_1057 : vector<1x512xf32>
    %mul3A_1064 = arith.mulf %get3A_10, %add3A_1058 : vector<1x512xf32>
    %add3A_1065 = arith.addf %mul3A_1063, %mul3A_1064 : vector<1x512xf32>
    %mul3A_1066 = arith.mulf %get3A_19, %sub3A_1062 : vector<1x512xf32>
    %add3A_1067 = arith.addf %add3A_1065, %mul3A_1066 : vector<1x512xf32>
    %mul3A_1068 = arith.mulf %get3A_4, %add3A_1057 : vector<1x512xf32>
    %mul3A_1069 = arith.mulf %get3A_13, %add3A_1058 : vector<1x512xf32>
    %add3A_1070 = arith.addf %mul3A_1068, %mul3A_1069 : vector<1x512xf32>
    %mul3A_1071 = arith.mulf %get3A_22, %sub3A_1062 : vector<1x512xf32>
    %add3A_1072 = arith.addf %add3A_1070, %mul3A_1071 : vector<1x512xf32>
    %mul3A_1073 = arith.mulf %get3A_7, %add3A_1057 : vector<1x512xf32>
    %mul3A_1074 = arith.mulf %get3A_16, %add3A_1058 : vector<1x512xf32>
    %add3A_1075 = arith.addf %mul3A_1073, %mul3A_1074 : vector<1x512xf32>
    %mul3A_1076 = arith.mulf %get3A_25, %sub3A_1062 : vector<1x512xf32>
    %add3A_1077 = arith.addf %add3A_1075, %mul3A_1076 : vector<1x512xf32>
    %sub3A_1078 = arith.subf %add3A_1067, %get3A_55 : vector<1x512xf32>
    %sub3A_1079 = arith.subf %add3A_1072, %get3A_58 : vector<1x512xf32>
    %sub3A_1080 = arith.subf %add3A_1077, %get3A_61 : vector<1x512xf32>
    %mul3A_1081 = arith.mulf %sub3A_1078, %sub3A_1078 : vector<1x512xf32>
    %mul3A_1082 = arith.mulf %sub3A_1079, %sub3A_1079 : vector<1x512xf32>
    %add3A_1083 = arith.addf %mul3A_1081, %mul3A_1082 : vector<1x512xf32>
    %mul3A_1084 = arith.mulf %sub3A_1080, %sub3A_1080 : vector<1x512xf32>
    %add3A_1085 = arith.addf %add3A_1083, %mul3A_1084 : vector<1x512xf32>
    %sqrt3A_1086 = math.sqrt %add3A_1085 : vector<1x512xf32>
    %mul3A_1087 = arith.mulf %get3A_28, %add3A_1057 : vector<1x512xf32>
    %mul3A_1088 = arith.mulf %get3A_37, %add3A_1058 : vector<1x512xf32>
    %add3A_1089 = arith.addf %mul3A_1087, %mul3A_1088 : vector<1x512xf32>
    %mul3A_1090 = arith.mulf %get3A_46, %sub3A_1062 : vector<1x512xf32>
    %add3A_1091 = arith.addf %add3A_1089, %mul3A_1090 : vector<1x512xf32>
    %mul3A_1092 = arith.mulf %get3A_31, %add3A_1057 : vector<1x512xf32>
    %mul3A_1093 = arith.mulf %get3A_40, %add3A_1058 : vector<1x512xf32>
    %add3A_1094 = arith.addf %mul3A_1092, %mul3A_1093 : vector<1x512xf32>
    %mul3A_1095 = arith.mulf %get3A_49, %sub3A_1062 : vector<1x512xf32>
    %add3A_1096 = arith.addf %add3A_1094, %mul3A_1095 : vector<1x512xf32>
    %mul3A_1097 = arith.mulf %get3A_34, %add3A_1057 : vector<1x512xf32>
    %mul3A_1098 = arith.mulf %get3A_43, %add3A_1058 : vector<1x512xf32>
    %add3A_1099 = arith.addf %mul3A_1097, %mul3A_1098 : vector<1x512xf32>
    %mul3A_1100 = arith.mulf %get3A_52, %sub3A_1062 : vector<1x512xf32>
    %add3A_1101 = arith.addf %add3A_1099, %mul3A_1100 : vector<1x512xf32>
    %mul3A_1102 = arith.mulf %add3A_1091, %add3A_1091 : vector<1x512xf32>
    %mul3A_1103 = arith.mulf %add3A_1096, %add3A_1096 : vector<1x512xf32>
    %add3A_1104 = arith.addf %mul3A_1102, %mul3A_1103 : vector<1x512xf32>
    %mul3A_1105 = arith.mulf %add3A_1101, %add3A_1101 : vector<1x512xf32>
    %add3A_1106 = arith.addf %add3A_1104, %mul3A_1105 : vector<1x512xf32>
    %sqrt3A_1107 = math.sqrt %add3A_1106 : vector<1x512xf32>
    %max3A_1108 = arith.constant 9.99999996E-13 : f32
    %max3A_1109 = vector.broadcast %max3A_1108 : f32 to vector<1x512xf32>
    %max3A_1110 = arith.maximumf %sqrt3A_1107, %max3A_1109 : vector<1x512xf32>
    %div3A_1111 = arith.divf %add3A_1091, %max3A_1110 : vector<1x512xf32>
    %div3A_1112 = arith.divf %add3A_1096, %max3A_1110 : vector<1x512xf32>
    %div3A_1113 = arith.divf %add3A_1101, %max3A_1110 : vector<1x512xf32>
    %sub3A_1114 = arith.subf %div3A_1111, %div3A : vector<1x512xf32>
    %sub3A_1115 = arith.subf %div3A_1112, %div3A_76 : vector<1x512xf32>
    %sub3A_1116 = arith.subf %div3A_1113, %div3A_77 : vector<1x512xf32>
    %mul3A_1117 = arith.mulf %sub3A_1114, %sub3A_1114 : vector<1x512xf32>
    %mul3A_1118 = arith.mulf %sub3A_1115, %sub3A_1115 : vector<1x512xf32>
    %add3A_1119 = arith.addf %mul3A_1117, %mul3A_1118 : vector<1x512xf32>
    %mul3A_1120 = arith.mulf %sub3A_1116, %sub3A_1116 : vector<1x512xf32>
    %add3A_1121 = arith.addf %add3A_1119, %mul3A_1120 : vector<1x512xf32>
    %sqrt3A_1122 = math.sqrt %add3A_1121 : vector<1x512xf32>
    %mul3A_1123 = arith.mulf %sub3A_1114, %add3A_1091 : vector<1x512xf32>
    %mul3A_1124 = arith.mulf %sub3A_1115, %add3A_1096 : vector<1x512xf32>
    %add3A_1125 = arith.addf %mul3A_1123, %mul3A_1124 : vector<1x512xf32>
    %mul3A_1126 = arith.mulf %sub3A_1116, %add3A_1101 : vector<1x512xf32>
    %add3A_1127 = arith.addf %add3A_1125, %mul3A_1126 : vector<1x512xf32>
    %gt3A_1128 = arith.constant 9.99999996E-13 : f32
    %gt3A_1129 = vector.broadcast %gt3A_1128 : f32 to vector<1x512xf32>
    %gt3A_1130 = arith.cmpf ogt, %sqrt3A_1107, %gt3A_1129 : vector<1x512xf32>
    %mul3A_1131 = arith.mulf %sqrt3A_1107, %max3A_1110 : vector<1x512xf32>
    %mul3A_1132 = arith.mulf %mul3A_1131, %max3A_1110 : vector<1x512xf32>
    %div3A_1133 = arith.constant 1.000000e+00 : f32
    %div3A_1134 = vector.broadcast %div3A_1133 : f32 to vector<1x512xf32>
    %div3A_1135 = arith.divf %div3A_1134, %mul3A_1132 : vector<1x512xf32>
    %jit3A_1136 = arith.constant 0.000000e+00 : f32
    %broadcast_in_dim3A_1137 = vector.broadcast %jit3A_1136 : f32 to vector<1x512xf32>
    %select_n3A_1138 = arith.select %gt3A_1130, %div3A_1135, %broadcast_in_dim3A_1137 : vector<1x512xi1>, vector<1x512xf32>
    %mul3A_1139 = arith.mulf %sub3A_1114, %sub3A_83 : vector<1x512xf32>
    %mul3A_1140 = arith.mulf %sub3A_1115, %sub3A_84 : vector<1x512xf32>
    %add3A_1141 = arith.addf %mul3A_1139, %mul3A_1140 : vector<1x512xf32>
    %mul3A_1142 = arith.mulf %sub3A_1116, %sub3A_85 : vector<1x512xf32>
    %add3A_1143 = arith.addf %add3A_1141, %mul3A_1142 : vector<1x512xf32>
    %div3A_1144 = arith.divf %add3A_1143, %max3A_1110 : vector<1x512xf32>
    %mul3A_1145 = arith.mulf %add3A_1091, %sub3A_83 : vector<1x512xf32>
    %mul3A_1146 = arith.mulf %add3A_1096, %sub3A_84 : vector<1x512xf32>
    %add3A_1147 = arith.addf %mul3A_1145, %mul3A_1146 : vector<1x512xf32>
    %mul3A_1148 = arith.mulf %add3A_1101, %sub3A_85 : vector<1x512xf32>
    %add3A_1149 = arith.addf %add3A_1147, %mul3A_1148 : vector<1x512xf32>
    %mul3A_1150 = arith.mulf %add3A_1127, %add3A_1149 : vector<1x512xf32>
    %mul3A_1151 = arith.mulf %mul3A_1150, %select_n3A_1138 : vector<1x512xf32>
    %sub3A_1152 = arith.subf %div3A_1144, %mul3A_1151 : vector<1x512xf32>
    %div3A_1153 = arith.divf %sub3A_1152, %sqrt3A_1122 : vector<1x512xf32>
    %mul3A_1154 = arith.mulf %sub3A_1114, %sub3A_86 : vector<1x512xf32>
    %mul3A_1155 = arith.mulf %sub3A_1115, %sub3A_87 : vector<1x512xf32>
    %add3A_1156 = arith.addf %mul3A_1154, %mul3A_1155 : vector<1x512xf32>
    %mul3A_1157 = arith.mulf %sub3A_1116, %sub3A_88 : vector<1x512xf32>
    %add3A_1158 = arith.addf %add3A_1156, %mul3A_1157 : vector<1x512xf32>
    %div3A_1159 = arith.divf %add3A_1158, %max3A_1110 : vector<1x512xf32>
    %mul3A_1160 = arith.mulf %add3A_1091, %sub3A_86 : vector<1x512xf32>
    %mul3A_1161 = arith.mulf %add3A_1096, %sub3A_87 : vector<1x512xf32>
    %add3A_1162 = arith.addf %mul3A_1160, %mul3A_1161 : vector<1x512xf32>
    %mul3A_1163 = arith.mulf %add3A_1101, %sub3A_88 : vector<1x512xf32>
    %add3A_1164 = arith.addf %add3A_1162, %mul3A_1163 : vector<1x512xf32>
    %mul3A_1165 = arith.mulf %add3A_1127, %add3A_1164 : vector<1x512xf32>
    %mul3A_1166 = arith.mulf %mul3A_1165, %select_n3A_1138 : vector<1x512xf32>
    %sub3A_1167 = arith.subf %div3A_1159, %mul3A_1166 : vector<1x512xf32>
    %div3A_1168 = arith.divf %sub3A_1167, %sqrt3A_1122 : vector<1x512xf32>
    %mul3A_1169 = arith.mulf %sub3A_1078, %sub3A : vector<1x512xf32>
    %mul3A_1170 = arith.mulf %sub3A_1079, %sub3A_78 : vector<1x512xf32>
    %add3A_1171 = arith.addf %mul3A_1169, %mul3A_1170 : vector<1x512xf32>
    %mul3A_1172 = arith.mulf %sub3A_1080, %sub3A_79 : vector<1x512xf32>
    %add3A_1173 = arith.addf %add3A_1171, %mul3A_1172 : vector<1x512xf32>
    %div3A_1174 = arith.divf %add3A_1173, %sqrt3A_1086 : vector<1x512xf32>
    %mul3A_1175 = arith.constant 0.00999999977 : f32
    %mul3A_1176 = vector.broadcast %mul3A_1175 : f32 to vector<1x512xf32>
    %mul3A_1177 = arith.mulf %mul3A_1176, %div3A_1153 : vector<1x512xf32>
    %add3A_1178 = arith.addf %div3A_1174, %mul3A_1177 : vector<1x512xf32>
    %mul3A_1179 = arith.constant 2.44140625E-4 : f32
    %mul3A_1180 = vector.broadcast %mul3A_1179 : f32 to vector<1x512xf32>
    %mul3A_1181 = arith.mulf %add3A_1178, %mul3A_1180 : vector<1x512xf32>
    %mul3A_1182 = arith.mulf %sub3A_1078, %sub3A_80 : vector<1x512xf32>
    %mul3A_1183 = arith.mulf %sub3A_1079, %sub3A_81 : vector<1x512xf32>
    %add3A_1184 = arith.addf %mul3A_1182, %mul3A_1183 : vector<1x512xf32>
    %mul3A_1185 = arith.mulf %sub3A_1080, %sub3A_82 : vector<1x512xf32>
    %add3A_1186 = arith.addf %add3A_1184, %mul3A_1185 : vector<1x512xf32>
    %div3A_1187 = arith.divf %add3A_1186, %sqrt3A_1086 : vector<1x512xf32>
    %mul3A_1188 = arith.constant 0.00999999977 : f32
    %mul3A_1189 = vector.broadcast %mul3A_1188 : f32 to vector<1x512xf32>
    %mul3A_1190 = arith.mulf %mul3A_1189, %div3A_1168 : vector<1x512xf32>
    %add3A_1191 = arith.addf %div3A_1187, %mul3A_1190 : vector<1x512xf32>
    %mul3A_1192 = arith.constant 2.44140625E-4 : f32
    %mul3A_1193 = vector.broadcast %mul3A_1192 : f32 to vector<1x512xf32>
    %mul3A_1194 = arith.mulf %add3A_1191, %mul3A_1193 : vector<1x512xf32>
    %mul3A_1195 = arith.mulf %mul3A_1181, %mul3A_1181 : vector<1x512xf32>
    %add3A_1196 = arith.addf %add3A_1036, %mul3A_1195 : vector<1x512xf32>
    %mul3A_1197 = arith.mulf %mul3A_1194, %mul3A_1194 : vector<1x512xf32>
    %add3A_1198 = arith.addf %add3A_1038, %mul3A_1197 : vector<1x512xf32>
    %mul3A_1199 = arith.constant 1.250000e-01 : f32
    %mul3A_1200 = vector.broadcast %mul3A_1199 : f32 to vector<1x512xf32>
    %mul3A_1201 = arith.mulf %mul3A_1200, %mul3A_1181 : vector<1x512xf32>
    %sqrt3A_1202 = math.sqrt %add3A_1196 : vector<1x512xf32>
    %add3A_1203 = arith.constant 1.000000e-10 : f32
    %add3A_1204 = vector.broadcast %add3A_1203 : f32 to vector<1x512xf32>
    %add3A_1205 = arith.addf %sqrt3A_1202, %add3A_1204 : vector<1x512xf32>
    %div3A_1206 = arith.divf %mul3A_1201, %add3A_1205 : vector<1x512xf32>
    %sub3A_1207 = arith.subf %sub3A_1047, %div3A_1206 : vector<1x512xf32>
    %mul3A_1208 = arith.constant 1.250000e-01 : f32
    %mul3A_1209 = vector.broadcast %mul3A_1208 : f32 to vector<1x512xf32>
    %mul3A_1210 = arith.mulf %mul3A_1209, %mul3A_1194 : vector<1x512xf32>
    %sqrt3A_1211 = math.sqrt %add3A_1198 : vector<1x512xf32>
    %add3A_1212 = arith.constant 1.000000e-10 : f32
    %add3A_1213 = vector.broadcast %add3A_1212 : f32 to vector<1x512xf32>
    %add3A_1214 = arith.addf %sqrt3A_1211, %add3A_1213 : vector<1x512xf32>
    %div3A_1215 = arith.divf %mul3A_1210, %add3A_1214 : vector<1x512xf32>
    %sub3A_1216 = arith.subf %sub3A_1056, %div3A_1215 : vector<1x512xf32>
    %add3A_1217 = arith.addf %broadcast_in_dim3A_89, %sub3A_1207 : vector<1x512xf32>
    %add3A_1218 = arith.addf %broadcast_in_dim3A_91, %sub3A_1216 : vector<1x512xf32>
    %sub3A_1219 = arith.constant 1.000000e+00 : f32
    %sub3A_1220 = vector.broadcast %sub3A_1219 : f32 to vector<1x512xf32>
    %sub3A_1221 = arith.subf %sub3A_1220, %add3A_1217 : vector<1x512xf32>
    %sub3A_1222 = arith.subf %sub3A_1221, %add3A_1218 : vector<1x512xf32>
    %mul3A_1223 = arith.mulf %get3A_1, %add3A_1217 : vector<1x512xf32>
    %mul3A_1224 = arith.mulf %get3A_10, %add3A_1218 : vector<1x512xf32>
    %add3A_1225 = arith.addf %mul3A_1223, %mul3A_1224 : vector<1x512xf32>
    %mul3A_1226 = arith.mulf %get3A_19, %sub3A_1222 : vector<1x512xf32>
    %add3A_1227 = arith.addf %add3A_1225, %mul3A_1226 : vector<1x512xf32>
    %mul3A_1228 = arith.mulf %get3A_4, %add3A_1217 : vector<1x512xf32>
    %mul3A_1229 = arith.mulf %get3A_13, %add3A_1218 : vector<1x512xf32>
    %add3A_1230 = arith.addf %mul3A_1228, %mul3A_1229 : vector<1x512xf32>
    %mul3A_1231 = arith.mulf %get3A_22, %sub3A_1222 : vector<1x512xf32>
    %add3A_1232 = arith.addf %add3A_1230, %mul3A_1231 : vector<1x512xf32>
    %mul3A_1233 = arith.mulf %get3A_7, %add3A_1217 : vector<1x512xf32>
    %mul3A_1234 = arith.mulf %get3A_16, %add3A_1218 : vector<1x512xf32>
    %add3A_1235 = arith.addf %mul3A_1233, %mul3A_1234 : vector<1x512xf32>
    %mul3A_1236 = arith.mulf %get3A_25, %sub3A_1222 : vector<1x512xf32>
    %add3A_1237 = arith.addf %add3A_1235, %mul3A_1236 : vector<1x512xf32>
    %sub3A_1238 = arith.subf %add3A_1227, %get3A_55 : vector<1x512xf32>
    %sub3A_1239 = arith.subf %add3A_1232, %get3A_58 : vector<1x512xf32>
    %sub3A_1240 = arith.subf %add3A_1237, %get3A_61 : vector<1x512xf32>
    %mul3A_1241 = arith.mulf %sub3A_1238, %sub3A_1238 : vector<1x512xf32>
    %mul3A_1242 = arith.mulf %sub3A_1239, %sub3A_1239 : vector<1x512xf32>
    %add3A_1243 = arith.addf %mul3A_1241, %mul3A_1242 : vector<1x512xf32>
    %mul3A_1244 = arith.mulf %sub3A_1240, %sub3A_1240 : vector<1x512xf32>
    %add3A_1245 = arith.addf %add3A_1243, %mul3A_1244 : vector<1x512xf32>
    %sqrt3A_1246 = math.sqrt %add3A_1245 : vector<1x512xf32>
    %mul3A_1247 = arith.mulf %get3A_28, %add3A_1217 : vector<1x512xf32>
    %mul3A_1248 = arith.mulf %get3A_37, %add3A_1218 : vector<1x512xf32>
    %add3A_1249 = arith.addf %mul3A_1247, %mul3A_1248 : vector<1x512xf32>
    %mul3A_1250 = arith.mulf %get3A_46, %sub3A_1222 : vector<1x512xf32>
    %add3A_1251 = arith.addf %add3A_1249, %mul3A_1250 : vector<1x512xf32>
    %mul3A_1252 = arith.mulf %get3A_31, %add3A_1217 : vector<1x512xf32>
    %mul3A_1253 = arith.mulf %get3A_40, %add3A_1218 : vector<1x512xf32>
    %add3A_1254 = arith.addf %mul3A_1252, %mul3A_1253 : vector<1x512xf32>
    %mul3A_1255 = arith.mulf %get3A_49, %sub3A_1222 : vector<1x512xf32>
    %add3A_1256 = arith.addf %add3A_1254, %mul3A_1255 : vector<1x512xf32>
    %mul3A_1257 = arith.mulf %get3A_34, %add3A_1217 : vector<1x512xf32>
    %mul3A_1258 = arith.mulf %get3A_43, %add3A_1218 : vector<1x512xf32>
    %add3A_1259 = arith.addf %mul3A_1257, %mul3A_1258 : vector<1x512xf32>
    %mul3A_1260 = arith.mulf %get3A_52, %sub3A_1222 : vector<1x512xf32>
    %add3A_1261 = arith.addf %add3A_1259, %mul3A_1260 : vector<1x512xf32>
    %mul3A_1262 = arith.mulf %add3A_1251, %add3A_1251 : vector<1x512xf32>
    %mul3A_1263 = arith.mulf %add3A_1256, %add3A_1256 : vector<1x512xf32>
    %add3A_1264 = arith.addf %mul3A_1262, %mul3A_1263 : vector<1x512xf32>
    %mul3A_1265 = arith.mulf %add3A_1261, %add3A_1261 : vector<1x512xf32>
    %add3A_1266 = arith.addf %add3A_1264, %mul3A_1265 : vector<1x512xf32>
    %sqrt3A_1267 = math.sqrt %add3A_1266 : vector<1x512xf32>
    %max3A_1268 = arith.constant 9.99999996E-13 : f32
    %max3A_1269 = vector.broadcast %max3A_1268 : f32 to vector<1x512xf32>
    %max3A_1270 = arith.maximumf %sqrt3A_1267, %max3A_1269 : vector<1x512xf32>
    %div3A_1271 = arith.divf %add3A_1251, %max3A_1270 : vector<1x512xf32>
    %div3A_1272 = arith.divf %add3A_1256, %max3A_1270 : vector<1x512xf32>
    %div3A_1273 = arith.divf %add3A_1261, %max3A_1270 : vector<1x512xf32>
    %sub3A_1274 = arith.subf %div3A_1271, %div3A : vector<1x512xf32>
    %sub3A_1275 = arith.subf %div3A_1272, %div3A_76 : vector<1x512xf32>
    %sub3A_1276 = arith.subf %div3A_1273, %div3A_77 : vector<1x512xf32>
    %mul3A_1277 = arith.mulf %sub3A_1274, %sub3A_1274 : vector<1x512xf32>
    %mul3A_1278 = arith.mulf %sub3A_1275, %sub3A_1275 : vector<1x512xf32>
    %add3A_1279 = arith.addf %mul3A_1277, %mul3A_1278 : vector<1x512xf32>
    %mul3A_1280 = arith.mulf %sub3A_1276, %sub3A_1276 : vector<1x512xf32>
    %add3A_1281 = arith.addf %add3A_1279, %mul3A_1280 : vector<1x512xf32>
    %sqrt3A_1282 = math.sqrt %add3A_1281 : vector<1x512xf32>
    %mul3A_1283 = arith.mulf %sub3A_1274, %add3A_1251 : vector<1x512xf32>
    %mul3A_1284 = arith.mulf %sub3A_1275, %add3A_1256 : vector<1x512xf32>
    %add3A_1285 = arith.addf %mul3A_1283, %mul3A_1284 : vector<1x512xf32>
    %mul3A_1286 = arith.mulf %sub3A_1276, %add3A_1261 : vector<1x512xf32>
    %add3A_1287 = arith.addf %add3A_1285, %mul3A_1286 : vector<1x512xf32>
    %gt3A_1288 = arith.constant 9.99999996E-13 : f32
    %gt3A_1289 = vector.broadcast %gt3A_1288 : f32 to vector<1x512xf32>
    %gt3A_1290 = arith.cmpf ogt, %sqrt3A_1267, %gt3A_1289 : vector<1x512xf32>
    %mul3A_1291 = arith.mulf %sqrt3A_1267, %max3A_1270 : vector<1x512xf32>
    %mul3A_1292 = arith.mulf %mul3A_1291, %max3A_1270 : vector<1x512xf32>
    %div3A_1293 = arith.constant 1.000000e+00 : f32
    %div3A_1294 = vector.broadcast %div3A_1293 : f32 to vector<1x512xf32>
    %div3A_1295 = arith.divf %div3A_1294, %mul3A_1292 : vector<1x512xf32>
    %jit3A_1296 = arith.constant 0.000000e+00 : f32
    %broadcast_in_dim3A_1297 = vector.broadcast %jit3A_1296 : f32 to vector<1x512xf32>
    %select_n3A_1298 = arith.select %gt3A_1290, %div3A_1295, %broadcast_in_dim3A_1297 : vector<1x512xi1>, vector<1x512xf32>
    %mul3A_1299 = arith.mulf %sub3A_1274, %sub3A_83 : vector<1x512xf32>
    %mul3A_1300 = arith.mulf %sub3A_1275, %sub3A_84 : vector<1x512xf32>
    %add3A_1301 = arith.addf %mul3A_1299, %mul3A_1300 : vector<1x512xf32>
    %mul3A_1302 = arith.mulf %sub3A_1276, %sub3A_85 : vector<1x512xf32>
    %add3A_1303 = arith.addf %add3A_1301, %mul3A_1302 : vector<1x512xf32>
    %div3A_1304 = arith.divf %add3A_1303, %max3A_1270 : vector<1x512xf32>
    %mul3A_1305 = arith.mulf %add3A_1251, %sub3A_83 : vector<1x512xf32>
    %mul3A_1306 = arith.mulf %add3A_1256, %sub3A_84 : vector<1x512xf32>
    %add3A_1307 = arith.addf %mul3A_1305, %mul3A_1306 : vector<1x512xf32>
    %mul3A_1308 = arith.mulf %add3A_1261, %sub3A_85 : vector<1x512xf32>
    %add3A_1309 = arith.addf %add3A_1307, %mul3A_1308 : vector<1x512xf32>
    %mul3A_1310 = arith.mulf %add3A_1287, %add3A_1309 : vector<1x512xf32>
    %mul3A_1311 = arith.mulf %mul3A_1310, %select_n3A_1298 : vector<1x512xf32>
    %sub3A_1312 = arith.subf %div3A_1304, %mul3A_1311 : vector<1x512xf32>
    %div3A_1313 = arith.divf %sub3A_1312, %sqrt3A_1282 : vector<1x512xf32>
    %mul3A_1314 = arith.mulf %sub3A_1274, %sub3A_86 : vector<1x512xf32>
    %mul3A_1315 = arith.mulf %sub3A_1275, %sub3A_87 : vector<1x512xf32>
    %add3A_1316 = arith.addf %mul3A_1314, %mul3A_1315 : vector<1x512xf32>
    %mul3A_1317 = arith.mulf %sub3A_1276, %sub3A_88 : vector<1x512xf32>
    %add3A_1318 = arith.addf %add3A_1316, %mul3A_1317 : vector<1x512xf32>
    %div3A_1319 = arith.divf %add3A_1318, %max3A_1270 : vector<1x512xf32>
    %mul3A_1320 = arith.mulf %add3A_1251, %sub3A_86 : vector<1x512xf32>
    %mul3A_1321 = arith.mulf %add3A_1256, %sub3A_87 : vector<1x512xf32>
    %add3A_1322 = arith.addf %mul3A_1320, %mul3A_1321 : vector<1x512xf32>
    %mul3A_1323 = arith.mulf %add3A_1261, %sub3A_88 : vector<1x512xf32>
    %add3A_1324 = arith.addf %add3A_1322, %mul3A_1323 : vector<1x512xf32>
    %mul3A_1325 = arith.mulf %add3A_1287, %add3A_1324 : vector<1x512xf32>
    %mul3A_1326 = arith.mulf %mul3A_1325, %select_n3A_1298 : vector<1x512xf32>
    %sub3A_1327 = arith.subf %div3A_1319, %mul3A_1326 : vector<1x512xf32>
    %div3A_1328 = arith.divf %sub3A_1327, %sqrt3A_1282 : vector<1x512xf32>
    %mul3A_1329 = arith.mulf %sub3A_1238, %sub3A : vector<1x512xf32>
    %mul3A_1330 = arith.mulf %sub3A_1239, %sub3A_78 : vector<1x512xf32>
    %add3A_1331 = arith.addf %mul3A_1329, %mul3A_1330 : vector<1x512xf32>
    %mul3A_1332 = arith.mulf %sub3A_1240, %sub3A_79 : vector<1x512xf32>
    %add3A_1333 = arith.addf %add3A_1331, %mul3A_1332 : vector<1x512xf32>
    %div3A_1334 = arith.divf %add3A_1333, %sqrt3A_1246 : vector<1x512xf32>
    %mul3A_1335 = arith.constant 0.00999999977 : f32
    %mul3A_1336 = vector.broadcast %mul3A_1335 : f32 to vector<1x512xf32>
    %mul3A_1337 = arith.mulf %mul3A_1336, %div3A_1313 : vector<1x512xf32>
    %add3A_1338 = arith.addf %div3A_1334, %mul3A_1337 : vector<1x512xf32>
    %mul3A_1339 = arith.constant 2.44140625E-4 : f32
    %mul3A_1340 = vector.broadcast %mul3A_1339 : f32 to vector<1x512xf32>
    %mul3A_1341 = arith.mulf %add3A_1338, %mul3A_1340 : vector<1x512xf32>
    %mul3A_1342 = arith.mulf %sub3A_1238, %sub3A_80 : vector<1x512xf32>
    %mul3A_1343 = arith.mulf %sub3A_1239, %sub3A_81 : vector<1x512xf32>
    %add3A_1344 = arith.addf %mul3A_1342, %mul3A_1343 : vector<1x512xf32>
    %mul3A_1345 = arith.mulf %sub3A_1240, %sub3A_82 : vector<1x512xf32>
    %add3A_1346 = arith.addf %add3A_1344, %mul3A_1345 : vector<1x512xf32>
    %div3A_1347 = arith.divf %add3A_1346, %sqrt3A_1246 : vector<1x512xf32>
    %mul3A_1348 = arith.constant 0.00999999977 : f32
    %mul3A_1349 = vector.broadcast %mul3A_1348 : f32 to vector<1x512xf32>
    %mul3A_1350 = arith.mulf %mul3A_1349, %div3A_1328 : vector<1x512xf32>
    %add3A_1351 = arith.addf %div3A_1347, %mul3A_1350 : vector<1x512xf32>
    %mul3A_1352 = arith.constant 2.44140625E-4 : f32
    %mul3A_1353 = vector.broadcast %mul3A_1352 : f32 to vector<1x512xf32>
    %mul3A_1354 = arith.mulf %add3A_1351, %mul3A_1353 : vector<1x512xf32>
    %mul3A_1355 = arith.mulf %mul3A_1341, %mul3A_1341 : vector<1x512xf32>
    %add3A_1356 = arith.addf %add3A_1196, %mul3A_1355 : vector<1x512xf32>
    %mul3A_1357 = arith.mulf %mul3A_1354, %mul3A_1354 : vector<1x512xf32>
    %add3A_1358 = arith.addf %add3A_1198, %mul3A_1357 : vector<1x512xf32>
    %mul3A_1359 = arith.constant 0.117647059 : f32
    %mul3A_1360 = vector.broadcast %mul3A_1359 : f32 to vector<1x512xf32>
    %mul3A_1361 = arith.mulf %mul3A_1360, %mul3A_1341 : vector<1x512xf32>
    %sqrt3A_1362 = math.sqrt %add3A_1356 : vector<1x512xf32>
    %add3A_1363 = arith.constant 1.000000e-10 : f32
    %add3A_1364 = vector.broadcast %add3A_1363 : f32 to vector<1x512xf32>
    %add3A_1365 = arith.addf %sqrt3A_1362, %add3A_1364 : vector<1x512xf32>
    %div3A_1366 = arith.divf %mul3A_1361, %add3A_1365 : vector<1x512xf32>
    %sub3A_1367 = arith.subf %sub3A_1207, %div3A_1366 : vector<1x512xf32>
    %mul3A_1368 = arith.constant 0.117647059 : f32
    %mul3A_1369 = vector.broadcast %mul3A_1368 : f32 to vector<1x512xf32>
    %mul3A_1370 = arith.mulf %mul3A_1369, %mul3A_1354 : vector<1x512xf32>
    %sqrt3A_1371 = math.sqrt %add3A_1358 : vector<1x512xf32>
    %add3A_1372 = arith.constant 1.000000e-10 : f32
    %add3A_1373 = vector.broadcast %add3A_1372 : f32 to vector<1x512xf32>
    %add3A_1374 = arith.addf %sqrt3A_1371, %add3A_1373 : vector<1x512xf32>
    %div3A_1375 = arith.divf %mul3A_1370, %add3A_1374 : vector<1x512xf32>
    %sub3A_1376 = arith.subf %sub3A_1216, %div3A_1375 : vector<1x512xf32>
    %mul3A_1377 = arith.constant 1.000000e+00 : f32
    %mul3A_1378 = vector.broadcast %mul3A_1377 : f32 to vector<1x512xf32>
    %mul3A_1379 = arith.mulf %sub3A_1367, %mul3A_1378 : vector<1x512xf32>
    %add3A_1380 = arith.addf %broadcast_in_dim3A_89, %mul3A_1379 : vector<1x512xf32>
    %mul3A_1381 = arith.constant 1.000000e+00 : f32
    %mul3A_1382 = vector.broadcast %mul3A_1381 : f32 to vector<1x512xf32>
    %mul3A_1383 = arith.mulf %sub3A_1376, %mul3A_1382 : vector<1x512xf32>
    %add3A_1384 = arith.addf %broadcast_in_dim3A_91, %mul3A_1383 : vector<1x512xf32>
    %broadcast_in_dim3A_1385 = arith.constant 0.000000e+00 : f32
    %broadcast_in_dim3A_1386 = vector.broadcast %broadcast_in_dim3A_1385 : f32 to vector<1x512xf32>
    %broadcast_in_dim3A_1387 = arith.constant 0.000000e+00 : f32
    %broadcast_in_dim3A_1388 = vector.broadcast %broadcast_in_dim3A_1387 : f32 to vector<1x512xf32>
    %broadcast_in_dim3A_1389 = arith.constant 0.000000e+00 : f32
    %broadcast_in_dim3A_1390 = vector.broadcast %broadcast_in_dim3A_1389 : f32 to vector<1x512xf32>
    %broadcast_in_dim3A_1391 = arith.constant 0.000000e+00 : f32
    %broadcast_in_dim3A_1392 = vector.broadcast %broadcast_in_dim3A_1391 : f32 to vector<1x512xf32>
    %add3A_1393 = arith.addf %add3A_1380, %broadcast_in_dim3A_1386 : vector<1x512xf32>
    %add3A_1394 = arith.addf %add3A_1384, %broadcast_in_dim3A_1388 : vector<1x512xf32>
    %sub3A_1395 = arith.constant 1.000000e+00 : f32
    %sub3A_1396 = vector.broadcast %sub3A_1395 : f32 to vector<1x512xf32>
    %sub3A_1397 = arith.subf %sub3A_1396, %add3A_1393 : vector<1x512xf32>
    %sub3A_1398 = arith.subf %sub3A_1397, %add3A_1394 : vector<1x512xf32>
    %mul3A_1399 = arith.mulf %get3A_1, %add3A_1393 : vector<1x512xf32>
    %mul3A_1400 = arith.mulf %get3A_10, %add3A_1394 : vector<1x512xf32>
    %add3A_1401 = arith.addf %mul3A_1399, %mul3A_1400 : vector<1x512xf32>
    %mul3A_1402 = arith.mulf %get3A_19, %sub3A_1398 : vector<1x512xf32>
    %add3A_1403 = arith.addf %add3A_1401, %mul3A_1402 : vector<1x512xf32>
    %mul3A_1404 = arith.mulf %get3A_4, %add3A_1393 : vector<1x512xf32>
    %mul3A_1405 = arith.mulf %get3A_13, %add3A_1394 : vector<1x512xf32>
    %add3A_1406 = arith.addf %mul3A_1404, %mul3A_1405 : vector<1x512xf32>
    %mul3A_1407 = arith.mulf %get3A_22, %sub3A_1398 : vector<1x512xf32>
    %add3A_1408 = arith.addf %add3A_1406, %mul3A_1407 : vector<1x512xf32>
    %mul3A_1409 = arith.mulf %get3A_7, %add3A_1393 : vector<1x512xf32>
    %mul3A_1410 = arith.mulf %get3A_16, %add3A_1394 : vector<1x512xf32>
    %add3A_1411 = arith.addf %mul3A_1409, %mul3A_1410 : vector<1x512xf32>
    %mul3A_1412 = arith.mulf %get3A_25, %sub3A_1398 : vector<1x512xf32>
    %add3A_1413 = arith.addf %add3A_1411, %mul3A_1412 : vector<1x512xf32>
    %sub3A_1414 = arith.subf %add3A_1403, %get3A_55 : vector<1x512xf32>
    %sub3A_1415 = arith.subf %add3A_1408, %get3A_58 : vector<1x512xf32>
    %sub3A_1416 = arith.subf %add3A_1413, %get3A_61 : vector<1x512xf32>
    %mul3A_1417 = arith.mulf %sub3A_1414, %sub3A_1414 : vector<1x512xf32>
    %mul3A_1418 = arith.mulf %sub3A_1415, %sub3A_1415 : vector<1x512xf32>
    %add3A_1419 = arith.addf %mul3A_1417, %mul3A_1418 : vector<1x512xf32>
    %mul3A_1420 = arith.mulf %sub3A_1416, %sub3A_1416 : vector<1x512xf32>
    %add3A_1421 = arith.addf %add3A_1419, %mul3A_1420 : vector<1x512xf32>
    %sqrt3A_1422 = math.sqrt %add3A_1421 : vector<1x512xf32>
    %mul3A_1423 = arith.mulf %get3A_28, %add3A_1393 : vector<1x512xf32>
    %mul3A_1424 = arith.mulf %get3A_37, %add3A_1394 : vector<1x512xf32>
    %add3A_1425 = arith.addf %mul3A_1423, %mul3A_1424 : vector<1x512xf32>
    %mul3A_1426 = arith.mulf %get3A_46, %sub3A_1398 : vector<1x512xf32>
    %add3A_1427 = arith.addf %add3A_1425, %mul3A_1426 : vector<1x512xf32>
    %mul3A_1428 = arith.mulf %get3A_31, %add3A_1393 : vector<1x512xf32>
    %mul3A_1429 = arith.mulf %get3A_40, %add3A_1394 : vector<1x512xf32>
    %add3A_1430 = arith.addf %mul3A_1428, %mul3A_1429 : vector<1x512xf32>
    %mul3A_1431 = arith.mulf %get3A_49, %sub3A_1398 : vector<1x512xf32>
    %add3A_1432 = arith.addf %add3A_1430, %mul3A_1431 : vector<1x512xf32>
    %mul3A_1433 = arith.mulf %get3A_34, %add3A_1393 : vector<1x512xf32>
    %mul3A_1434 = arith.mulf %get3A_43, %add3A_1394 : vector<1x512xf32>
    %add3A_1435 = arith.addf %mul3A_1433, %mul3A_1434 : vector<1x512xf32>
    %mul3A_1436 = arith.mulf %get3A_52, %sub3A_1398 : vector<1x512xf32>
    %add3A_1437 = arith.addf %add3A_1435, %mul3A_1436 : vector<1x512xf32>
    %mul3A_1438 = arith.mulf %add3A_1427, %add3A_1427 : vector<1x512xf32>
    %mul3A_1439 = arith.mulf %add3A_1432, %add3A_1432 : vector<1x512xf32>
    %add3A_1440 = arith.addf %mul3A_1438, %mul3A_1439 : vector<1x512xf32>
    %mul3A_1441 = arith.mulf %add3A_1437, %add3A_1437 : vector<1x512xf32>
    %add3A_1442 = arith.addf %add3A_1440, %mul3A_1441 : vector<1x512xf32>
    %sqrt3A_1443 = math.sqrt %add3A_1442 : vector<1x512xf32>
    %max3A_1444 = arith.constant 9.99999996E-13 : f32
    %max3A_1445 = vector.broadcast %max3A_1444 : f32 to vector<1x512xf32>
    %max3A_1446 = arith.maximumf %sqrt3A_1443, %max3A_1445 : vector<1x512xf32>
    %div3A_1447 = arith.divf %add3A_1427, %max3A_1446 : vector<1x512xf32>
    %div3A_1448 = arith.divf %add3A_1432, %max3A_1446 : vector<1x512xf32>
    %div3A_1449 = arith.divf %add3A_1437, %max3A_1446 : vector<1x512xf32>
    %sub3A_1450 = arith.subf %div3A_1447, %div3A : vector<1x512xf32>
    %sub3A_1451 = arith.subf %div3A_1448, %div3A_76 : vector<1x512xf32>
    %sub3A_1452 = arith.subf %div3A_1449, %div3A_77 : vector<1x512xf32>
    %mul3A_1453 = arith.mulf %sub3A_1450, %sub3A_1450 : vector<1x512xf32>
    %mul3A_1454 = arith.mulf %sub3A_1451, %sub3A_1451 : vector<1x512xf32>
    %add3A_1455 = arith.addf %mul3A_1453, %mul3A_1454 : vector<1x512xf32>
    %mul3A_1456 = arith.mulf %sub3A_1452, %sub3A_1452 : vector<1x512xf32>
    %add3A_1457 = arith.addf %add3A_1455, %mul3A_1456 : vector<1x512xf32>
    %sqrt3A_1458 = math.sqrt %add3A_1457 : vector<1x512xf32>
    %mul3A_1459 = arith.mulf %sub3A_1450, %add3A_1427 : vector<1x512xf32>
    %mul3A_1460 = arith.mulf %sub3A_1451, %add3A_1432 : vector<1x512xf32>
    %add3A_1461 = arith.addf %mul3A_1459, %mul3A_1460 : vector<1x512xf32>
    %mul3A_1462 = arith.mulf %sub3A_1452, %add3A_1437 : vector<1x512xf32>
    %add3A_1463 = arith.addf %add3A_1461, %mul3A_1462 : vector<1x512xf32>
    %gt3A_1464 = arith.constant 9.99999996E-13 : f32
    %gt3A_1465 = vector.broadcast %gt3A_1464 : f32 to vector<1x512xf32>
    %gt3A_1466 = arith.cmpf ogt, %sqrt3A_1443, %gt3A_1465 : vector<1x512xf32>
    %mul3A_1467 = arith.mulf %sqrt3A_1443, %max3A_1446 : vector<1x512xf32>
    %mul3A_1468 = arith.mulf %mul3A_1467, %max3A_1446 : vector<1x512xf32>
    %div3A_1469 = arith.constant 1.000000e+00 : f32
    %div3A_1470 = vector.broadcast %div3A_1469 : f32 to vector<1x512xf32>
    %div3A_1471 = arith.divf %div3A_1470, %mul3A_1468 : vector<1x512xf32>
    %jit3A_1472 = arith.constant 0.000000e+00 : f32
    %broadcast_in_dim3A_1473 = vector.broadcast %jit3A_1472 : f32 to vector<1x512xf32>
    %select_n3A_1474 = arith.select %gt3A_1466, %div3A_1471, %broadcast_in_dim3A_1473 : vector<1x512xi1>, vector<1x512xf32>
    %mul3A_1475 = arith.mulf %sub3A_1450, %sub3A_83 : vector<1x512xf32>
    %mul3A_1476 = arith.mulf %sub3A_1451, %sub3A_84 : vector<1x512xf32>
    %add3A_1477 = arith.addf %mul3A_1475, %mul3A_1476 : vector<1x512xf32>
    %mul3A_1478 = arith.mulf %sub3A_1452, %sub3A_85 : vector<1x512xf32>
    %add3A_1479 = arith.addf %add3A_1477, %mul3A_1478 : vector<1x512xf32>
    %div3A_1480 = arith.divf %add3A_1479, %max3A_1446 : vector<1x512xf32>
    %mul3A_1481 = arith.mulf %add3A_1427, %sub3A_83 : vector<1x512xf32>
    %mul3A_1482 = arith.mulf %add3A_1432, %sub3A_84 : vector<1x512xf32>
    %add3A_1483 = arith.addf %mul3A_1481, %mul3A_1482 : vector<1x512xf32>
    %mul3A_1484 = arith.mulf %add3A_1437, %sub3A_85 : vector<1x512xf32>
    %add3A_1485 = arith.addf %add3A_1483, %mul3A_1484 : vector<1x512xf32>
    %mul3A_1486 = arith.mulf %add3A_1463, %add3A_1485 : vector<1x512xf32>
    %mul3A_1487 = arith.mulf %mul3A_1486, %select_n3A_1474 : vector<1x512xf32>
    %sub3A_1488 = arith.subf %div3A_1480, %mul3A_1487 : vector<1x512xf32>
    %div3A_1489 = arith.divf %sub3A_1488, %sqrt3A_1458 : vector<1x512xf32>
    %mul3A_1490 = arith.mulf %sub3A_1450, %sub3A_86 : vector<1x512xf32>
    %mul3A_1491 = arith.mulf %sub3A_1451, %sub3A_87 : vector<1x512xf32>
    %add3A_1492 = arith.addf %mul3A_1490, %mul3A_1491 : vector<1x512xf32>
    %mul3A_1493 = arith.mulf %sub3A_1452, %sub3A_88 : vector<1x512xf32>
    %add3A_1494 = arith.addf %add3A_1492, %mul3A_1493 : vector<1x512xf32>
    %div3A_1495 = arith.divf %add3A_1494, %max3A_1446 : vector<1x512xf32>
    %mul3A_1496 = arith.mulf %add3A_1427, %sub3A_86 : vector<1x512xf32>
    %mul3A_1497 = arith.mulf %add3A_1432, %sub3A_87 : vector<1x512xf32>
    %add3A_1498 = arith.addf %mul3A_1496, %mul3A_1497 : vector<1x512xf32>
    %mul3A_1499 = arith.mulf %add3A_1437, %sub3A_88 : vector<1x512xf32>
    %add3A_1500 = arith.addf %add3A_1498, %mul3A_1499 : vector<1x512xf32>
    %mul3A_1501 = arith.mulf %add3A_1463, %add3A_1500 : vector<1x512xf32>
    %mul3A_1502 = arith.mulf %mul3A_1501, %select_n3A_1474 : vector<1x512xf32>
    %sub3A_1503 = arith.subf %div3A_1495, %mul3A_1502 : vector<1x512xf32>
    %div3A_1504 = arith.divf %sub3A_1503, %sqrt3A_1458 : vector<1x512xf32>
    %mul3A_1505 = arith.mulf %sub3A_1414, %sub3A : vector<1x512xf32>
    %mul3A_1506 = arith.mulf %sub3A_1415, %sub3A_78 : vector<1x512xf32>
    %add3A_1507 = arith.addf %mul3A_1505, %mul3A_1506 : vector<1x512xf32>
    %mul3A_1508 = arith.mulf %sub3A_1416, %sub3A_79 : vector<1x512xf32>
    %add3A_1509 = arith.addf %add3A_1507, %mul3A_1508 : vector<1x512xf32>
    %div3A_1510 = arith.divf %add3A_1509, %sqrt3A_1422 : vector<1x512xf32>
    %mul3A_1511 = arith.constant 0.00999999977 : f32
    %mul3A_1512 = vector.broadcast %mul3A_1511 : f32 to vector<1x512xf32>
    %mul3A_1513 = arith.mulf %mul3A_1512, %div3A_1489 : vector<1x512xf32>
    %add3A_1514 = arith.addf %div3A_1510, %mul3A_1513 : vector<1x512xf32>
    %mul3A_1515 = arith.constant 2.44140625E-4 : f32
    %mul3A_1516 = vector.broadcast %mul3A_1515 : f32 to vector<1x512xf32>
    %mul3A_1517 = arith.mulf %add3A_1514, %mul3A_1516 : vector<1x512xf32>
    %mul3A_1518 = arith.mulf %sub3A_1414, %sub3A_80 : vector<1x512xf32>
    %mul3A_1519 = arith.mulf %sub3A_1415, %sub3A_81 : vector<1x512xf32>
    %add3A_1520 = arith.addf %mul3A_1518, %mul3A_1519 : vector<1x512xf32>
    %mul3A_1521 = arith.mulf %sub3A_1416, %sub3A_82 : vector<1x512xf32>
    %add3A_1522 = arith.addf %add3A_1520, %mul3A_1521 : vector<1x512xf32>
    %div3A_1523 = arith.divf %add3A_1522, %sqrt3A_1422 : vector<1x512xf32>
    %mul3A_1524 = arith.constant 0.00999999977 : f32
    %mul3A_1525 = vector.broadcast %mul3A_1524 : f32 to vector<1x512xf32>
    %mul3A_1526 = arith.mulf %mul3A_1525, %div3A_1504 : vector<1x512xf32>
    %add3A_1527 = arith.addf %div3A_1523, %mul3A_1526 : vector<1x512xf32>
    %mul3A_1528 = arith.constant 2.44140625E-4 : f32
    %mul3A_1529 = vector.broadcast %mul3A_1528 : f32 to vector<1x512xf32>
    %mul3A_1530 = arith.mulf %add3A_1527, %mul3A_1529 : vector<1x512xf32>
    %mul3A_1531 = arith.mulf %mul3A_1517, %mul3A_1517 : vector<1x512xf32>
    %add3A_1532 = arith.addf %broadcast_in_dim3A_1390, %mul3A_1531 : vector<1x512xf32>
    %mul3A_1533 = arith.mulf %mul3A_1530, %mul3A_1530 : vector<1x512xf32>
    %add3A_1534 = arith.addf %broadcast_in_dim3A_1392, %mul3A_1533 : vector<1x512xf32>
    %mul3A_1535 = arith.constant 2.000000e-01 : f32
    %mul3A_1536 = vector.broadcast %mul3A_1535 : f32 to vector<1x512xf32>
    %mul3A_1537 = arith.mulf %mul3A_1536, %mul3A_1517 : vector<1x512xf32>
    %sqrt3A_1538 = math.sqrt %add3A_1532 : vector<1x512xf32>
    %add3A_1539 = arith.constant 1.000000e-10 : f32
    %add3A_1540 = vector.broadcast %add3A_1539 : f32 to vector<1x512xf32>
    %add3A_1541 = arith.addf %sqrt3A_1538, %add3A_1540 : vector<1x512xf32>
    %div3A_1542 = arith.divf %mul3A_1537, %add3A_1541 : vector<1x512xf32>
    %sub3A_1543 = arith.subf %broadcast_in_dim3A_1386, %div3A_1542 : vector<1x512xf32>
    %mul3A_1544 = arith.constant 2.000000e-01 : f32
    %mul3A_1545 = vector.broadcast %mul3A_1544 : f32 to vector<1x512xf32>
    %mul3A_1546 = arith.mulf %mul3A_1545, %mul3A_1530 : vector<1x512xf32>
    %sqrt3A_1547 = math.sqrt %add3A_1534 : vector<1x512xf32>
    %add3A_1548 = arith.constant 1.000000e-10 : f32
    %add3A_1549 = vector.broadcast %add3A_1548 : f32 to vector<1x512xf32>
    %add3A_1550 = arith.addf %sqrt3A_1547, %add3A_1549 : vector<1x512xf32>
    %div3A_1551 = arith.divf %mul3A_1546, %add3A_1550 : vector<1x512xf32>
    %sub3A_1552 = arith.subf %broadcast_in_dim3A_1388, %div3A_1551 : vector<1x512xf32>
    %add3A_1553 = arith.addf %add3A_1380, %sub3A_1543 : vector<1x512xf32>
    %add3A_1554 = arith.addf %add3A_1384, %sub3A_1552 : vector<1x512xf32>
    %sub3A_1555 = arith.constant 1.000000e+00 : f32
    %sub3A_1556 = vector.broadcast %sub3A_1555 : f32 to vector<1x512xf32>
    %sub3A_1557 = arith.subf %sub3A_1556, %add3A_1553 : vector<1x512xf32>
    %sub3A_1558 = arith.subf %sub3A_1557, %add3A_1554 : vector<1x512xf32>
    %mul3A_1559 = arith.mulf %get3A_1, %add3A_1553 : vector<1x512xf32>
    %mul3A_1560 = arith.mulf %get3A_10, %add3A_1554 : vector<1x512xf32>
    %add3A_1561 = arith.addf %mul3A_1559, %mul3A_1560 : vector<1x512xf32>
    %mul3A_1562 = arith.mulf %get3A_19, %sub3A_1558 : vector<1x512xf32>
    %add3A_1563 = arith.addf %add3A_1561, %mul3A_1562 : vector<1x512xf32>
    %mul3A_1564 = arith.mulf %get3A_4, %add3A_1553 : vector<1x512xf32>
    %mul3A_1565 = arith.mulf %get3A_13, %add3A_1554 : vector<1x512xf32>
    %add3A_1566 = arith.addf %mul3A_1564, %mul3A_1565 : vector<1x512xf32>
    %mul3A_1567 = arith.mulf %get3A_22, %sub3A_1558 : vector<1x512xf32>
    %add3A_1568 = arith.addf %add3A_1566, %mul3A_1567 : vector<1x512xf32>
    %mul3A_1569 = arith.mulf %get3A_7, %add3A_1553 : vector<1x512xf32>
    %mul3A_1570 = arith.mulf %get3A_16, %add3A_1554 : vector<1x512xf32>
    %add3A_1571 = arith.addf %mul3A_1569, %mul3A_1570 : vector<1x512xf32>
    %mul3A_1572 = arith.mulf %get3A_25, %sub3A_1558 : vector<1x512xf32>
    %add3A_1573 = arith.addf %add3A_1571, %mul3A_1572 : vector<1x512xf32>
    %sub3A_1574 = arith.subf %add3A_1563, %get3A_55 : vector<1x512xf32>
    %sub3A_1575 = arith.subf %add3A_1568, %get3A_58 : vector<1x512xf32>
    %sub3A_1576 = arith.subf %add3A_1573, %get3A_61 : vector<1x512xf32>
    %mul3A_1577 = arith.mulf %sub3A_1574, %sub3A_1574 : vector<1x512xf32>
    %mul3A_1578 = arith.mulf %sub3A_1575, %sub3A_1575 : vector<1x512xf32>
    %add3A_1579 = arith.addf %mul3A_1577, %mul3A_1578 : vector<1x512xf32>
    %mul3A_1580 = arith.mulf %sub3A_1576, %sub3A_1576 : vector<1x512xf32>
    %add3A_1581 = arith.addf %add3A_1579, %mul3A_1580 : vector<1x512xf32>
    %sqrt3A_1582 = math.sqrt %add3A_1581 : vector<1x512xf32>
    %mul3A_1583 = arith.mulf %get3A_28, %add3A_1553 : vector<1x512xf32>
    %mul3A_1584 = arith.mulf %get3A_37, %add3A_1554 : vector<1x512xf32>
    %add3A_1585 = arith.addf %mul3A_1583, %mul3A_1584 : vector<1x512xf32>
    %mul3A_1586 = arith.mulf %get3A_46, %sub3A_1558 : vector<1x512xf32>
    %add3A_1587 = arith.addf %add3A_1585, %mul3A_1586 : vector<1x512xf32>
    %mul3A_1588 = arith.mulf %get3A_31, %add3A_1553 : vector<1x512xf32>
    %mul3A_1589 = arith.mulf %get3A_40, %add3A_1554 : vector<1x512xf32>
    %add3A_1590 = arith.addf %mul3A_1588, %mul3A_1589 : vector<1x512xf32>
    %mul3A_1591 = arith.mulf %get3A_49, %sub3A_1558 : vector<1x512xf32>
    %add3A_1592 = arith.addf %add3A_1590, %mul3A_1591 : vector<1x512xf32>
    %mul3A_1593 = arith.mulf %get3A_34, %add3A_1553 : vector<1x512xf32>
    %mul3A_1594 = arith.mulf %get3A_43, %add3A_1554 : vector<1x512xf32>
    %add3A_1595 = arith.addf %mul3A_1593, %mul3A_1594 : vector<1x512xf32>
    %mul3A_1596 = arith.mulf %get3A_52, %sub3A_1558 : vector<1x512xf32>
    %add3A_1597 = arith.addf %add3A_1595, %mul3A_1596 : vector<1x512xf32>
    %mul3A_1598 = arith.mulf %add3A_1587, %add3A_1587 : vector<1x512xf32>
    %mul3A_1599 = arith.mulf %add3A_1592, %add3A_1592 : vector<1x512xf32>
    %add3A_1600 = arith.addf %mul3A_1598, %mul3A_1599 : vector<1x512xf32>
    %mul3A_1601 = arith.mulf %add3A_1597, %add3A_1597 : vector<1x512xf32>
    %add3A_1602 = arith.addf %add3A_1600, %mul3A_1601 : vector<1x512xf32>
    %sqrt3A_1603 = math.sqrt %add3A_1602 : vector<1x512xf32>
    %max3A_1604 = arith.constant 9.99999996E-13 : f32
    %max3A_1605 = vector.broadcast %max3A_1604 : f32 to vector<1x512xf32>
    %max3A_1606 = arith.maximumf %sqrt3A_1603, %max3A_1605 : vector<1x512xf32>
    %div3A_1607 = arith.divf %add3A_1587, %max3A_1606 : vector<1x512xf32>
    %div3A_1608 = arith.divf %add3A_1592, %max3A_1606 : vector<1x512xf32>
    %div3A_1609 = arith.divf %add3A_1597, %max3A_1606 : vector<1x512xf32>
    %sub3A_1610 = arith.subf %div3A_1607, %div3A : vector<1x512xf32>
    %sub3A_1611 = arith.subf %div3A_1608, %div3A_76 : vector<1x512xf32>
    %sub3A_1612 = arith.subf %div3A_1609, %div3A_77 : vector<1x512xf32>
    %mul3A_1613 = arith.mulf %sub3A_1610, %sub3A_1610 : vector<1x512xf32>
    %mul3A_1614 = arith.mulf %sub3A_1611, %sub3A_1611 : vector<1x512xf32>
    %add3A_1615 = arith.addf %mul3A_1613, %mul3A_1614 : vector<1x512xf32>
    %mul3A_1616 = arith.mulf %sub3A_1612, %sub3A_1612 : vector<1x512xf32>
    %add3A_1617 = arith.addf %add3A_1615, %mul3A_1616 : vector<1x512xf32>
    %sqrt3A_1618 = math.sqrt %add3A_1617 : vector<1x512xf32>
    %mul3A_1619 = arith.mulf %sub3A_1610, %add3A_1587 : vector<1x512xf32>
    %mul3A_1620 = arith.mulf %sub3A_1611, %add3A_1592 : vector<1x512xf32>
    %add3A_1621 = arith.addf %mul3A_1619, %mul3A_1620 : vector<1x512xf32>
    %mul3A_1622 = arith.mulf %sub3A_1612, %add3A_1597 : vector<1x512xf32>
    %add3A_1623 = arith.addf %add3A_1621, %mul3A_1622 : vector<1x512xf32>
    %gt3A_1624 = arith.constant 9.99999996E-13 : f32
    %gt3A_1625 = vector.broadcast %gt3A_1624 : f32 to vector<1x512xf32>
    %gt3A_1626 = arith.cmpf ogt, %sqrt3A_1603, %gt3A_1625 : vector<1x512xf32>
    %mul3A_1627 = arith.mulf %sqrt3A_1603, %max3A_1606 : vector<1x512xf32>
    %mul3A_1628 = arith.mulf %mul3A_1627, %max3A_1606 : vector<1x512xf32>
    %div3A_1629 = arith.constant 1.000000e+00 : f32
    %div3A_1630 = vector.broadcast %div3A_1629 : f32 to vector<1x512xf32>
    %div3A_1631 = arith.divf %div3A_1630, %mul3A_1628 : vector<1x512xf32>
    %jit3A_1632 = arith.constant 0.000000e+00 : f32
    %broadcast_in_dim3A_1633 = vector.broadcast %jit3A_1632 : f32 to vector<1x512xf32>
    %select_n3A_1634 = arith.select %gt3A_1626, %div3A_1631, %broadcast_in_dim3A_1633 : vector<1x512xi1>, vector<1x512xf32>
    %mul3A_1635 = arith.mulf %sub3A_1610, %sub3A_83 : vector<1x512xf32>
    %mul3A_1636 = arith.mulf %sub3A_1611, %sub3A_84 : vector<1x512xf32>
    %add3A_1637 = arith.addf %mul3A_1635, %mul3A_1636 : vector<1x512xf32>
    %mul3A_1638 = arith.mulf %sub3A_1612, %sub3A_85 : vector<1x512xf32>
    %add3A_1639 = arith.addf %add3A_1637, %mul3A_1638 : vector<1x512xf32>
    %div3A_1640 = arith.divf %add3A_1639, %max3A_1606 : vector<1x512xf32>
    %mul3A_1641 = arith.mulf %add3A_1587, %sub3A_83 : vector<1x512xf32>
    %mul3A_1642 = arith.mulf %add3A_1592, %sub3A_84 : vector<1x512xf32>
    %add3A_1643 = arith.addf %mul3A_1641, %mul3A_1642 : vector<1x512xf32>
    %mul3A_1644 = arith.mulf %add3A_1597, %sub3A_85 : vector<1x512xf32>
    %add3A_1645 = arith.addf %add3A_1643, %mul3A_1644 : vector<1x512xf32>
    %mul3A_1646 = arith.mulf %add3A_1623, %add3A_1645 : vector<1x512xf32>
    %mul3A_1647 = arith.mulf %mul3A_1646, %select_n3A_1634 : vector<1x512xf32>
    %sub3A_1648 = arith.subf %div3A_1640, %mul3A_1647 : vector<1x512xf32>
    %div3A_1649 = arith.divf %sub3A_1648, %sqrt3A_1618 : vector<1x512xf32>
    %mul3A_1650 = arith.mulf %sub3A_1610, %sub3A_86 : vector<1x512xf32>
    %mul3A_1651 = arith.mulf %sub3A_1611, %sub3A_87 : vector<1x512xf32>
    %add3A_1652 = arith.addf %mul3A_1650, %mul3A_1651 : vector<1x512xf32>
    %mul3A_1653 = arith.mulf %sub3A_1612, %sub3A_88 : vector<1x512xf32>
    %add3A_1654 = arith.addf %add3A_1652, %mul3A_1653 : vector<1x512xf32>
    %div3A_1655 = arith.divf %add3A_1654, %max3A_1606 : vector<1x512xf32>
    %mul3A_1656 = arith.mulf %add3A_1587, %sub3A_86 : vector<1x512xf32>
    %mul3A_1657 = arith.mulf %add3A_1592, %sub3A_87 : vector<1x512xf32>
    %add3A_1658 = arith.addf %mul3A_1656, %mul3A_1657 : vector<1x512xf32>
    %mul3A_1659 = arith.mulf %add3A_1597, %sub3A_88 : vector<1x512xf32>
    %add3A_1660 = arith.addf %add3A_1658, %mul3A_1659 : vector<1x512xf32>
    %mul3A_1661 = arith.mulf %add3A_1623, %add3A_1660 : vector<1x512xf32>
    %mul3A_1662 = arith.mulf %mul3A_1661, %select_n3A_1634 : vector<1x512xf32>
    %sub3A_1663 = arith.subf %div3A_1655, %mul3A_1662 : vector<1x512xf32>
    %div3A_1664 = arith.divf %sub3A_1663, %sqrt3A_1618 : vector<1x512xf32>
    %mul3A_1665 = arith.mulf %sub3A_1574, %sub3A : vector<1x512xf32>
    %mul3A_1666 = arith.mulf %sub3A_1575, %sub3A_78 : vector<1x512xf32>
    %add3A_1667 = arith.addf %mul3A_1665, %mul3A_1666 : vector<1x512xf32>
    %mul3A_1668 = arith.mulf %sub3A_1576, %sub3A_79 : vector<1x512xf32>
    %add3A_1669 = arith.addf %add3A_1667, %mul3A_1668 : vector<1x512xf32>
    %div3A_1670 = arith.divf %add3A_1669, %sqrt3A_1582 : vector<1x512xf32>
    %mul3A_1671 = arith.constant 0.00999999977 : f32
    %mul3A_1672 = vector.broadcast %mul3A_1671 : f32 to vector<1x512xf32>
    %mul3A_1673 = arith.mulf %mul3A_1672, %div3A_1649 : vector<1x512xf32>
    %add3A_1674 = arith.addf %div3A_1670, %mul3A_1673 : vector<1x512xf32>
    %mul3A_1675 = arith.constant 2.44140625E-4 : f32
    %mul3A_1676 = vector.broadcast %mul3A_1675 : f32 to vector<1x512xf32>
    %mul3A_1677 = arith.mulf %add3A_1674, %mul3A_1676 : vector<1x512xf32>
    %mul3A_1678 = arith.mulf %sub3A_1574, %sub3A_80 : vector<1x512xf32>
    %mul3A_1679 = arith.mulf %sub3A_1575, %sub3A_81 : vector<1x512xf32>
    %add3A_1680 = arith.addf %mul3A_1678, %mul3A_1679 : vector<1x512xf32>
    %mul3A_1681 = arith.mulf %sub3A_1576, %sub3A_82 : vector<1x512xf32>
    %add3A_1682 = arith.addf %add3A_1680, %mul3A_1681 : vector<1x512xf32>
    %div3A_1683 = arith.divf %add3A_1682, %sqrt3A_1582 : vector<1x512xf32>
    %mul3A_1684 = arith.constant 0.00999999977 : f32
    %mul3A_1685 = vector.broadcast %mul3A_1684 : f32 to vector<1x512xf32>
    %mul3A_1686 = arith.mulf %mul3A_1685, %div3A_1664 : vector<1x512xf32>
    %add3A_1687 = arith.addf %div3A_1683, %mul3A_1686 : vector<1x512xf32>
    %mul3A_1688 = arith.constant 2.44140625E-4 : f32
    %mul3A_1689 = vector.broadcast %mul3A_1688 : f32 to vector<1x512xf32>
    %mul3A_1690 = arith.mulf %add3A_1687, %mul3A_1689 : vector<1x512xf32>
    %mul3A_1691 = arith.mulf %mul3A_1677, %mul3A_1677 : vector<1x512xf32>
    %add3A_1692 = arith.addf %add3A_1532, %mul3A_1691 : vector<1x512xf32>
    %mul3A_1693 = arith.mulf %mul3A_1690, %mul3A_1690 : vector<1x512xf32>
    %add3A_1694 = arith.addf %add3A_1534, %mul3A_1693 : vector<1x512xf32>
    %mul3A_1695 = arith.constant 0.181818187 : f32
    %mul3A_1696 = vector.broadcast %mul3A_1695 : f32 to vector<1x512xf32>
    %mul3A_1697 = arith.mulf %mul3A_1696, %mul3A_1677 : vector<1x512xf32>
    %sqrt3A_1698 = math.sqrt %add3A_1692 : vector<1x512xf32>
    %add3A_1699 = arith.constant 1.000000e-10 : f32
    %add3A_1700 = vector.broadcast %add3A_1699 : f32 to vector<1x512xf32>
    %add3A_1701 = arith.addf %sqrt3A_1698, %add3A_1700 : vector<1x512xf32>
    %div3A_1702 = arith.divf %mul3A_1697, %add3A_1701 : vector<1x512xf32>
    %sub3A_1703 = arith.subf %sub3A_1543, %div3A_1702 : vector<1x512xf32>
    %mul3A_1704 = arith.constant 0.181818187 : f32
    %mul3A_1705 = vector.broadcast %mul3A_1704 : f32 to vector<1x512xf32>
    %mul3A_1706 = arith.mulf %mul3A_1705, %mul3A_1690 : vector<1x512xf32>
    %sqrt3A_1707 = math.sqrt %add3A_1694 : vector<1x512xf32>
    %add3A_1708 = arith.constant 1.000000e-10 : f32
    %add3A_1709 = vector.broadcast %add3A_1708 : f32 to vector<1x512xf32>
    %add3A_1710 = arith.addf %sqrt3A_1707, %add3A_1709 : vector<1x512xf32>
    %div3A_1711 = arith.divf %mul3A_1706, %add3A_1710 : vector<1x512xf32>
    %sub3A_1712 = arith.subf %sub3A_1552, %div3A_1711 : vector<1x512xf32>
    %add3A_1713 = arith.addf %add3A_1380, %sub3A_1703 : vector<1x512xf32>
    %add3A_1714 = arith.addf %add3A_1384, %sub3A_1712 : vector<1x512xf32>
    %sub3A_1715 = arith.constant 1.000000e+00 : f32
    %sub3A_1716 = vector.broadcast %sub3A_1715 : f32 to vector<1x512xf32>
    %sub3A_1717 = arith.subf %sub3A_1716, %add3A_1713 : vector<1x512xf32>
    %sub3A_1718 = arith.subf %sub3A_1717, %add3A_1714 : vector<1x512xf32>
    %mul3A_1719 = arith.mulf %get3A_1, %add3A_1713 : vector<1x512xf32>
    %mul3A_1720 = arith.mulf %get3A_10, %add3A_1714 : vector<1x512xf32>
    %add3A_1721 = arith.addf %mul3A_1719, %mul3A_1720 : vector<1x512xf32>
    %mul3A_1722 = arith.mulf %get3A_19, %sub3A_1718 : vector<1x512xf32>
    %add3A_1723 = arith.addf %add3A_1721, %mul3A_1722 : vector<1x512xf32>
    %mul3A_1724 = arith.mulf %get3A_4, %add3A_1713 : vector<1x512xf32>
    %mul3A_1725 = arith.mulf %get3A_13, %add3A_1714 : vector<1x512xf32>
    %add3A_1726 = arith.addf %mul3A_1724, %mul3A_1725 : vector<1x512xf32>
    %mul3A_1727 = arith.mulf %get3A_22, %sub3A_1718 : vector<1x512xf32>
    %add3A_1728 = arith.addf %add3A_1726, %mul3A_1727 : vector<1x512xf32>
    %mul3A_1729 = arith.mulf %get3A_7, %add3A_1713 : vector<1x512xf32>
    %mul3A_1730 = arith.mulf %get3A_16, %add3A_1714 : vector<1x512xf32>
    %add3A_1731 = arith.addf %mul3A_1729, %mul3A_1730 : vector<1x512xf32>
    %mul3A_1732 = arith.mulf %get3A_25, %sub3A_1718 : vector<1x512xf32>
    %add3A_1733 = arith.addf %add3A_1731, %mul3A_1732 : vector<1x512xf32>
    %sub3A_1734 = arith.subf %add3A_1723, %get3A_55 : vector<1x512xf32>
    %sub3A_1735 = arith.subf %add3A_1728, %get3A_58 : vector<1x512xf32>
    %sub3A_1736 = arith.subf %add3A_1733, %get3A_61 : vector<1x512xf32>
    %mul3A_1737 = arith.mulf %sub3A_1734, %sub3A_1734 : vector<1x512xf32>
    %mul3A_1738 = arith.mulf %sub3A_1735, %sub3A_1735 : vector<1x512xf32>
    %add3A_1739 = arith.addf %mul3A_1737, %mul3A_1738 : vector<1x512xf32>
    %mul3A_1740 = arith.mulf %sub3A_1736, %sub3A_1736 : vector<1x512xf32>
    %add3A_1741 = arith.addf %add3A_1739, %mul3A_1740 : vector<1x512xf32>
    %sqrt3A_1742 = math.sqrt %add3A_1741 : vector<1x512xf32>
    %mul3A_1743 = arith.mulf %get3A_28, %add3A_1713 : vector<1x512xf32>
    %mul3A_1744 = arith.mulf %get3A_37, %add3A_1714 : vector<1x512xf32>
    %add3A_1745 = arith.addf %mul3A_1743, %mul3A_1744 : vector<1x512xf32>
    %mul3A_1746 = arith.mulf %get3A_46, %sub3A_1718 : vector<1x512xf32>
    %add3A_1747 = arith.addf %add3A_1745, %mul3A_1746 : vector<1x512xf32>
    %mul3A_1748 = arith.mulf %get3A_31, %add3A_1713 : vector<1x512xf32>
    %mul3A_1749 = arith.mulf %get3A_40, %add3A_1714 : vector<1x512xf32>
    %add3A_1750 = arith.addf %mul3A_1748, %mul3A_1749 : vector<1x512xf32>
    %mul3A_1751 = arith.mulf %get3A_49, %sub3A_1718 : vector<1x512xf32>
    %add3A_1752 = arith.addf %add3A_1750, %mul3A_1751 : vector<1x512xf32>
    %mul3A_1753 = arith.mulf %get3A_34, %add3A_1713 : vector<1x512xf32>
    %mul3A_1754 = arith.mulf %get3A_43, %add3A_1714 : vector<1x512xf32>
    %add3A_1755 = arith.addf %mul3A_1753, %mul3A_1754 : vector<1x512xf32>
    %mul3A_1756 = arith.mulf %get3A_52, %sub3A_1718 : vector<1x512xf32>
    %add3A_1757 = arith.addf %add3A_1755, %mul3A_1756 : vector<1x512xf32>
    %mul3A_1758 = arith.mulf %add3A_1747, %add3A_1747 : vector<1x512xf32>
    %mul3A_1759 = arith.mulf %add3A_1752, %add3A_1752 : vector<1x512xf32>
    %add3A_1760 = arith.addf %mul3A_1758, %mul3A_1759 : vector<1x512xf32>
    %mul3A_1761 = arith.mulf %add3A_1757, %add3A_1757 : vector<1x512xf32>
    %add3A_1762 = arith.addf %add3A_1760, %mul3A_1761 : vector<1x512xf32>
    %sqrt3A_1763 = math.sqrt %add3A_1762 : vector<1x512xf32>
    %max3A_1764 = arith.constant 9.99999996E-13 : f32
    %max3A_1765 = vector.broadcast %max3A_1764 : f32 to vector<1x512xf32>
    %max3A_1766 = arith.maximumf %sqrt3A_1763, %max3A_1765 : vector<1x512xf32>
    %div3A_1767 = arith.divf %add3A_1747, %max3A_1766 : vector<1x512xf32>
    %div3A_1768 = arith.divf %add3A_1752, %max3A_1766 : vector<1x512xf32>
    %div3A_1769 = arith.divf %add3A_1757, %max3A_1766 : vector<1x512xf32>
    %sub3A_1770 = arith.subf %div3A_1767, %div3A : vector<1x512xf32>
    %sub3A_1771 = arith.subf %div3A_1768, %div3A_76 : vector<1x512xf32>
    %sub3A_1772 = arith.subf %div3A_1769, %div3A_77 : vector<1x512xf32>
    %mul3A_1773 = arith.mulf %sub3A_1770, %sub3A_1770 : vector<1x512xf32>
    %mul3A_1774 = arith.mulf %sub3A_1771, %sub3A_1771 : vector<1x512xf32>
    %add3A_1775 = arith.addf %mul3A_1773, %mul3A_1774 : vector<1x512xf32>
    %mul3A_1776 = arith.mulf %sub3A_1772, %sub3A_1772 : vector<1x512xf32>
    %add3A_1777 = arith.addf %add3A_1775, %mul3A_1776 : vector<1x512xf32>
    %sqrt3A_1778 = math.sqrt %add3A_1777 : vector<1x512xf32>
    %mul3A_1779 = arith.mulf %sub3A_1770, %add3A_1747 : vector<1x512xf32>
    %mul3A_1780 = arith.mulf %sub3A_1771, %add3A_1752 : vector<1x512xf32>
    %add3A_1781 = arith.addf %mul3A_1779, %mul3A_1780 : vector<1x512xf32>
    %mul3A_1782 = arith.mulf %sub3A_1772, %add3A_1757 : vector<1x512xf32>
    %add3A_1783 = arith.addf %add3A_1781, %mul3A_1782 : vector<1x512xf32>
    %gt3A_1784 = arith.constant 9.99999996E-13 : f32
    %gt3A_1785 = vector.broadcast %gt3A_1784 : f32 to vector<1x512xf32>
    %gt3A_1786 = arith.cmpf ogt, %sqrt3A_1763, %gt3A_1785 : vector<1x512xf32>
    %mul3A_1787 = arith.mulf %sqrt3A_1763, %max3A_1766 : vector<1x512xf32>
    %mul3A_1788 = arith.mulf %mul3A_1787, %max3A_1766 : vector<1x512xf32>
    %div3A_1789 = arith.constant 1.000000e+00 : f32
    %div3A_1790 = vector.broadcast %div3A_1789 : f32 to vector<1x512xf32>
    %div3A_1791 = arith.divf %div3A_1790, %mul3A_1788 : vector<1x512xf32>
    %jit3A_1792 = arith.constant 0.000000e+00 : f32
    %broadcast_in_dim3A_1793 = vector.broadcast %jit3A_1792 : f32 to vector<1x512xf32>
    %select_n3A_1794 = arith.select %gt3A_1786, %div3A_1791, %broadcast_in_dim3A_1793 : vector<1x512xi1>, vector<1x512xf32>
    %mul3A_1795 = arith.mulf %sub3A_1770, %sub3A_83 : vector<1x512xf32>
    %mul3A_1796 = arith.mulf %sub3A_1771, %sub3A_84 : vector<1x512xf32>
    %add3A_1797 = arith.addf %mul3A_1795, %mul3A_1796 : vector<1x512xf32>
    %mul3A_1798 = arith.mulf %sub3A_1772, %sub3A_85 : vector<1x512xf32>
    %add3A_1799 = arith.addf %add3A_1797, %mul3A_1798 : vector<1x512xf32>
    %div3A_1800 = arith.divf %add3A_1799, %max3A_1766 : vector<1x512xf32>
    %mul3A_1801 = arith.mulf %add3A_1747, %sub3A_83 : vector<1x512xf32>
    %mul3A_1802 = arith.mulf %add3A_1752, %sub3A_84 : vector<1x512xf32>
    %add3A_1803 = arith.addf %mul3A_1801, %mul3A_1802 : vector<1x512xf32>
    %mul3A_1804 = arith.mulf %add3A_1757, %sub3A_85 : vector<1x512xf32>
    %add3A_1805 = arith.addf %add3A_1803, %mul3A_1804 : vector<1x512xf32>
    %mul3A_1806 = arith.mulf %add3A_1783, %add3A_1805 : vector<1x512xf32>
    %mul3A_1807 = arith.mulf %mul3A_1806, %select_n3A_1794 : vector<1x512xf32>
    %sub3A_1808 = arith.subf %div3A_1800, %mul3A_1807 : vector<1x512xf32>
    %div3A_1809 = arith.divf %sub3A_1808, %sqrt3A_1778 : vector<1x512xf32>
    %mul3A_1810 = arith.mulf %sub3A_1770, %sub3A_86 : vector<1x512xf32>
    %mul3A_1811 = arith.mulf %sub3A_1771, %sub3A_87 : vector<1x512xf32>
    %add3A_1812 = arith.addf %mul3A_1810, %mul3A_1811 : vector<1x512xf32>
    %mul3A_1813 = arith.mulf %sub3A_1772, %sub3A_88 : vector<1x512xf32>
    %add3A_1814 = arith.addf %add3A_1812, %mul3A_1813 : vector<1x512xf32>
    %div3A_1815 = arith.divf %add3A_1814, %max3A_1766 : vector<1x512xf32>
    %mul3A_1816 = arith.mulf %add3A_1747, %sub3A_86 : vector<1x512xf32>
    %mul3A_1817 = arith.mulf %add3A_1752, %sub3A_87 : vector<1x512xf32>
    %add3A_1818 = arith.addf %mul3A_1816, %mul3A_1817 : vector<1x512xf32>
    %mul3A_1819 = arith.mulf %add3A_1757, %sub3A_88 : vector<1x512xf32>
    %add3A_1820 = arith.addf %add3A_1818, %mul3A_1819 : vector<1x512xf32>
    %mul3A_1821 = arith.mulf %add3A_1783, %add3A_1820 : vector<1x512xf32>
    %mul3A_1822 = arith.mulf %mul3A_1821, %select_n3A_1794 : vector<1x512xf32>
    %sub3A_1823 = arith.subf %div3A_1815, %mul3A_1822 : vector<1x512xf32>
    %div3A_1824 = arith.divf %sub3A_1823, %sqrt3A_1778 : vector<1x512xf32>
    %mul3A_1825 = arith.mulf %sub3A_1734, %sub3A : vector<1x512xf32>
    %mul3A_1826 = arith.mulf %sub3A_1735, %sub3A_78 : vector<1x512xf32>
    %add3A_1827 = arith.addf %mul3A_1825, %mul3A_1826 : vector<1x512xf32>
    %mul3A_1828 = arith.mulf %sub3A_1736, %sub3A_79 : vector<1x512xf32>
    %add3A_1829 = arith.addf %add3A_1827, %mul3A_1828 : vector<1x512xf32>
    %div3A_1830 = arith.divf %add3A_1829, %sqrt3A_1742 : vector<1x512xf32>
    %mul3A_1831 = arith.constant 0.00999999977 : f32
    %mul3A_1832 = vector.broadcast %mul3A_1831 : f32 to vector<1x512xf32>
    %mul3A_1833 = arith.mulf %mul3A_1832, %div3A_1809 : vector<1x512xf32>
    %add3A_1834 = arith.addf %div3A_1830, %mul3A_1833 : vector<1x512xf32>
    %mul3A_1835 = arith.constant 2.44140625E-4 : f32
    %mul3A_1836 = vector.broadcast %mul3A_1835 : f32 to vector<1x512xf32>
    %mul3A_1837 = arith.mulf %add3A_1834, %mul3A_1836 : vector<1x512xf32>
    %mul3A_1838 = arith.mulf %sub3A_1734, %sub3A_80 : vector<1x512xf32>
    %mul3A_1839 = arith.mulf %sub3A_1735, %sub3A_81 : vector<1x512xf32>
    %add3A_1840 = arith.addf %mul3A_1838, %mul3A_1839 : vector<1x512xf32>
    %mul3A_1841 = arith.mulf %sub3A_1736, %sub3A_82 : vector<1x512xf32>
    %add3A_1842 = arith.addf %add3A_1840, %mul3A_1841 : vector<1x512xf32>
    %div3A_1843 = arith.divf %add3A_1842, %sqrt3A_1742 : vector<1x512xf32>
    %mul3A_1844 = arith.constant 0.00999999977 : f32
    %mul3A_1845 = vector.broadcast %mul3A_1844 : f32 to vector<1x512xf32>
    %mul3A_1846 = arith.mulf %mul3A_1845, %div3A_1824 : vector<1x512xf32>
    %add3A_1847 = arith.addf %div3A_1843, %mul3A_1846 : vector<1x512xf32>
    %mul3A_1848 = arith.constant 2.44140625E-4 : f32
    %mul3A_1849 = vector.broadcast %mul3A_1848 : f32 to vector<1x512xf32>
    %mul3A_1850 = arith.mulf %add3A_1847, %mul3A_1849 : vector<1x512xf32>
    %mul3A_1851 = arith.mulf %mul3A_1837, %mul3A_1837 : vector<1x512xf32>
    %add3A_1852 = arith.addf %add3A_1692, %mul3A_1851 : vector<1x512xf32>
    %mul3A_1853 = arith.mulf %mul3A_1850, %mul3A_1850 : vector<1x512xf32>
    %add3A_1854 = arith.addf %add3A_1694, %mul3A_1853 : vector<1x512xf32>
    %mul3A_1855 = arith.constant 0.166666672 : f32
    %mul3A_1856 = vector.broadcast %mul3A_1855 : f32 to vector<1x512xf32>
    %mul3A_1857 = arith.mulf %mul3A_1856, %mul3A_1837 : vector<1x512xf32>
    %sqrt3A_1858 = math.sqrt %add3A_1852 : vector<1x512xf32>
    %add3A_1859 = arith.constant 1.000000e-10 : f32
    %add3A_1860 = vector.broadcast %add3A_1859 : f32 to vector<1x512xf32>
    %add3A_1861 = arith.addf %sqrt3A_1858, %add3A_1860 : vector<1x512xf32>
    %div3A_1862 = arith.divf %mul3A_1857, %add3A_1861 : vector<1x512xf32>
    %sub3A_1863 = arith.subf %sub3A_1703, %div3A_1862 : vector<1x512xf32>
    %mul3A_1864 = arith.constant 0.166666672 : f32
    %mul3A_1865 = vector.broadcast %mul3A_1864 : f32 to vector<1x512xf32>
    %mul3A_1866 = arith.mulf %mul3A_1865, %mul3A_1850 : vector<1x512xf32>
    %sqrt3A_1867 = math.sqrt %add3A_1854 : vector<1x512xf32>
    %add3A_1868 = arith.constant 1.000000e-10 : f32
    %add3A_1869 = vector.broadcast %add3A_1868 : f32 to vector<1x512xf32>
    %add3A_1870 = arith.addf %sqrt3A_1867, %add3A_1869 : vector<1x512xf32>
    %div3A_1871 = arith.divf %mul3A_1866, %add3A_1870 : vector<1x512xf32>
    %sub3A_1872 = arith.subf %sub3A_1712, %div3A_1871 : vector<1x512xf32>
    %add3A_1873 = arith.addf %add3A_1380, %sub3A_1863 : vector<1x512xf32>
    %add3A_1874 = arith.addf %add3A_1384, %sub3A_1872 : vector<1x512xf32>
    %sub3A_1875 = arith.constant 1.000000e+00 : f32
    %sub3A_1876 = vector.broadcast %sub3A_1875 : f32 to vector<1x512xf32>
    %sub3A_1877 = arith.subf %sub3A_1876, %add3A_1873 : vector<1x512xf32>
    %sub3A_1878 = arith.subf %sub3A_1877, %add3A_1874 : vector<1x512xf32>
    %mul3A_1879 = arith.mulf %get3A_1, %add3A_1873 : vector<1x512xf32>
    %mul3A_1880 = arith.mulf %get3A_10, %add3A_1874 : vector<1x512xf32>
    %add3A_1881 = arith.addf %mul3A_1879, %mul3A_1880 : vector<1x512xf32>
    %mul3A_1882 = arith.mulf %get3A_19, %sub3A_1878 : vector<1x512xf32>
    %add3A_1883 = arith.addf %add3A_1881, %mul3A_1882 : vector<1x512xf32>
    %mul3A_1884 = arith.mulf %get3A_4, %add3A_1873 : vector<1x512xf32>
    %mul3A_1885 = arith.mulf %get3A_13, %add3A_1874 : vector<1x512xf32>
    %add3A_1886 = arith.addf %mul3A_1884, %mul3A_1885 : vector<1x512xf32>
    %mul3A_1887 = arith.mulf %get3A_22, %sub3A_1878 : vector<1x512xf32>
    %add3A_1888 = arith.addf %add3A_1886, %mul3A_1887 : vector<1x512xf32>
    %mul3A_1889 = arith.mulf %get3A_7, %add3A_1873 : vector<1x512xf32>
    %mul3A_1890 = arith.mulf %get3A_16, %add3A_1874 : vector<1x512xf32>
    %add3A_1891 = arith.addf %mul3A_1889, %mul3A_1890 : vector<1x512xf32>
    %mul3A_1892 = arith.mulf %get3A_25, %sub3A_1878 : vector<1x512xf32>
    %add3A_1893 = arith.addf %add3A_1891, %mul3A_1892 : vector<1x512xf32>
    %sub3A_1894 = arith.subf %add3A_1883, %get3A_55 : vector<1x512xf32>
    %sub3A_1895 = arith.subf %add3A_1888, %get3A_58 : vector<1x512xf32>
    %sub3A_1896 = arith.subf %add3A_1893, %get3A_61 : vector<1x512xf32>
    %mul3A_1897 = arith.mulf %sub3A_1894, %sub3A_1894 : vector<1x512xf32>
    %mul3A_1898 = arith.mulf %sub3A_1895, %sub3A_1895 : vector<1x512xf32>
    %add3A_1899 = arith.addf %mul3A_1897, %mul3A_1898 : vector<1x512xf32>
    %mul3A_1900 = arith.mulf %sub3A_1896, %sub3A_1896 : vector<1x512xf32>
    %add3A_1901 = arith.addf %add3A_1899, %mul3A_1900 : vector<1x512xf32>
    %sqrt3A_1902 = math.sqrt %add3A_1901 : vector<1x512xf32>
    %mul3A_1903 = arith.mulf %get3A_28, %add3A_1873 : vector<1x512xf32>
    %mul3A_1904 = arith.mulf %get3A_37, %add3A_1874 : vector<1x512xf32>
    %add3A_1905 = arith.addf %mul3A_1903, %mul3A_1904 : vector<1x512xf32>
    %mul3A_1906 = arith.mulf %get3A_46, %sub3A_1878 : vector<1x512xf32>
    %add3A_1907 = arith.addf %add3A_1905, %mul3A_1906 : vector<1x512xf32>
    %mul3A_1908 = arith.mulf %get3A_31, %add3A_1873 : vector<1x512xf32>
    %mul3A_1909 = arith.mulf %get3A_40, %add3A_1874 : vector<1x512xf32>
    %add3A_1910 = arith.addf %mul3A_1908, %mul3A_1909 : vector<1x512xf32>
    %mul3A_1911 = arith.mulf %get3A_49, %sub3A_1878 : vector<1x512xf32>
    %add3A_1912 = arith.addf %add3A_1910, %mul3A_1911 : vector<1x512xf32>
    %mul3A_1913 = arith.mulf %get3A_34, %add3A_1873 : vector<1x512xf32>
    %mul3A_1914 = arith.mulf %get3A_43, %add3A_1874 : vector<1x512xf32>
    %add3A_1915 = arith.addf %mul3A_1913, %mul3A_1914 : vector<1x512xf32>
    %mul3A_1916 = arith.mulf %get3A_52, %sub3A_1878 : vector<1x512xf32>
    %add3A_1917 = arith.addf %add3A_1915, %mul3A_1916 : vector<1x512xf32>
    %mul3A_1918 = arith.mulf %add3A_1907, %add3A_1907 : vector<1x512xf32>
    %mul3A_1919 = arith.mulf %add3A_1912, %add3A_1912 : vector<1x512xf32>
    %add3A_1920 = arith.addf %mul3A_1918, %mul3A_1919 : vector<1x512xf32>
    %mul3A_1921 = arith.mulf %add3A_1917, %add3A_1917 : vector<1x512xf32>
    %add3A_1922 = arith.addf %add3A_1920, %mul3A_1921 : vector<1x512xf32>
    %sqrt3A_1923 = math.sqrt %add3A_1922 : vector<1x512xf32>
    %max3A_1924 = arith.constant 9.99999996E-13 : f32
    %max3A_1925 = vector.broadcast %max3A_1924 : f32 to vector<1x512xf32>
    %max3A_1926 = arith.maximumf %sqrt3A_1923, %max3A_1925 : vector<1x512xf32>
    %div3A_1927 = arith.divf %add3A_1907, %max3A_1926 : vector<1x512xf32>
    %div3A_1928 = arith.divf %add3A_1912, %max3A_1926 : vector<1x512xf32>
    %div3A_1929 = arith.divf %add3A_1917, %max3A_1926 : vector<1x512xf32>
    %sub3A_1930 = arith.subf %div3A_1927, %div3A : vector<1x512xf32>
    %sub3A_1931 = arith.subf %div3A_1928, %div3A_76 : vector<1x512xf32>
    %sub3A_1932 = arith.subf %div3A_1929, %div3A_77 : vector<1x512xf32>
    %mul3A_1933 = arith.mulf %sub3A_1930, %sub3A_1930 : vector<1x512xf32>
    %mul3A_1934 = arith.mulf %sub3A_1931, %sub3A_1931 : vector<1x512xf32>
    %add3A_1935 = arith.addf %mul3A_1933, %mul3A_1934 : vector<1x512xf32>
    %mul3A_1936 = arith.mulf %sub3A_1932, %sub3A_1932 : vector<1x512xf32>
    %add3A_1937 = arith.addf %add3A_1935, %mul3A_1936 : vector<1x512xf32>
    %sqrt3A_1938 = math.sqrt %add3A_1937 : vector<1x512xf32>
    %mul3A_1939 = arith.mulf %sub3A_1930, %add3A_1907 : vector<1x512xf32>
    %mul3A_1940 = arith.mulf %sub3A_1931, %add3A_1912 : vector<1x512xf32>
    %add3A_1941 = arith.addf %mul3A_1939, %mul3A_1940 : vector<1x512xf32>
    %mul3A_1942 = arith.mulf %sub3A_1932, %add3A_1917 : vector<1x512xf32>
    %add3A_1943 = arith.addf %add3A_1941, %mul3A_1942 : vector<1x512xf32>
    %gt3A_1944 = arith.constant 9.99999996E-13 : f32
    %gt3A_1945 = vector.broadcast %gt3A_1944 : f32 to vector<1x512xf32>
    %gt3A_1946 = arith.cmpf ogt, %sqrt3A_1923, %gt3A_1945 : vector<1x512xf32>
    %mul3A_1947 = arith.mulf %sqrt3A_1923, %max3A_1926 : vector<1x512xf32>
    %mul3A_1948 = arith.mulf %mul3A_1947, %max3A_1926 : vector<1x512xf32>
    %div3A_1949 = arith.constant 1.000000e+00 : f32
    %div3A_1950 = vector.broadcast %div3A_1949 : f32 to vector<1x512xf32>
    %div3A_1951 = arith.divf %div3A_1950, %mul3A_1948 : vector<1x512xf32>
    %jit3A_1952 = arith.constant 0.000000e+00 : f32
    %broadcast_in_dim3A_1953 = vector.broadcast %jit3A_1952 : f32 to vector<1x512xf32>
    %select_n3A_1954 = arith.select %gt3A_1946, %div3A_1951, %broadcast_in_dim3A_1953 : vector<1x512xi1>, vector<1x512xf32>
    %mul3A_1955 = arith.mulf %sub3A_1930, %sub3A_83 : vector<1x512xf32>
    %mul3A_1956 = arith.mulf %sub3A_1931, %sub3A_84 : vector<1x512xf32>
    %add3A_1957 = arith.addf %mul3A_1955, %mul3A_1956 : vector<1x512xf32>
    %mul3A_1958 = arith.mulf %sub3A_1932, %sub3A_85 : vector<1x512xf32>
    %add3A_1959 = arith.addf %add3A_1957, %mul3A_1958 : vector<1x512xf32>
    %div3A_1960 = arith.divf %add3A_1959, %max3A_1926 : vector<1x512xf32>
    %mul3A_1961 = arith.mulf %add3A_1907, %sub3A_83 : vector<1x512xf32>
    %mul3A_1962 = arith.mulf %add3A_1912, %sub3A_84 : vector<1x512xf32>
    %add3A_1963 = arith.addf %mul3A_1961, %mul3A_1962 : vector<1x512xf32>
    %mul3A_1964 = arith.mulf %add3A_1917, %sub3A_85 : vector<1x512xf32>
    %add3A_1965 = arith.addf %add3A_1963, %mul3A_1964 : vector<1x512xf32>
    %mul3A_1966 = arith.mulf %add3A_1943, %add3A_1965 : vector<1x512xf32>
    %mul3A_1967 = arith.mulf %mul3A_1966, %select_n3A_1954 : vector<1x512xf32>
    %sub3A_1968 = arith.subf %div3A_1960, %mul3A_1967 : vector<1x512xf32>
    %div3A_1969 = arith.divf %sub3A_1968, %sqrt3A_1938 : vector<1x512xf32>
    %mul3A_1970 = arith.mulf %sub3A_1930, %sub3A_86 : vector<1x512xf32>
    %mul3A_1971 = arith.mulf %sub3A_1931, %sub3A_87 : vector<1x512xf32>
    %add3A_1972 = arith.addf %mul3A_1970, %mul3A_1971 : vector<1x512xf32>
    %mul3A_1973 = arith.mulf %sub3A_1932, %sub3A_88 : vector<1x512xf32>
    %add3A_1974 = arith.addf %add3A_1972, %mul3A_1973 : vector<1x512xf32>
    %div3A_1975 = arith.divf %add3A_1974, %max3A_1926 : vector<1x512xf32>
    %mul3A_1976 = arith.mulf %add3A_1907, %sub3A_86 : vector<1x512xf32>
    %mul3A_1977 = arith.mulf %add3A_1912, %sub3A_87 : vector<1x512xf32>
    %add3A_1978 = arith.addf %mul3A_1976, %mul3A_1977 : vector<1x512xf32>
    %mul3A_1979 = arith.mulf %add3A_1917, %sub3A_88 : vector<1x512xf32>
    %add3A_1980 = arith.addf %add3A_1978, %mul3A_1979 : vector<1x512xf32>
    %mul3A_1981 = arith.mulf %add3A_1943, %add3A_1980 : vector<1x512xf32>
    %mul3A_1982 = arith.mulf %mul3A_1981, %select_n3A_1954 : vector<1x512xf32>
    %sub3A_1983 = arith.subf %div3A_1975, %mul3A_1982 : vector<1x512xf32>
    %div3A_1984 = arith.divf %sub3A_1983, %sqrt3A_1938 : vector<1x512xf32>
    %mul3A_1985 = arith.mulf %sub3A_1894, %sub3A : vector<1x512xf32>
    %mul3A_1986 = arith.mulf %sub3A_1895, %sub3A_78 : vector<1x512xf32>
    %add3A_1987 = arith.addf %mul3A_1985, %mul3A_1986 : vector<1x512xf32>
    %mul3A_1988 = arith.mulf %sub3A_1896, %sub3A_79 : vector<1x512xf32>
    %add3A_1989 = arith.addf %add3A_1987, %mul3A_1988 : vector<1x512xf32>
    %div3A_1990 = arith.divf %add3A_1989, %sqrt3A_1902 : vector<1x512xf32>
    %mul3A_1991 = arith.constant 0.00999999977 : f32
    %mul3A_1992 = vector.broadcast %mul3A_1991 : f32 to vector<1x512xf32>
    %mul3A_1993 = arith.mulf %mul3A_1992, %div3A_1969 : vector<1x512xf32>
    %add3A_1994 = arith.addf %div3A_1990, %mul3A_1993 : vector<1x512xf32>
    %mul3A_1995 = arith.constant 2.44140625E-4 : f32
    %mul3A_1996 = vector.broadcast %mul3A_1995 : f32 to vector<1x512xf32>
    %mul3A_1997 = arith.mulf %add3A_1994, %mul3A_1996 : vector<1x512xf32>
    %mul3A_1998 = arith.mulf %sub3A_1894, %sub3A_80 : vector<1x512xf32>
    %mul3A_1999 = arith.mulf %sub3A_1895, %sub3A_81 : vector<1x512xf32>
    %add3A_2000 = arith.addf %mul3A_1998, %mul3A_1999 : vector<1x512xf32>
    %mul3A_2001 = arith.mulf %sub3A_1896, %sub3A_82 : vector<1x512xf32>
    %add3A_2002 = arith.addf %add3A_2000, %mul3A_2001 : vector<1x512xf32>
    %div3A_2003 = arith.divf %add3A_2002, %sqrt3A_1902 : vector<1x512xf32>
    %mul3A_2004 = arith.constant 0.00999999977 : f32
    %mul3A_2005 = vector.broadcast %mul3A_2004 : f32 to vector<1x512xf32>
    %mul3A_2006 = arith.mulf %mul3A_2005, %div3A_1984 : vector<1x512xf32>
    %add3A_2007 = arith.addf %div3A_2003, %mul3A_2006 : vector<1x512xf32>
    %mul3A_2008 = arith.constant 2.44140625E-4 : f32
    %mul3A_2009 = vector.broadcast %mul3A_2008 : f32 to vector<1x512xf32>
    %mul3A_2010 = arith.mulf %add3A_2007, %mul3A_2009 : vector<1x512xf32>
    %mul3A_2011 = arith.mulf %mul3A_1997, %mul3A_1997 : vector<1x512xf32>
    %add3A_2012 = arith.addf %add3A_1852, %mul3A_2011 : vector<1x512xf32>
    %mul3A_2013 = arith.mulf %mul3A_2010, %mul3A_2010 : vector<1x512xf32>
    %add3A_2014 = arith.addf %add3A_1854, %mul3A_2013 : vector<1x512xf32>
    %mul3A_2015 = arith.constant 0.15384616 : f32
    %mul3A_2016 = vector.broadcast %mul3A_2015 : f32 to vector<1x512xf32>
    %mul3A_2017 = arith.mulf %mul3A_2016, %mul3A_1997 : vector<1x512xf32>
    %sqrt3A_2018 = math.sqrt %add3A_2012 : vector<1x512xf32>
    %add3A_2019 = arith.constant 1.000000e-10 : f32
    %add3A_2020 = vector.broadcast %add3A_2019 : f32 to vector<1x512xf32>
    %add3A_2021 = arith.addf %sqrt3A_2018, %add3A_2020 : vector<1x512xf32>
    %div3A_2022 = arith.divf %mul3A_2017, %add3A_2021 : vector<1x512xf32>
    %sub3A_2023 = arith.subf %sub3A_1863, %div3A_2022 : vector<1x512xf32>
    %mul3A_2024 = arith.constant 0.15384616 : f32
    %mul3A_2025 = vector.broadcast %mul3A_2024 : f32 to vector<1x512xf32>
    %mul3A_2026 = arith.mulf %mul3A_2025, %mul3A_2010 : vector<1x512xf32>
    %sqrt3A_2027 = math.sqrt %add3A_2014 : vector<1x512xf32>
    %add3A_2028 = arith.constant 1.000000e-10 : f32
    %add3A_2029 = vector.broadcast %add3A_2028 : f32 to vector<1x512xf32>
    %add3A_2030 = arith.addf %sqrt3A_2027, %add3A_2029 : vector<1x512xf32>
    %div3A_2031 = arith.divf %mul3A_2026, %add3A_2030 : vector<1x512xf32>
    %sub3A_2032 = arith.subf %sub3A_1872, %div3A_2031 : vector<1x512xf32>
    %add3A_2033 = arith.addf %add3A_1380, %sub3A_2023 : vector<1x512xf32>
    %add3A_2034 = arith.addf %add3A_1384, %sub3A_2032 : vector<1x512xf32>
    %sub3A_2035 = arith.constant 1.000000e+00 : f32
    %sub3A_2036 = vector.broadcast %sub3A_2035 : f32 to vector<1x512xf32>
    %sub3A_2037 = arith.subf %sub3A_2036, %add3A_2033 : vector<1x512xf32>
    %sub3A_2038 = arith.subf %sub3A_2037, %add3A_2034 : vector<1x512xf32>
    %mul3A_2039 = arith.mulf %get3A_1, %add3A_2033 : vector<1x512xf32>
    %mul3A_2040 = arith.mulf %get3A_10, %add3A_2034 : vector<1x512xf32>
    %add3A_2041 = arith.addf %mul3A_2039, %mul3A_2040 : vector<1x512xf32>
    %mul3A_2042 = arith.mulf %get3A_19, %sub3A_2038 : vector<1x512xf32>
    %add3A_2043 = arith.addf %add3A_2041, %mul3A_2042 : vector<1x512xf32>
    %mul3A_2044 = arith.mulf %get3A_4, %add3A_2033 : vector<1x512xf32>
    %mul3A_2045 = arith.mulf %get3A_13, %add3A_2034 : vector<1x512xf32>
    %add3A_2046 = arith.addf %mul3A_2044, %mul3A_2045 : vector<1x512xf32>
    %mul3A_2047 = arith.mulf %get3A_22, %sub3A_2038 : vector<1x512xf32>
    %add3A_2048 = arith.addf %add3A_2046, %mul3A_2047 : vector<1x512xf32>
    %mul3A_2049 = arith.mulf %get3A_7, %add3A_2033 : vector<1x512xf32>
    %mul3A_2050 = arith.mulf %get3A_16, %add3A_2034 : vector<1x512xf32>
    %add3A_2051 = arith.addf %mul3A_2049, %mul3A_2050 : vector<1x512xf32>
    %mul3A_2052 = arith.mulf %get3A_25, %sub3A_2038 : vector<1x512xf32>
    %add3A_2053 = arith.addf %add3A_2051, %mul3A_2052 : vector<1x512xf32>
    %sub3A_2054 = arith.subf %add3A_2043, %get3A_55 : vector<1x512xf32>
    %sub3A_2055 = arith.subf %add3A_2048, %get3A_58 : vector<1x512xf32>
    %sub3A_2056 = arith.subf %add3A_2053, %get3A_61 : vector<1x512xf32>
    %mul3A_2057 = arith.mulf %sub3A_2054, %sub3A_2054 : vector<1x512xf32>
    %mul3A_2058 = arith.mulf %sub3A_2055, %sub3A_2055 : vector<1x512xf32>
    %add3A_2059 = arith.addf %mul3A_2057, %mul3A_2058 : vector<1x512xf32>
    %mul3A_2060 = arith.mulf %sub3A_2056, %sub3A_2056 : vector<1x512xf32>
    %add3A_2061 = arith.addf %add3A_2059, %mul3A_2060 : vector<1x512xf32>
    %sqrt3A_2062 = math.sqrt %add3A_2061 : vector<1x512xf32>
    %mul3A_2063 = arith.mulf %get3A_28, %add3A_2033 : vector<1x512xf32>
    %mul3A_2064 = arith.mulf %get3A_37, %add3A_2034 : vector<1x512xf32>
    %add3A_2065 = arith.addf %mul3A_2063, %mul3A_2064 : vector<1x512xf32>
    %mul3A_2066 = arith.mulf %get3A_46, %sub3A_2038 : vector<1x512xf32>
    %add3A_2067 = arith.addf %add3A_2065, %mul3A_2066 : vector<1x512xf32>
    %mul3A_2068 = arith.mulf %get3A_31, %add3A_2033 : vector<1x512xf32>
    %mul3A_2069 = arith.mulf %get3A_40, %add3A_2034 : vector<1x512xf32>
    %add3A_2070 = arith.addf %mul3A_2068, %mul3A_2069 : vector<1x512xf32>
    %mul3A_2071 = arith.mulf %get3A_49, %sub3A_2038 : vector<1x512xf32>
    %add3A_2072 = arith.addf %add3A_2070, %mul3A_2071 : vector<1x512xf32>
    %mul3A_2073 = arith.mulf %get3A_34, %add3A_2033 : vector<1x512xf32>
    %mul3A_2074 = arith.mulf %get3A_43, %add3A_2034 : vector<1x512xf32>
    %add3A_2075 = arith.addf %mul3A_2073, %mul3A_2074 : vector<1x512xf32>
    %mul3A_2076 = arith.mulf %get3A_52, %sub3A_2038 : vector<1x512xf32>
    %add3A_2077 = arith.addf %add3A_2075, %mul3A_2076 : vector<1x512xf32>
    %mul3A_2078 = arith.mulf %add3A_2067, %add3A_2067 : vector<1x512xf32>
    %mul3A_2079 = arith.mulf %add3A_2072, %add3A_2072 : vector<1x512xf32>
    %add3A_2080 = arith.addf %mul3A_2078, %mul3A_2079 : vector<1x512xf32>
    %mul3A_2081 = arith.mulf %add3A_2077, %add3A_2077 : vector<1x512xf32>
    %add3A_2082 = arith.addf %add3A_2080, %mul3A_2081 : vector<1x512xf32>
    %sqrt3A_2083 = math.sqrt %add3A_2082 : vector<1x512xf32>
    %max3A_2084 = arith.constant 9.99999996E-13 : f32
    %max3A_2085 = vector.broadcast %max3A_2084 : f32 to vector<1x512xf32>
    %max3A_2086 = arith.maximumf %sqrt3A_2083, %max3A_2085 : vector<1x512xf32>
    %div3A_2087 = arith.divf %add3A_2067, %max3A_2086 : vector<1x512xf32>
    %div3A_2088 = arith.divf %add3A_2072, %max3A_2086 : vector<1x512xf32>
    %div3A_2089 = arith.divf %add3A_2077, %max3A_2086 : vector<1x512xf32>
    %sub3A_2090 = arith.subf %div3A_2087, %div3A : vector<1x512xf32>
    %sub3A_2091 = arith.subf %div3A_2088, %div3A_76 : vector<1x512xf32>
    %sub3A_2092 = arith.subf %div3A_2089, %div3A_77 : vector<1x512xf32>
    %mul3A_2093 = arith.mulf %sub3A_2090, %sub3A_2090 : vector<1x512xf32>
    %mul3A_2094 = arith.mulf %sub3A_2091, %sub3A_2091 : vector<1x512xf32>
    %add3A_2095 = arith.addf %mul3A_2093, %mul3A_2094 : vector<1x512xf32>
    %mul3A_2096 = arith.mulf %sub3A_2092, %sub3A_2092 : vector<1x512xf32>
    %add3A_2097 = arith.addf %add3A_2095, %mul3A_2096 : vector<1x512xf32>
    %sqrt3A_2098 = math.sqrt %add3A_2097 : vector<1x512xf32>
    %mul3A_2099 = arith.mulf %sub3A_2090, %add3A_2067 : vector<1x512xf32>
    %mul3A_2100 = arith.mulf %sub3A_2091, %add3A_2072 : vector<1x512xf32>
    %add3A_2101 = arith.addf %mul3A_2099, %mul3A_2100 : vector<1x512xf32>
    %mul3A_2102 = arith.mulf %sub3A_2092, %add3A_2077 : vector<1x512xf32>
    %add3A_2103 = arith.addf %add3A_2101, %mul3A_2102 : vector<1x512xf32>
    %gt3A_2104 = arith.constant 9.99999996E-13 : f32
    %gt3A_2105 = vector.broadcast %gt3A_2104 : f32 to vector<1x512xf32>
    %gt3A_2106 = arith.cmpf ogt, %sqrt3A_2083, %gt3A_2105 : vector<1x512xf32>
    %mul3A_2107 = arith.mulf %sqrt3A_2083, %max3A_2086 : vector<1x512xf32>
    %mul3A_2108 = arith.mulf %mul3A_2107, %max3A_2086 : vector<1x512xf32>
    %div3A_2109 = arith.constant 1.000000e+00 : f32
    %div3A_2110 = vector.broadcast %div3A_2109 : f32 to vector<1x512xf32>
    %div3A_2111 = arith.divf %div3A_2110, %mul3A_2108 : vector<1x512xf32>
    %jit3A_2112 = arith.constant 0.000000e+00 : f32
    %broadcast_in_dim3A_2113 = vector.broadcast %jit3A_2112 : f32 to vector<1x512xf32>
    %select_n3A_2114 = arith.select %gt3A_2106, %div3A_2111, %broadcast_in_dim3A_2113 : vector<1x512xi1>, vector<1x512xf32>
    %mul3A_2115 = arith.mulf %sub3A_2090, %sub3A_83 : vector<1x512xf32>
    %mul3A_2116 = arith.mulf %sub3A_2091, %sub3A_84 : vector<1x512xf32>
    %add3A_2117 = arith.addf %mul3A_2115, %mul3A_2116 : vector<1x512xf32>
    %mul3A_2118 = arith.mulf %sub3A_2092, %sub3A_85 : vector<1x512xf32>
    %add3A_2119 = arith.addf %add3A_2117, %mul3A_2118 : vector<1x512xf32>
    %div3A_2120 = arith.divf %add3A_2119, %max3A_2086 : vector<1x512xf32>
    %mul3A_2121 = arith.mulf %add3A_2067, %sub3A_83 : vector<1x512xf32>
    %mul3A_2122 = arith.mulf %add3A_2072, %sub3A_84 : vector<1x512xf32>
    %add3A_2123 = arith.addf %mul3A_2121, %mul3A_2122 : vector<1x512xf32>
    %mul3A_2124 = arith.mulf %add3A_2077, %sub3A_85 : vector<1x512xf32>
    %add3A_2125 = arith.addf %add3A_2123, %mul3A_2124 : vector<1x512xf32>
    %mul3A_2126 = arith.mulf %add3A_2103, %add3A_2125 : vector<1x512xf32>
    %mul3A_2127 = arith.mulf %mul3A_2126, %select_n3A_2114 : vector<1x512xf32>
    %sub3A_2128 = arith.subf %div3A_2120, %mul3A_2127 : vector<1x512xf32>
    %div3A_2129 = arith.divf %sub3A_2128, %sqrt3A_2098 : vector<1x512xf32>
    %mul3A_2130 = arith.mulf %sub3A_2090, %sub3A_86 : vector<1x512xf32>
    %mul3A_2131 = arith.mulf %sub3A_2091, %sub3A_87 : vector<1x512xf32>
    %add3A_2132 = arith.addf %mul3A_2130, %mul3A_2131 : vector<1x512xf32>
    %mul3A_2133 = arith.mulf %sub3A_2092, %sub3A_88 : vector<1x512xf32>
    %add3A_2134 = arith.addf %add3A_2132, %mul3A_2133 : vector<1x512xf32>
    %div3A_2135 = arith.divf %add3A_2134, %max3A_2086 : vector<1x512xf32>
    %mul3A_2136 = arith.mulf %add3A_2067, %sub3A_86 : vector<1x512xf32>
    %mul3A_2137 = arith.mulf %add3A_2072, %sub3A_87 : vector<1x512xf32>
    %add3A_2138 = arith.addf %mul3A_2136, %mul3A_2137 : vector<1x512xf32>
    %mul3A_2139 = arith.mulf %add3A_2077, %sub3A_88 : vector<1x512xf32>
    %add3A_2140 = arith.addf %add3A_2138, %mul3A_2139 : vector<1x512xf32>
    %mul3A_2141 = arith.mulf %add3A_2103, %add3A_2140 : vector<1x512xf32>
    %mul3A_2142 = arith.mulf %mul3A_2141, %select_n3A_2114 : vector<1x512xf32>
    %sub3A_2143 = arith.subf %div3A_2135, %mul3A_2142 : vector<1x512xf32>
    %div3A_2144 = arith.divf %sub3A_2143, %sqrt3A_2098 : vector<1x512xf32>
    %mul3A_2145 = arith.mulf %sub3A_2054, %sub3A : vector<1x512xf32>
    %mul3A_2146 = arith.mulf %sub3A_2055, %sub3A_78 : vector<1x512xf32>
    %add3A_2147 = arith.addf %mul3A_2145, %mul3A_2146 : vector<1x512xf32>
    %mul3A_2148 = arith.mulf %sub3A_2056, %sub3A_79 : vector<1x512xf32>
    %add3A_2149 = arith.addf %add3A_2147, %mul3A_2148 : vector<1x512xf32>
    %div3A_2150 = arith.divf %add3A_2149, %sqrt3A_2062 : vector<1x512xf32>
    %mul3A_2151 = arith.constant 0.00999999977 : f32
    %mul3A_2152 = vector.broadcast %mul3A_2151 : f32 to vector<1x512xf32>
    %mul3A_2153 = arith.mulf %mul3A_2152, %div3A_2129 : vector<1x512xf32>
    %add3A_2154 = arith.addf %div3A_2150, %mul3A_2153 : vector<1x512xf32>
    %mul3A_2155 = arith.constant 2.44140625E-4 : f32
    %mul3A_2156 = vector.broadcast %mul3A_2155 : f32 to vector<1x512xf32>
    %mul3A_2157 = arith.mulf %add3A_2154, %mul3A_2156 : vector<1x512xf32>
    %mul3A_2158 = arith.mulf %sub3A_2054, %sub3A_80 : vector<1x512xf32>
    %mul3A_2159 = arith.mulf %sub3A_2055, %sub3A_81 : vector<1x512xf32>
    %add3A_2160 = arith.addf %mul3A_2158, %mul3A_2159 : vector<1x512xf32>
    %mul3A_2161 = arith.mulf %sub3A_2056, %sub3A_82 : vector<1x512xf32>
    %add3A_2162 = arith.addf %add3A_2160, %mul3A_2161 : vector<1x512xf32>
    %div3A_2163 = arith.divf %add3A_2162, %sqrt3A_2062 : vector<1x512xf32>
    %mul3A_2164 = arith.constant 0.00999999977 : f32
    %mul3A_2165 = vector.broadcast %mul3A_2164 : f32 to vector<1x512xf32>
    %mul3A_2166 = arith.mulf %mul3A_2165, %div3A_2144 : vector<1x512xf32>
    %add3A_2167 = arith.addf %div3A_2163, %mul3A_2166 : vector<1x512xf32>
    %mul3A_2168 = arith.constant 2.44140625E-4 : f32
    %mul3A_2169 = vector.broadcast %mul3A_2168 : f32 to vector<1x512xf32>
    %mul3A_2170 = arith.mulf %add3A_2167, %mul3A_2169 : vector<1x512xf32>
    %mul3A_2171 = arith.mulf %mul3A_2157, %mul3A_2157 : vector<1x512xf32>
    %add3A_2172 = arith.addf %add3A_2012, %mul3A_2171 : vector<1x512xf32>
    %mul3A_2173 = arith.mulf %mul3A_2170, %mul3A_2170 : vector<1x512xf32>
    %add3A_2174 = arith.addf %add3A_2014, %mul3A_2173 : vector<1x512xf32>
    %mul3A_2175 = arith.constant 0.142857149 : f32
    %mul3A_2176 = vector.broadcast %mul3A_2175 : f32 to vector<1x512xf32>
    %mul3A_2177 = arith.mulf %mul3A_2176, %mul3A_2157 : vector<1x512xf32>
    %sqrt3A_2178 = math.sqrt %add3A_2172 : vector<1x512xf32>
    %add3A_2179 = arith.constant 1.000000e-10 : f32
    %add3A_2180 = vector.broadcast %add3A_2179 : f32 to vector<1x512xf32>
    %add3A_2181 = arith.addf %sqrt3A_2178, %add3A_2180 : vector<1x512xf32>
    %div3A_2182 = arith.divf %mul3A_2177, %add3A_2181 : vector<1x512xf32>
    %sub3A_2183 = arith.subf %sub3A_2023, %div3A_2182 : vector<1x512xf32>
    %mul3A_2184 = arith.constant 0.142857149 : f32
    %mul3A_2185 = vector.broadcast %mul3A_2184 : f32 to vector<1x512xf32>
    %mul3A_2186 = arith.mulf %mul3A_2185, %mul3A_2170 : vector<1x512xf32>
    %sqrt3A_2187 = math.sqrt %add3A_2174 : vector<1x512xf32>
    %add3A_2188 = arith.constant 1.000000e-10 : f32
    %add3A_2189 = vector.broadcast %add3A_2188 : f32 to vector<1x512xf32>
    %add3A_2190 = arith.addf %sqrt3A_2187, %add3A_2189 : vector<1x512xf32>
    %div3A_2191 = arith.divf %mul3A_2186, %add3A_2190 : vector<1x512xf32>
    %sub3A_2192 = arith.subf %sub3A_2032, %div3A_2191 : vector<1x512xf32>
    %add3A_2193 = arith.addf %add3A_1380, %sub3A_2183 : vector<1x512xf32>
    %add3A_2194 = arith.addf %add3A_1384, %sub3A_2192 : vector<1x512xf32>
    %sub3A_2195 = arith.constant 1.000000e+00 : f32
    %sub3A_2196 = vector.broadcast %sub3A_2195 : f32 to vector<1x512xf32>
    %sub3A_2197 = arith.subf %sub3A_2196, %add3A_2193 : vector<1x512xf32>
    %sub3A_2198 = arith.subf %sub3A_2197, %add3A_2194 : vector<1x512xf32>
    %mul3A_2199 = arith.mulf %get3A_1, %add3A_2193 : vector<1x512xf32>
    %mul3A_2200 = arith.mulf %get3A_10, %add3A_2194 : vector<1x512xf32>
    %add3A_2201 = arith.addf %mul3A_2199, %mul3A_2200 : vector<1x512xf32>
    %mul3A_2202 = arith.mulf %get3A_19, %sub3A_2198 : vector<1x512xf32>
    %add3A_2203 = arith.addf %add3A_2201, %mul3A_2202 : vector<1x512xf32>
    %mul3A_2204 = arith.mulf %get3A_4, %add3A_2193 : vector<1x512xf32>
    %mul3A_2205 = arith.mulf %get3A_13, %add3A_2194 : vector<1x512xf32>
    %add3A_2206 = arith.addf %mul3A_2204, %mul3A_2205 : vector<1x512xf32>
    %mul3A_2207 = arith.mulf %get3A_22, %sub3A_2198 : vector<1x512xf32>
    %add3A_2208 = arith.addf %add3A_2206, %mul3A_2207 : vector<1x512xf32>
    %mul3A_2209 = arith.mulf %get3A_7, %add3A_2193 : vector<1x512xf32>
    %mul3A_2210 = arith.mulf %get3A_16, %add3A_2194 : vector<1x512xf32>
    %add3A_2211 = arith.addf %mul3A_2209, %mul3A_2210 : vector<1x512xf32>
    %mul3A_2212 = arith.mulf %get3A_25, %sub3A_2198 : vector<1x512xf32>
    %add3A_2213 = arith.addf %add3A_2211, %mul3A_2212 : vector<1x512xf32>
    %sub3A_2214 = arith.subf %add3A_2203, %get3A_55 : vector<1x512xf32>
    %sub3A_2215 = arith.subf %add3A_2208, %get3A_58 : vector<1x512xf32>
    %sub3A_2216 = arith.subf %add3A_2213, %get3A_61 : vector<1x512xf32>
    %mul3A_2217 = arith.mulf %sub3A_2214, %sub3A_2214 : vector<1x512xf32>
    %mul3A_2218 = arith.mulf %sub3A_2215, %sub3A_2215 : vector<1x512xf32>
    %add3A_2219 = arith.addf %mul3A_2217, %mul3A_2218 : vector<1x512xf32>
    %mul3A_2220 = arith.mulf %sub3A_2216, %sub3A_2216 : vector<1x512xf32>
    %add3A_2221 = arith.addf %add3A_2219, %mul3A_2220 : vector<1x512xf32>
    %sqrt3A_2222 = math.sqrt %add3A_2221 : vector<1x512xf32>
    %mul3A_2223 = arith.mulf %get3A_28, %add3A_2193 : vector<1x512xf32>
    %mul3A_2224 = arith.mulf %get3A_37, %add3A_2194 : vector<1x512xf32>
    %add3A_2225 = arith.addf %mul3A_2223, %mul3A_2224 : vector<1x512xf32>
    %mul3A_2226 = arith.mulf %get3A_46, %sub3A_2198 : vector<1x512xf32>
    %add3A_2227 = arith.addf %add3A_2225, %mul3A_2226 : vector<1x512xf32>
    %mul3A_2228 = arith.mulf %get3A_31, %add3A_2193 : vector<1x512xf32>
    %mul3A_2229 = arith.mulf %get3A_40, %add3A_2194 : vector<1x512xf32>
    %add3A_2230 = arith.addf %mul3A_2228, %mul3A_2229 : vector<1x512xf32>
    %mul3A_2231 = arith.mulf %get3A_49, %sub3A_2198 : vector<1x512xf32>
    %add3A_2232 = arith.addf %add3A_2230, %mul3A_2231 : vector<1x512xf32>
    %mul3A_2233 = arith.mulf %get3A_34, %add3A_2193 : vector<1x512xf32>
    %mul3A_2234 = arith.mulf %get3A_43, %add3A_2194 : vector<1x512xf32>
    %add3A_2235 = arith.addf %mul3A_2233, %mul3A_2234 : vector<1x512xf32>
    %mul3A_2236 = arith.mulf %get3A_52, %sub3A_2198 : vector<1x512xf32>
    %add3A_2237 = arith.addf %add3A_2235, %mul3A_2236 : vector<1x512xf32>
    %mul3A_2238 = arith.mulf %add3A_2227, %add3A_2227 : vector<1x512xf32>
    %mul3A_2239 = arith.mulf %add3A_2232, %add3A_2232 : vector<1x512xf32>
    %add3A_2240 = arith.addf %mul3A_2238, %mul3A_2239 : vector<1x512xf32>
    %mul3A_2241 = arith.mulf %add3A_2237, %add3A_2237 : vector<1x512xf32>
    %add3A_2242 = arith.addf %add3A_2240, %mul3A_2241 : vector<1x512xf32>
    %sqrt3A_2243 = math.sqrt %add3A_2242 : vector<1x512xf32>
    %max3A_2244 = arith.constant 9.99999996E-13 : f32
    %max3A_2245 = vector.broadcast %max3A_2244 : f32 to vector<1x512xf32>
    %max3A_2246 = arith.maximumf %sqrt3A_2243, %max3A_2245 : vector<1x512xf32>
    %div3A_2247 = arith.divf %add3A_2227, %max3A_2246 : vector<1x512xf32>
    %div3A_2248 = arith.divf %add3A_2232, %max3A_2246 : vector<1x512xf32>
    %div3A_2249 = arith.divf %add3A_2237, %max3A_2246 : vector<1x512xf32>
    %sub3A_2250 = arith.subf %div3A_2247, %div3A : vector<1x512xf32>
    %sub3A_2251 = arith.subf %div3A_2248, %div3A_76 : vector<1x512xf32>
    %sub3A_2252 = arith.subf %div3A_2249, %div3A_77 : vector<1x512xf32>
    %mul3A_2253 = arith.mulf %sub3A_2250, %sub3A_2250 : vector<1x512xf32>
    %mul3A_2254 = arith.mulf %sub3A_2251, %sub3A_2251 : vector<1x512xf32>
    %add3A_2255 = arith.addf %mul3A_2253, %mul3A_2254 : vector<1x512xf32>
    %mul3A_2256 = arith.mulf %sub3A_2252, %sub3A_2252 : vector<1x512xf32>
    %add3A_2257 = arith.addf %add3A_2255, %mul3A_2256 : vector<1x512xf32>
    %sqrt3A_2258 = math.sqrt %add3A_2257 : vector<1x512xf32>
    %mul3A_2259 = arith.mulf %sub3A_2250, %add3A_2227 : vector<1x512xf32>
    %mul3A_2260 = arith.mulf %sub3A_2251, %add3A_2232 : vector<1x512xf32>
    %add3A_2261 = arith.addf %mul3A_2259, %mul3A_2260 : vector<1x512xf32>
    %mul3A_2262 = arith.mulf %sub3A_2252, %add3A_2237 : vector<1x512xf32>
    %add3A_2263 = arith.addf %add3A_2261, %mul3A_2262 : vector<1x512xf32>
    %gt3A_2264 = arith.constant 9.99999996E-13 : f32
    %gt3A_2265 = vector.broadcast %gt3A_2264 : f32 to vector<1x512xf32>
    %gt3A_2266 = arith.cmpf ogt, %sqrt3A_2243, %gt3A_2265 : vector<1x512xf32>
    %mul3A_2267 = arith.mulf %sqrt3A_2243, %max3A_2246 : vector<1x512xf32>
    %mul3A_2268 = arith.mulf %mul3A_2267, %max3A_2246 : vector<1x512xf32>
    %div3A_2269 = arith.constant 1.000000e+00 : f32
    %div3A_2270 = vector.broadcast %div3A_2269 : f32 to vector<1x512xf32>
    %div3A_2271 = arith.divf %div3A_2270, %mul3A_2268 : vector<1x512xf32>
    %jit3A_2272 = arith.constant 0.000000e+00 : f32
    %broadcast_in_dim3A_2273 = vector.broadcast %jit3A_2272 : f32 to vector<1x512xf32>
    %select_n3A_2274 = arith.select %gt3A_2266, %div3A_2271, %broadcast_in_dim3A_2273 : vector<1x512xi1>, vector<1x512xf32>
    %mul3A_2275 = arith.mulf %sub3A_2250, %sub3A_83 : vector<1x512xf32>
    %mul3A_2276 = arith.mulf %sub3A_2251, %sub3A_84 : vector<1x512xf32>
    %add3A_2277 = arith.addf %mul3A_2275, %mul3A_2276 : vector<1x512xf32>
    %mul3A_2278 = arith.mulf %sub3A_2252, %sub3A_85 : vector<1x512xf32>
    %add3A_2279 = arith.addf %add3A_2277, %mul3A_2278 : vector<1x512xf32>
    %div3A_2280 = arith.divf %add3A_2279, %max3A_2246 : vector<1x512xf32>
    %mul3A_2281 = arith.mulf %add3A_2227, %sub3A_83 : vector<1x512xf32>
    %mul3A_2282 = arith.mulf %add3A_2232, %sub3A_84 : vector<1x512xf32>
    %add3A_2283 = arith.addf %mul3A_2281, %mul3A_2282 : vector<1x512xf32>
    %mul3A_2284 = arith.mulf %add3A_2237, %sub3A_85 : vector<1x512xf32>
    %add3A_2285 = arith.addf %add3A_2283, %mul3A_2284 : vector<1x512xf32>
    %mul3A_2286 = arith.mulf %add3A_2263, %add3A_2285 : vector<1x512xf32>
    %mul3A_2287 = arith.mulf %mul3A_2286, %select_n3A_2274 : vector<1x512xf32>
    %sub3A_2288 = arith.subf %div3A_2280, %mul3A_2287 : vector<1x512xf32>
    %div3A_2289 = arith.divf %sub3A_2288, %sqrt3A_2258 : vector<1x512xf32>
    %mul3A_2290 = arith.mulf %sub3A_2250, %sub3A_86 : vector<1x512xf32>
    %mul3A_2291 = arith.mulf %sub3A_2251, %sub3A_87 : vector<1x512xf32>
    %add3A_2292 = arith.addf %mul3A_2290, %mul3A_2291 : vector<1x512xf32>
    %mul3A_2293 = arith.mulf %sub3A_2252, %sub3A_88 : vector<1x512xf32>
    %add3A_2294 = arith.addf %add3A_2292, %mul3A_2293 : vector<1x512xf32>
    %div3A_2295 = arith.divf %add3A_2294, %max3A_2246 : vector<1x512xf32>
    %mul3A_2296 = arith.mulf %add3A_2227, %sub3A_86 : vector<1x512xf32>
    %mul3A_2297 = arith.mulf %add3A_2232, %sub3A_87 : vector<1x512xf32>
    %add3A_2298 = arith.addf %mul3A_2296, %mul3A_2297 : vector<1x512xf32>
    %mul3A_2299 = arith.mulf %add3A_2237, %sub3A_88 : vector<1x512xf32>
    %add3A_2300 = arith.addf %add3A_2298, %mul3A_2299 : vector<1x512xf32>
    %mul3A_2301 = arith.mulf %add3A_2263, %add3A_2300 : vector<1x512xf32>
    %mul3A_2302 = arith.mulf %mul3A_2301, %select_n3A_2274 : vector<1x512xf32>
    %sub3A_2303 = arith.subf %div3A_2295, %mul3A_2302 : vector<1x512xf32>
    %div3A_2304 = arith.divf %sub3A_2303, %sqrt3A_2258 : vector<1x512xf32>
    %mul3A_2305 = arith.mulf %sub3A_2214, %sub3A : vector<1x512xf32>
    %mul3A_2306 = arith.mulf %sub3A_2215, %sub3A_78 : vector<1x512xf32>
    %add3A_2307 = arith.addf %mul3A_2305, %mul3A_2306 : vector<1x512xf32>
    %mul3A_2308 = arith.mulf %sub3A_2216, %sub3A_79 : vector<1x512xf32>
    %add3A_2309 = arith.addf %add3A_2307, %mul3A_2308 : vector<1x512xf32>
    %div3A_2310 = arith.divf %add3A_2309, %sqrt3A_2222 : vector<1x512xf32>
    %mul3A_2311 = arith.constant 0.00999999977 : f32
    %mul3A_2312 = vector.broadcast %mul3A_2311 : f32 to vector<1x512xf32>
    %mul3A_2313 = arith.mulf %mul3A_2312, %div3A_2289 : vector<1x512xf32>
    %add3A_2314 = arith.addf %div3A_2310, %mul3A_2313 : vector<1x512xf32>
    %mul3A_2315 = arith.constant 2.44140625E-4 : f32
    %mul3A_2316 = vector.broadcast %mul3A_2315 : f32 to vector<1x512xf32>
    %mul3A_2317 = arith.mulf %add3A_2314, %mul3A_2316 : vector<1x512xf32>
    %mul3A_2318 = arith.mulf %sub3A_2214, %sub3A_80 : vector<1x512xf32>
    %mul3A_2319 = arith.mulf %sub3A_2215, %sub3A_81 : vector<1x512xf32>
    %add3A_2320 = arith.addf %mul3A_2318, %mul3A_2319 : vector<1x512xf32>
    %mul3A_2321 = arith.mulf %sub3A_2216, %sub3A_82 : vector<1x512xf32>
    %add3A_2322 = arith.addf %add3A_2320, %mul3A_2321 : vector<1x512xf32>
    %div3A_2323 = arith.divf %add3A_2322, %sqrt3A_2222 : vector<1x512xf32>
    %mul3A_2324 = arith.constant 0.00999999977 : f32
    %mul3A_2325 = vector.broadcast %mul3A_2324 : f32 to vector<1x512xf32>
    %mul3A_2326 = arith.mulf %mul3A_2325, %div3A_2304 : vector<1x512xf32>
    %add3A_2327 = arith.addf %div3A_2323, %mul3A_2326 : vector<1x512xf32>
    %mul3A_2328 = arith.constant 2.44140625E-4 : f32
    %mul3A_2329 = vector.broadcast %mul3A_2328 : f32 to vector<1x512xf32>
    %mul3A_2330 = arith.mulf %add3A_2327, %mul3A_2329 : vector<1x512xf32>
    %mul3A_2331 = arith.mulf %mul3A_2317, %mul3A_2317 : vector<1x512xf32>
    %add3A_2332 = arith.addf %add3A_2172, %mul3A_2331 : vector<1x512xf32>
    %mul3A_2333 = arith.mulf %mul3A_2330, %mul3A_2330 : vector<1x512xf32>
    %add3A_2334 = arith.addf %add3A_2174, %mul3A_2333 : vector<1x512xf32>
    %mul3A_2335 = arith.constant 0.13333334 : f32
    %mul3A_2336 = vector.broadcast %mul3A_2335 : f32 to vector<1x512xf32>
    %mul3A_2337 = arith.mulf %mul3A_2336, %mul3A_2317 : vector<1x512xf32>
    %sqrt3A_2338 = math.sqrt %add3A_2332 : vector<1x512xf32>
    %add3A_2339 = arith.constant 1.000000e-10 : f32
    %add3A_2340 = vector.broadcast %add3A_2339 : f32 to vector<1x512xf32>
    %add3A_2341 = arith.addf %sqrt3A_2338, %add3A_2340 : vector<1x512xf32>
    %div3A_2342 = arith.divf %mul3A_2337, %add3A_2341 : vector<1x512xf32>
    %sub3A_2343 = arith.subf %sub3A_2183, %div3A_2342 : vector<1x512xf32>
    %mul3A_2344 = arith.constant 0.13333334 : f32
    %mul3A_2345 = vector.broadcast %mul3A_2344 : f32 to vector<1x512xf32>
    %mul3A_2346 = arith.mulf %mul3A_2345, %mul3A_2330 : vector<1x512xf32>
    %sqrt3A_2347 = math.sqrt %add3A_2334 : vector<1x512xf32>
    %add3A_2348 = arith.constant 1.000000e-10 : f32
    %add3A_2349 = vector.broadcast %add3A_2348 : f32 to vector<1x512xf32>
    %add3A_2350 = arith.addf %sqrt3A_2347, %add3A_2349 : vector<1x512xf32>
    %div3A_2351 = arith.divf %mul3A_2346, %add3A_2350 : vector<1x512xf32>
    %sub3A_2352 = arith.subf %sub3A_2192, %div3A_2351 : vector<1x512xf32>
    %add3A_2353 = arith.addf %add3A_1380, %sub3A_2343 : vector<1x512xf32>
    %add3A_2354 = arith.addf %add3A_1384, %sub3A_2352 : vector<1x512xf32>
    %sub3A_2355 = arith.constant 1.000000e+00 : f32
    %sub3A_2356 = vector.broadcast %sub3A_2355 : f32 to vector<1x512xf32>
    %sub3A_2357 = arith.subf %sub3A_2356, %add3A_2353 : vector<1x512xf32>
    %sub3A_2358 = arith.subf %sub3A_2357, %add3A_2354 : vector<1x512xf32>
    %mul3A_2359 = arith.mulf %get3A_1, %add3A_2353 : vector<1x512xf32>
    %mul3A_2360 = arith.mulf %get3A_10, %add3A_2354 : vector<1x512xf32>
    %add3A_2361 = arith.addf %mul3A_2359, %mul3A_2360 : vector<1x512xf32>
    %mul3A_2362 = arith.mulf %get3A_19, %sub3A_2358 : vector<1x512xf32>
    %add3A_2363 = arith.addf %add3A_2361, %mul3A_2362 : vector<1x512xf32>
    %mul3A_2364 = arith.mulf %get3A_4, %add3A_2353 : vector<1x512xf32>
    %mul3A_2365 = arith.mulf %get3A_13, %add3A_2354 : vector<1x512xf32>
    %add3A_2366 = arith.addf %mul3A_2364, %mul3A_2365 : vector<1x512xf32>
    %mul3A_2367 = arith.mulf %get3A_22, %sub3A_2358 : vector<1x512xf32>
    %add3A_2368 = arith.addf %add3A_2366, %mul3A_2367 : vector<1x512xf32>
    %mul3A_2369 = arith.mulf %get3A_7, %add3A_2353 : vector<1x512xf32>
    %mul3A_2370 = arith.mulf %get3A_16, %add3A_2354 : vector<1x512xf32>
    %add3A_2371 = arith.addf %mul3A_2369, %mul3A_2370 : vector<1x512xf32>
    %mul3A_2372 = arith.mulf %get3A_25, %sub3A_2358 : vector<1x512xf32>
    %add3A_2373 = arith.addf %add3A_2371, %mul3A_2372 : vector<1x512xf32>
    %sub3A_2374 = arith.subf %add3A_2363, %get3A_55 : vector<1x512xf32>
    %sub3A_2375 = arith.subf %add3A_2368, %get3A_58 : vector<1x512xf32>
    %sub3A_2376 = arith.subf %add3A_2373, %get3A_61 : vector<1x512xf32>
    %mul3A_2377 = arith.mulf %sub3A_2374, %sub3A_2374 : vector<1x512xf32>
    %mul3A_2378 = arith.mulf %sub3A_2375, %sub3A_2375 : vector<1x512xf32>
    %add3A_2379 = arith.addf %mul3A_2377, %mul3A_2378 : vector<1x512xf32>
    %mul3A_2380 = arith.mulf %sub3A_2376, %sub3A_2376 : vector<1x512xf32>
    %add3A_2381 = arith.addf %add3A_2379, %mul3A_2380 : vector<1x512xf32>
    %sqrt3A_2382 = math.sqrt %add3A_2381 : vector<1x512xf32>
    %mul3A_2383 = arith.mulf %get3A_28, %add3A_2353 : vector<1x512xf32>
    %mul3A_2384 = arith.mulf %get3A_37, %add3A_2354 : vector<1x512xf32>
    %add3A_2385 = arith.addf %mul3A_2383, %mul3A_2384 : vector<1x512xf32>
    %mul3A_2386 = arith.mulf %get3A_46, %sub3A_2358 : vector<1x512xf32>
    %add3A_2387 = arith.addf %add3A_2385, %mul3A_2386 : vector<1x512xf32>
    %mul3A_2388 = arith.mulf %get3A_31, %add3A_2353 : vector<1x512xf32>
    %mul3A_2389 = arith.mulf %get3A_40, %add3A_2354 : vector<1x512xf32>
    %add3A_2390 = arith.addf %mul3A_2388, %mul3A_2389 : vector<1x512xf32>
    %mul3A_2391 = arith.mulf %get3A_49, %sub3A_2358 : vector<1x512xf32>
    %add3A_2392 = arith.addf %add3A_2390, %mul3A_2391 : vector<1x512xf32>
    %mul3A_2393 = arith.mulf %get3A_34, %add3A_2353 : vector<1x512xf32>
    %mul3A_2394 = arith.mulf %get3A_43, %add3A_2354 : vector<1x512xf32>
    %add3A_2395 = arith.addf %mul3A_2393, %mul3A_2394 : vector<1x512xf32>
    %mul3A_2396 = arith.mulf %get3A_52, %sub3A_2358 : vector<1x512xf32>
    %add3A_2397 = arith.addf %add3A_2395, %mul3A_2396 : vector<1x512xf32>
    %mul3A_2398 = arith.mulf %add3A_2387, %add3A_2387 : vector<1x512xf32>
    %mul3A_2399 = arith.mulf %add3A_2392, %add3A_2392 : vector<1x512xf32>
    %add3A_2400 = arith.addf %mul3A_2398, %mul3A_2399 : vector<1x512xf32>
    %mul3A_2401 = arith.mulf %add3A_2397, %add3A_2397 : vector<1x512xf32>
    %add3A_2402 = arith.addf %add3A_2400, %mul3A_2401 : vector<1x512xf32>
    %sqrt3A_2403 = math.sqrt %add3A_2402 : vector<1x512xf32>
    %max3A_2404 = arith.constant 9.99999996E-13 : f32
    %max3A_2405 = vector.broadcast %max3A_2404 : f32 to vector<1x512xf32>
    %max3A_2406 = arith.maximumf %sqrt3A_2403, %max3A_2405 : vector<1x512xf32>
    %div3A_2407 = arith.divf %add3A_2387, %max3A_2406 : vector<1x512xf32>
    %div3A_2408 = arith.divf %add3A_2392, %max3A_2406 : vector<1x512xf32>
    %div3A_2409 = arith.divf %add3A_2397, %max3A_2406 : vector<1x512xf32>
    %sub3A_2410 = arith.subf %div3A_2407, %div3A : vector<1x512xf32>
    %sub3A_2411 = arith.subf %div3A_2408, %div3A_76 : vector<1x512xf32>
    %sub3A_2412 = arith.subf %div3A_2409, %div3A_77 : vector<1x512xf32>
    %mul3A_2413 = arith.mulf %sub3A_2410, %sub3A_2410 : vector<1x512xf32>
    %mul3A_2414 = arith.mulf %sub3A_2411, %sub3A_2411 : vector<1x512xf32>
    %add3A_2415 = arith.addf %mul3A_2413, %mul3A_2414 : vector<1x512xf32>
    %mul3A_2416 = arith.mulf %sub3A_2412, %sub3A_2412 : vector<1x512xf32>
    %add3A_2417 = arith.addf %add3A_2415, %mul3A_2416 : vector<1x512xf32>
    %sqrt3A_2418 = math.sqrt %add3A_2417 : vector<1x512xf32>
    %mul3A_2419 = arith.mulf %sub3A_2410, %add3A_2387 : vector<1x512xf32>
    %mul3A_2420 = arith.mulf %sub3A_2411, %add3A_2392 : vector<1x512xf32>
    %add3A_2421 = arith.addf %mul3A_2419, %mul3A_2420 : vector<1x512xf32>
    %mul3A_2422 = arith.mulf %sub3A_2412, %add3A_2397 : vector<1x512xf32>
    %add3A_2423 = arith.addf %add3A_2421, %mul3A_2422 : vector<1x512xf32>
    %gt3A_2424 = arith.constant 9.99999996E-13 : f32
    %gt3A_2425 = vector.broadcast %gt3A_2424 : f32 to vector<1x512xf32>
    %gt3A_2426 = arith.cmpf ogt, %sqrt3A_2403, %gt3A_2425 : vector<1x512xf32>
    %mul3A_2427 = arith.mulf %sqrt3A_2403, %max3A_2406 : vector<1x512xf32>
    %mul3A_2428 = arith.mulf %mul3A_2427, %max3A_2406 : vector<1x512xf32>
    %div3A_2429 = arith.constant 1.000000e+00 : f32
    %div3A_2430 = vector.broadcast %div3A_2429 : f32 to vector<1x512xf32>
    %div3A_2431 = arith.divf %div3A_2430, %mul3A_2428 : vector<1x512xf32>
    %jit3A_2432 = arith.constant 0.000000e+00 : f32
    %broadcast_in_dim3A_2433 = vector.broadcast %jit3A_2432 : f32 to vector<1x512xf32>
    %select_n3A_2434 = arith.select %gt3A_2426, %div3A_2431, %broadcast_in_dim3A_2433 : vector<1x512xi1>, vector<1x512xf32>
    %mul3A_2435 = arith.mulf %sub3A_2410, %sub3A_83 : vector<1x512xf32>
    %mul3A_2436 = arith.mulf %sub3A_2411, %sub3A_84 : vector<1x512xf32>
    %add3A_2437 = arith.addf %mul3A_2435, %mul3A_2436 : vector<1x512xf32>
    %mul3A_2438 = arith.mulf %sub3A_2412, %sub3A_85 : vector<1x512xf32>
    %add3A_2439 = arith.addf %add3A_2437, %mul3A_2438 : vector<1x512xf32>
    %div3A_2440 = arith.divf %add3A_2439, %max3A_2406 : vector<1x512xf32>
    %mul3A_2441 = arith.mulf %add3A_2387, %sub3A_83 : vector<1x512xf32>
    %mul3A_2442 = arith.mulf %add3A_2392, %sub3A_84 : vector<1x512xf32>
    %add3A_2443 = arith.addf %mul3A_2441, %mul3A_2442 : vector<1x512xf32>
    %mul3A_2444 = arith.mulf %add3A_2397, %sub3A_85 : vector<1x512xf32>
    %add3A_2445 = arith.addf %add3A_2443, %mul3A_2444 : vector<1x512xf32>
    %mul3A_2446 = arith.mulf %add3A_2423, %add3A_2445 : vector<1x512xf32>
    %mul3A_2447 = arith.mulf %mul3A_2446, %select_n3A_2434 : vector<1x512xf32>
    %sub3A_2448 = arith.subf %div3A_2440, %mul3A_2447 : vector<1x512xf32>
    %div3A_2449 = arith.divf %sub3A_2448, %sqrt3A_2418 : vector<1x512xf32>
    %mul3A_2450 = arith.mulf %sub3A_2410, %sub3A_86 : vector<1x512xf32>
    %mul3A_2451 = arith.mulf %sub3A_2411, %sub3A_87 : vector<1x512xf32>
    %add3A_2452 = arith.addf %mul3A_2450, %mul3A_2451 : vector<1x512xf32>
    %mul3A_2453 = arith.mulf %sub3A_2412, %sub3A_88 : vector<1x512xf32>
    %add3A_2454 = arith.addf %add3A_2452, %mul3A_2453 : vector<1x512xf32>
    %div3A_2455 = arith.divf %add3A_2454, %max3A_2406 : vector<1x512xf32>
    %mul3A_2456 = arith.mulf %add3A_2387, %sub3A_86 : vector<1x512xf32>
    %mul3A_2457 = arith.mulf %add3A_2392, %sub3A_87 : vector<1x512xf32>
    %add3A_2458 = arith.addf %mul3A_2456, %mul3A_2457 : vector<1x512xf32>
    %mul3A_2459 = arith.mulf %add3A_2397, %sub3A_88 : vector<1x512xf32>
    %add3A_2460 = arith.addf %add3A_2458, %mul3A_2459 : vector<1x512xf32>
    %mul3A_2461 = arith.mulf %add3A_2423, %add3A_2460 : vector<1x512xf32>
    %mul3A_2462 = arith.mulf %mul3A_2461, %select_n3A_2434 : vector<1x512xf32>
    %sub3A_2463 = arith.subf %div3A_2455, %mul3A_2462 : vector<1x512xf32>
    %div3A_2464 = arith.divf %sub3A_2463, %sqrt3A_2418 : vector<1x512xf32>
    %mul3A_2465 = arith.mulf %sub3A_2374, %sub3A : vector<1x512xf32>
    %mul3A_2466 = arith.mulf %sub3A_2375, %sub3A_78 : vector<1x512xf32>
    %add3A_2467 = arith.addf %mul3A_2465, %mul3A_2466 : vector<1x512xf32>
    %mul3A_2468 = arith.mulf %sub3A_2376, %sub3A_79 : vector<1x512xf32>
    %add3A_2469 = arith.addf %add3A_2467, %mul3A_2468 : vector<1x512xf32>
    %div3A_2470 = arith.divf %add3A_2469, %sqrt3A_2382 : vector<1x512xf32>
    %mul3A_2471 = arith.constant 0.00999999977 : f32
    %mul3A_2472 = vector.broadcast %mul3A_2471 : f32 to vector<1x512xf32>
    %mul3A_2473 = arith.mulf %mul3A_2472, %div3A_2449 : vector<1x512xf32>
    %add3A_2474 = arith.addf %div3A_2470, %mul3A_2473 : vector<1x512xf32>
    %mul3A_2475 = arith.constant 2.44140625E-4 : f32
    %mul3A_2476 = vector.broadcast %mul3A_2475 : f32 to vector<1x512xf32>
    %mul3A_2477 = arith.mulf %add3A_2474, %mul3A_2476 : vector<1x512xf32>
    %mul3A_2478 = arith.mulf %sub3A_2374, %sub3A_80 : vector<1x512xf32>
    %mul3A_2479 = arith.mulf %sub3A_2375, %sub3A_81 : vector<1x512xf32>
    %add3A_2480 = arith.addf %mul3A_2478, %mul3A_2479 : vector<1x512xf32>
    %mul3A_2481 = arith.mulf %sub3A_2376, %sub3A_82 : vector<1x512xf32>
    %add3A_2482 = arith.addf %add3A_2480, %mul3A_2481 : vector<1x512xf32>
    %div3A_2483 = arith.divf %add3A_2482, %sqrt3A_2382 : vector<1x512xf32>
    %mul3A_2484 = arith.constant 0.00999999977 : f32
    %mul3A_2485 = vector.broadcast %mul3A_2484 : f32 to vector<1x512xf32>
    %mul3A_2486 = arith.mulf %mul3A_2485, %div3A_2464 : vector<1x512xf32>
    %add3A_2487 = arith.addf %div3A_2483, %mul3A_2486 : vector<1x512xf32>
    %mul3A_2488 = arith.constant 2.44140625E-4 : f32
    %mul3A_2489 = vector.broadcast %mul3A_2488 : f32 to vector<1x512xf32>
    %mul3A_2490 = arith.mulf %add3A_2487, %mul3A_2489 : vector<1x512xf32>
    %mul3A_2491 = arith.mulf %mul3A_2477, %mul3A_2477 : vector<1x512xf32>
    %add3A_2492 = arith.addf %add3A_2332, %mul3A_2491 : vector<1x512xf32>
    %mul3A_2493 = arith.mulf %mul3A_2490, %mul3A_2490 : vector<1x512xf32>
    %add3A_2494 = arith.addf %add3A_2334, %mul3A_2493 : vector<1x512xf32>
    %mul3A_2495 = arith.constant 1.250000e-01 : f32
    %mul3A_2496 = vector.broadcast %mul3A_2495 : f32 to vector<1x512xf32>
    %mul3A_2497 = arith.mulf %mul3A_2496, %mul3A_2477 : vector<1x512xf32>
    %sqrt3A_2498 = math.sqrt %add3A_2492 : vector<1x512xf32>
    %add3A_2499 = arith.constant 1.000000e-10 : f32
    %add3A_2500 = vector.broadcast %add3A_2499 : f32 to vector<1x512xf32>
    %add3A_2501 = arith.addf %sqrt3A_2498, %add3A_2500 : vector<1x512xf32>
    %div3A_2502 = arith.divf %mul3A_2497, %add3A_2501 : vector<1x512xf32>
    %sub3A_2503 = arith.subf %sub3A_2343, %div3A_2502 : vector<1x512xf32>
    %mul3A_2504 = arith.constant 1.250000e-01 : f32
    %mul3A_2505 = vector.broadcast %mul3A_2504 : f32 to vector<1x512xf32>
    %mul3A_2506 = arith.mulf %mul3A_2505, %mul3A_2490 : vector<1x512xf32>
    %sqrt3A_2507 = math.sqrt %add3A_2494 : vector<1x512xf32>
    %add3A_2508 = arith.constant 1.000000e-10 : f32
    %add3A_2509 = vector.broadcast %add3A_2508 : f32 to vector<1x512xf32>
    %add3A_2510 = arith.addf %sqrt3A_2507, %add3A_2509 : vector<1x512xf32>
    %div3A_2511 = arith.divf %mul3A_2506, %add3A_2510 : vector<1x512xf32>
    %sub3A_2512 = arith.subf %sub3A_2352, %div3A_2511 : vector<1x512xf32>
    %add3A_2513 = arith.addf %add3A_1380, %sub3A_2503 : vector<1x512xf32>
    %add3A_2514 = arith.addf %add3A_1384, %sub3A_2512 : vector<1x512xf32>
    %sub3A_2515 = arith.constant 1.000000e+00 : f32
    %sub3A_2516 = vector.broadcast %sub3A_2515 : f32 to vector<1x512xf32>
    %sub3A_2517 = arith.subf %sub3A_2516, %add3A_2513 : vector<1x512xf32>
    %sub3A_2518 = arith.subf %sub3A_2517, %add3A_2514 : vector<1x512xf32>
    %mul3A_2519 = arith.mulf %get3A_1, %add3A_2513 : vector<1x512xf32>
    %mul3A_2520 = arith.mulf %get3A_10, %add3A_2514 : vector<1x512xf32>
    %add3A_2521 = arith.addf %mul3A_2519, %mul3A_2520 : vector<1x512xf32>
    %mul3A_2522 = arith.mulf %get3A_19, %sub3A_2518 : vector<1x512xf32>
    %add3A_2523 = arith.addf %add3A_2521, %mul3A_2522 : vector<1x512xf32>
    %mul3A_2524 = arith.mulf %get3A_4, %add3A_2513 : vector<1x512xf32>
    %mul3A_2525 = arith.mulf %get3A_13, %add3A_2514 : vector<1x512xf32>
    %add3A_2526 = arith.addf %mul3A_2524, %mul3A_2525 : vector<1x512xf32>
    %mul3A_2527 = arith.mulf %get3A_22, %sub3A_2518 : vector<1x512xf32>
    %add3A_2528 = arith.addf %add3A_2526, %mul3A_2527 : vector<1x512xf32>
    %mul3A_2529 = arith.mulf %get3A_7, %add3A_2513 : vector<1x512xf32>
    %mul3A_2530 = arith.mulf %get3A_16, %add3A_2514 : vector<1x512xf32>
    %add3A_2531 = arith.addf %mul3A_2529, %mul3A_2530 : vector<1x512xf32>
    %mul3A_2532 = arith.mulf %get3A_25, %sub3A_2518 : vector<1x512xf32>
    %add3A_2533 = arith.addf %add3A_2531, %mul3A_2532 : vector<1x512xf32>
    %sub3A_2534 = arith.subf %add3A_2523, %get3A_55 : vector<1x512xf32>
    %sub3A_2535 = arith.subf %add3A_2528, %get3A_58 : vector<1x512xf32>
    %sub3A_2536 = arith.subf %add3A_2533, %get3A_61 : vector<1x512xf32>
    %mul3A_2537 = arith.mulf %sub3A_2534, %sub3A_2534 : vector<1x512xf32>
    %mul3A_2538 = arith.mulf %sub3A_2535, %sub3A_2535 : vector<1x512xf32>
    %add3A_2539 = arith.addf %mul3A_2537, %mul3A_2538 : vector<1x512xf32>
    %mul3A_2540 = arith.mulf %sub3A_2536, %sub3A_2536 : vector<1x512xf32>
    %add3A_2541 = arith.addf %add3A_2539, %mul3A_2540 : vector<1x512xf32>
    %sqrt3A_2542 = math.sqrt %add3A_2541 : vector<1x512xf32>
    %mul3A_2543 = arith.mulf %get3A_28, %add3A_2513 : vector<1x512xf32>
    %mul3A_2544 = arith.mulf %get3A_37, %add3A_2514 : vector<1x512xf32>
    %add3A_2545 = arith.addf %mul3A_2543, %mul3A_2544 : vector<1x512xf32>
    %mul3A_2546 = arith.mulf %get3A_46, %sub3A_2518 : vector<1x512xf32>
    %add3A_2547 = arith.addf %add3A_2545, %mul3A_2546 : vector<1x512xf32>
    %mul3A_2548 = arith.mulf %get3A_31, %add3A_2513 : vector<1x512xf32>
    %mul3A_2549 = arith.mulf %get3A_40, %add3A_2514 : vector<1x512xf32>
    %add3A_2550 = arith.addf %mul3A_2548, %mul3A_2549 : vector<1x512xf32>
    %mul3A_2551 = arith.mulf %get3A_49, %sub3A_2518 : vector<1x512xf32>
    %add3A_2552 = arith.addf %add3A_2550, %mul3A_2551 : vector<1x512xf32>
    %mul3A_2553 = arith.mulf %get3A_34, %add3A_2513 : vector<1x512xf32>
    %mul3A_2554 = arith.mulf %get3A_43, %add3A_2514 : vector<1x512xf32>
    %add3A_2555 = arith.addf %mul3A_2553, %mul3A_2554 : vector<1x512xf32>
    %mul3A_2556 = arith.mulf %get3A_52, %sub3A_2518 : vector<1x512xf32>
    %add3A_2557 = arith.addf %add3A_2555, %mul3A_2556 : vector<1x512xf32>
    %mul3A_2558 = arith.mulf %add3A_2547, %add3A_2547 : vector<1x512xf32>
    %mul3A_2559 = arith.mulf %add3A_2552, %add3A_2552 : vector<1x512xf32>
    %add3A_2560 = arith.addf %mul3A_2558, %mul3A_2559 : vector<1x512xf32>
    %mul3A_2561 = arith.mulf %add3A_2557, %add3A_2557 : vector<1x512xf32>
    %add3A_2562 = arith.addf %add3A_2560, %mul3A_2561 : vector<1x512xf32>
    %sqrt3A_2563 = math.sqrt %add3A_2562 : vector<1x512xf32>
    %max3A_2564 = arith.constant 9.99999996E-13 : f32
    %max3A_2565 = vector.broadcast %max3A_2564 : f32 to vector<1x512xf32>
    %max3A_2566 = arith.maximumf %sqrt3A_2563, %max3A_2565 : vector<1x512xf32>
    %div3A_2567 = arith.divf %add3A_2547, %max3A_2566 : vector<1x512xf32>
    %div3A_2568 = arith.divf %add3A_2552, %max3A_2566 : vector<1x512xf32>
    %div3A_2569 = arith.divf %add3A_2557, %max3A_2566 : vector<1x512xf32>
    %sub3A_2570 = arith.subf %div3A_2567, %div3A : vector<1x512xf32>
    %sub3A_2571 = arith.subf %div3A_2568, %div3A_76 : vector<1x512xf32>
    %sub3A_2572 = arith.subf %div3A_2569, %div3A_77 : vector<1x512xf32>
    %mul3A_2573 = arith.mulf %sub3A_2570, %sub3A_2570 : vector<1x512xf32>
    %mul3A_2574 = arith.mulf %sub3A_2571, %sub3A_2571 : vector<1x512xf32>
    %add3A_2575 = arith.addf %mul3A_2573, %mul3A_2574 : vector<1x512xf32>
    %mul3A_2576 = arith.mulf %sub3A_2572, %sub3A_2572 : vector<1x512xf32>
    %add3A_2577 = arith.addf %add3A_2575, %mul3A_2576 : vector<1x512xf32>
    %sqrt3A_2578 = math.sqrt %add3A_2577 : vector<1x512xf32>
    %mul3A_2579 = arith.mulf %sub3A_2570, %add3A_2547 : vector<1x512xf32>
    %mul3A_2580 = arith.mulf %sub3A_2571, %add3A_2552 : vector<1x512xf32>
    %add3A_2581 = arith.addf %mul3A_2579, %mul3A_2580 : vector<1x512xf32>
    %mul3A_2582 = arith.mulf %sub3A_2572, %add3A_2557 : vector<1x512xf32>
    %add3A_2583 = arith.addf %add3A_2581, %mul3A_2582 : vector<1x512xf32>
    %gt3A_2584 = arith.constant 9.99999996E-13 : f32
    %gt3A_2585 = vector.broadcast %gt3A_2584 : f32 to vector<1x512xf32>
    %gt3A_2586 = arith.cmpf ogt, %sqrt3A_2563, %gt3A_2585 : vector<1x512xf32>
    %mul3A_2587 = arith.mulf %sqrt3A_2563, %max3A_2566 : vector<1x512xf32>
    %mul3A_2588 = arith.mulf %mul3A_2587, %max3A_2566 : vector<1x512xf32>
    %div3A_2589 = arith.constant 1.000000e+00 : f32
    %div3A_2590 = vector.broadcast %div3A_2589 : f32 to vector<1x512xf32>
    %div3A_2591 = arith.divf %div3A_2590, %mul3A_2588 : vector<1x512xf32>
    %jit3A_2592 = arith.constant 0.000000e+00 : f32
    %broadcast_in_dim3A_2593 = vector.broadcast %jit3A_2592 : f32 to vector<1x512xf32>
    %select_n3A_2594 = arith.select %gt3A_2586, %div3A_2591, %broadcast_in_dim3A_2593 : vector<1x512xi1>, vector<1x512xf32>
    %mul3A_2595 = arith.mulf %sub3A_2570, %sub3A_83 : vector<1x512xf32>
    %mul3A_2596 = arith.mulf %sub3A_2571, %sub3A_84 : vector<1x512xf32>
    %add3A_2597 = arith.addf %mul3A_2595, %mul3A_2596 : vector<1x512xf32>
    %mul3A_2598 = arith.mulf %sub3A_2572, %sub3A_85 : vector<1x512xf32>
    %add3A_2599 = arith.addf %add3A_2597, %mul3A_2598 : vector<1x512xf32>
    %div3A_2600 = arith.divf %add3A_2599, %max3A_2566 : vector<1x512xf32>
    %mul3A_2601 = arith.mulf %add3A_2547, %sub3A_83 : vector<1x512xf32>
    %mul3A_2602 = arith.mulf %add3A_2552, %sub3A_84 : vector<1x512xf32>
    %add3A_2603 = arith.addf %mul3A_2601, %mul3A_2602 : vector<1x512xf32>
    %mul3A_2604 = arith.mulf %add3A_2557, %sub3A_85 : vector<1x512xf32>
    %add3A_2605 = arith.addf %add3A_2603, %mul3A_2604 : vector<1x512xf32>
    %mul3A_2606 = arith.mulf %add3A_2583, %add3A_2605 : vector<1x512xf32>
    %mul3A_2607 = arith.mulf %mul3A_2606, %select_n3A_2594 : vector<1x512xf32>
    %sub3A_2608 = arith.subf %div3A_2600, %mul3A_2607 : vector<1x512xf32>
    %div3A_2609 = arith.divf %sub3A_2608, %sqrt3A_2578 : vector<1x512xf32>
    %mul3A_2610 = arith.mulf %sub3A_2570, %sub3A_86 : vector<1x512xf32>
    %mul3A_2611 = arith.mulf %sub3A_2571, %sub3A_87 : vector<1x512xf32>
    %add3A_2612 = arith.addf %mul3A_2610, %mul3A_2611 : vector<1x512xf32>
    %mul3A_2613 = arith.mulf %sub3A_2572, %sub3A_88 : vector<1x512xf32>
    %add3A_2614 = arith.addf %add3A_2612, %mul3A_2613 : vector<1x512xf32>
    %div3A_2615 = arith.divf %add3A_2614, %max3A_2566 : vector<1x512xf32>
    %mul3A_2616 = arith.mulf %add3A_2547, %sub3A_86 : vector<1x512xf32>
    %mul3A_2617 = arith.mulf %add3A_2552, %sub3A_87 : vector<1x512xf32>
    %add3A_2618 = arith.addf %mul3A_2616, %mul3A_2617 : vector<1x512xf32>
    %mul3A_2619 = arith.mulf %add3A_2557, %sub3A_88 : vector<1x512xf32>
    %add3A_2620 = arith.addf %add3A_2618, %mul3A_2619 : vector<1x512xf32>
    %mul3A_2621 = arith.mulf %add3A_2583, %add3A_2620 : vector<1x512xf32>
    %mul3A_2622 = arith.mulf %mul3A_2621, %select_n3A_2594 : vector<1x512xf32>
    %sub3A_2623 = arith.subf %div3A_2615, %mul3A_2622 : vector<1x512xf32>
    %div3A_2624 = arith.divf %sub3A_2623, %sqrt3A_2578 : vector<1x512xf32>
    %mul3A_2625 = arith.mulf %sub3A_2534, %sub3A : vector<1x512xf32>
    %mul3A_2626 = arith.mulf %sub3A_2535, %sub3A_78 : vector<1x512xf32>
    %add3A_2627 = arith.addf %mul3A_2625, %mul3A_2626 : vector<1x512xf32>
    %mul3A_2628 = arith.mulf %sub3A_2536, %sub3A_79 : vector<1x512xf32>
    %add3A_2629 = arith.addf %add3A_2627, %mul3A_2628 : vector<1x512xf32>
    %div3A_2630 = arith.divf %add3A_2629, %sqrt3A_2542 : vector<1x512xf32>
    %mul3A_2631 = arith.constant 0.00999999977 : f32
    %mul3A_2632 = vector.broadcast %mul3A_2631 : f32 to vector<1x512xf32>
    %mul3A_2633 = arith.mulf %mul3A_2632, %div3A_2609 : vector<1x512xf32>
    %add3A_2634 = arith.addf %div3A_2630, %mul3A_2633 : vector<1x512xf32>
    %mul3A_2635 = arith.constant 2.44140625E-4 : f32
    %mul3A_2636 = vector.broadcast %mul3A_2635 : f32 to vector<1x512xf32>
    %mul3A_2637 = arith.mulf %add3A_2634, %mul3A_2636 : vector<1x512xf32>
    %mul3A_2638 = arith.mulf %sub3A_2534, %sub3A_80 : vector<1x512xf32>
    %mul3A_2639 = arith.mulf %sub3A_2535, %sub3A_81 : vector<1x512xf32>
    %add3A_2640 = arith.addf %mul3A_2638, %mul3A_2639 : vector<1x512xf32>
    %mul3A_2641 = arith.mulf %sub3A_2536, %sub3A_82 : vector<1x512xf32>
    %add3A_2642 = arith.addf %add3A_2640, %mul3A_2641 : vector<1x512xf32>
    %div3A_2643 = arith.divf %add3A_2642, %sqrt3A_2542 : vector<1x512xf32>
    %mul3A_2644 = arith.constant 0.00999999977 : f32
    %mul3A_2645 = vector.broadcast %mul3A_2644 : f32 to vector<1x512xf32>
    %mul3A_2646 = arith.mulf %mul3A_2645, %div3A_2624 : vector<1x512xf32>
    %add3A_2647 = arith.addf %div3A_2643, %mul3A_2646 : vector<1x512xf32>
    %mul3A_2648 = arith.constant 2.44140625E-4 : f32
    %mul3A_2649 = vector.broadcast %mul3A_2648 : f32 to vector<1x512xf32>
    %mul3A_2650 = arith.mulf %add3A_2647, %mul3A_2649 : vector<1x512xf32>
    %mul3A_2651 = arith.mulf %mul3A_2637, %mul3A_2637 : vector<1x512xf32>
    %add3A_2652 = arith.addf %add3A_2492, %mul3A_2651 : vector<1x512xf32>
    %mul3A_2653 = arith.mulf %mul3A_2650, %mul3A_2650 : vector<1x512xf32>
    %add3A_2654 = arith.addf %add3A_2494, %mul3A_2653 : vector<1x512xf32>
    %mul3A_2655 = arith.constant 0.117647059 : f32
    %mul3A_2656 = vector.broadcast %mul3A_2655 : f32 to vector<1x512xf32>
    %mul3A_2657 = arith.mulf %mul3A_2656, %mul3A_2637 : vector<1x512xf32>
    %sqrt3A_2658 = math.sqrt %add3A_2652 : vector<1x512xf32>
    %add3A_2659 = arith.constant 1.000000e-10 : f32
    %add3A_2660 = vector.broadcast %add3A_2659 : f32 to vector<1x512xf32>
    %add3A_2661 = arith.addf %sqrt3A_2658, %add3A_2660 : vector<1x512xf32>
    %div3A_2662 = arith.divf %mul3A_2657, %add3A_2661 : vector<1x512xf32>
    %sub3A_2663 = arith.subf %sub3A_2503, %div3A_2662 : vector<1x512xf32>
    %mul3A_2664 = arith.constant 0.117647059 : f32
    %mul3A_2665 = vector.broadcast %mul3A_2664 : f32 to vector<1x512xf32>
    %mul3A_2666 = arith.mulf %mul3A_2665, %mul3A_2650 : vector<1x512xf32>
    %sqrt3A_2667 = math.sqrt %add3A_2654 : vector<1x512xf32>
    %add3A_2668 = arith.constant 1.000000e-10 : f32
    %add3A_2669 = vector.broadcast %add3A_2668 : f32 to vector<1x512xf32>
    %add3A_2670 = arith.addf %sqrt3A_2667, %add3A_2669 : vector<1x512xf32>
    %div3A_2671 = arith.divf %mul3A_2666, %add3A_2670 : vector<1x512xf32>
    %sub3A_2672 = arith.subf %sub3A_2512, %div3A_2671 : vector<1x512xf32>
    %mul3A_2673 = arith.constant 5.000000e-01 : f32
    %mul3A_2674 = vector.broadcast %mul3A_2673 : f32 to vector<1x512xf32>
    %mul3A_2675 = arith.mulf %sub3A_2663, %mul3A_2674 : vector<1x512xf32>
    %add3A_2676 = arith.addf %add3A_1380, %mul3A_2675 : vector<1x512xf32>
    %mul3A_2677 = arith.constant 5.000000e-01 : f32
    %mul3A_2678 = vector.broadcast %mul3A_2677 : f32 to vector<1x512xf32>
    %mul3A_2679 = arith.mulf %sub3A_2672, %mul3A_2678 : vector<1x512xf32>
    %add3A_2680 = arith.addf %add3A_1384, %mul3A_2679 : vector<1x512xf32>
    %get3A_2681 = arith.constant 0 : index
    %get3A_2682 = arith.constant 0 : index
    %get3A_2683 = vector.load %arg5[%get3A_2681, %get3A_2682] : memref<1x512xf32, #tpu.memory_space<vmem>>, vector<1x512xf32>
    %gt3A_2684 = arith.constant 1.000000e-01 : f32
    %gt3A_2685 = vector.broadcast %gt3A_2684 : f32 to vector<1x512xf32>
    %gt3A_2686 = arith.cmpf ogt, %get3A_2683, %gt3A_2685 : vector<1x512xf32>
    %broadcast_in_dim3A_2687 = arith.constant 0.333333343 : f32
    %broadcast_in_dim3A_2688 = vector.broadcast %broadcast_in_dim3A_2687 : f32 to vector<1x512xf32>
    %select_n3A_2689 = arith.select %gt3A_2686, %broadcast_in_dim3A_2688, %add3A_2676 : vector<1x512xi1>, vector<1x512xf32>
    %swap3A = arith.constant 0 : index
    %swap3A_2690 = arith.constant 0 : index
    %swap3A_2691 = vector.load %arg6[%swap3A, %swap3A_2690] : memref<2x512xf32, #tpu.memory_space<vmem>>, vector<1x512xf32>
    tpu.vector_store %arg6[%swap3A, %swap3A_2690], %select_n3A_2689 {strides = array<i32>} : memref<2x512xf32, #tpu.memory_space<vmem>>, vector<1x512xf32>,
    %select_n3A_2692 = arith.select %gt3A_2686, %broadcast_in_dim3A_2688, %add3A_2680 : vector<1x512xi1>, vector<1x512xf32>
    %swap3A_2693 = arith.constant 1 : index
    %swap3A_2694 = arith.constant 0 : index
    %swap3A_2695 = vector.load %arg6[%swap3A_2693, %swap3A_2694] : memref<2x512xf32, #tpu.memory_space<vmem>>, vector<1x512xf32>
    tpu.vector_store %arg6[%swap3A_2693, %swap3A_2694], %select_n3A_2692 {strides = array<i32>} : memref<2x512xf32, #tpu.memory_space<vmem>>, vector<1x512xf32>,
    return
  }
  func.func @transform_0(%arg0: i32) -> (i32, i32) {
    %c0_i32 = arith.constant 0 : i32
    %c0_i32_0 = arith.constant 0 : i32
    return %c0_i32, %arg0 : i32, i32
  }
  func.func @transform_1(%arg0: i32) -> (i32, i32) {
    %c0_i32 = arith.constant 0 : i32
    %c0_i32_0 = arith.constant 0 : i32
    return %c0_i32, %arg0 : i32, i32
  }
  func.func @transform_2(%arg0: i32) -> (i32, i32) {
    %c0_i32 = arith.constant 0 : i32
    %c0_i32_0 = arith.constant 0 : i32
    return %c0_i32, %arg0 : i32, i32
  }
  func.func @transform_3(%arg0: i32) -> (i32, i32) {
    %c0_i32 = arith.constant 0 : i32
    %c0_i32_0 = arith.constant 0 : i32
    return %c0_i32, %arg0 : i32, i32
  }
  func.func @transform_4(%arg0: i32) -> (i32, i32) {
    %c0_i32 = arith.constant 0 : i32
    %c0_i32_0 = arith.constant 0 : i32
    return %c0_i32, %arg0 : i32, i32
  }
  func.func @transform_5(%arg0: i32) -> (i32, i32) {
    %c0_i32 = arith.constant 0 : i32
    %c0_i32_0 = arith.constant 0 : i32
    return %c0_i32, %arg0 : i32, i32
  }
}

</mosaic_0001>

<sc_bundles>
// kernel: kernel.11.cloned.1.call-start
scs
__scs_entry_jumppad:
0x0: {  	(pc) =	sbr.rel $0x88, $3  }
0x1: {  	(tag) =	ssettag $0x0;
	lr =	simm.s32 $0x1  }
0x2: {  	[smem:$0x3F9C] =	sst lr;
	_ =	strace $0xD0000000  }
0x3: {  	_ = 	snop  }
0x4: {  	_ = 	snop  }
0x5: {  	_ = 	snop  }
0x6: {  	_ = 	snop  }
0x7: {  	_ = 	snop  }
__scs_overlays_trampoline_lowered:
0x8: {  	[smem:$0x3FAB] =	sst s0  }
0x9: {  	[smem:$0x3FAC] =	sst s1  }
0xa: {  	[smem:$0x3FAD] =	sst s2  }
0xb: {  	[smem:$0x3FAE] =	sst s3  }
0xc: {  	[smem:$0x3FAF] =	sst s4  }
0xd: {  	[smem:$0x3FB0] =	sst s5  }
0xe: {  	[smem:$0x3FB1] =	sst s6  }
0xf: {  	[smem:$0x3FB2] =	sst s7  }
0x10: {  	[smem:$0x3FB3] =	sst s8  }
0x11: {  	[smem:$0x3FB4] =	sst s9;
	s0 =	simm.s32 @!p0 $0x0  }
0x12: {  	s1 =	sld [smem:$0x3F9A];
	s0 =	simm.s32 @p0 $0x1  }
0x13: {  	[smem:$0x3FB5] =	sst s0;
	s0 =	simm.s32 @!p1 $0x0  }
0x14: {  	s2 =	sld [smem:$0x3F99];
	s0 =	simm.s32 @p1 $0x1  }
0x15: {  	[smem:$0x3FB6] =	sst s0;
	s0 =	simm.s32 @!p2 $0x0  }
0x16: {  	s3 =	sld [smem:$0x3FDB];
	s0 =	simm.s32 @p2 $0x1  }
0x17: {  	s4 =	simm.s32 $0x1BF5;
	[smem:$0x3FB8] =	sst s0  }
0x18: {  	s0 =	sld [smem:$0x3F9B];
	_ =	swait.ge [sflag:s4], $0x0  }
0x19: {  	s7 =	sld [smem:$0x3F9C]  }
0x1a: {  	s8 =	sadd.s32 $0xFFFFE003, lr  }
0x1b: {  	s9 =	sadd.s32 $0xFFFFFEF7, lr;
	s5 =	simm.s32 $0xFFFFFFFF;
	p2 =	slt.u32 s8, $0xFFFFF086  }
0x1c: {  	p1 =	slt.u32 s9, $0xF7A;
	s5 =	simm.s32 @!p2 $0x0  }
0x1d: {  	s5 =	simm.s32 @p1 $0x1;
	p0 =	seq.s32 s7, s2  }
0x1e: {  	s7 =	smul.u32 @!p0 $0xF7A, s2;
	p2 =	seq.s32 @!p0 s5, $0x0  }
0x1f: {  	s9 =	smul.u32 $0xF7A, s1;
	s8 =	simm.s32 @!p0 $0x1BF5;
	p2 =	por !p2, p0  }
0x20: {  	[sflag:s8] =	ssyncset.s32 @!p0 $0xFFFFF086;
	s6 =	sadd.s32 @!p0 s3, s7;
	s7 =	simm.s32 @!p0 $0x108  }
0x21: {  	s3 =	sadd.s32 s3, s9;
	s6 =	sadd.s32 @!p0 $0x88, s6;
	s7 =	simm.s32 @p2 $0x1082  }
0x22: {  	[simem:s7], [sflag:s8] =	dma.local @!p0 [hbm:s6], $0xF7A  }
0x23: {  	s9 =	sor.u32 $0xD0000000, s2;
	s6 =	simm.s32 $0x108;
	_ =	swait.ge @!p0 [sflag:s8], $0x0  }
0x24: {  	s3 =	sadd.s32 $0x88, s3;
	s6 =	simm.s32 @!p1 $0x1082;
	[sflag:s4] =	ssyncset.s32 $0xFFFFF086  }
0x25: {  	[simem:s6], [sflag:s4] =	dma.local [hbm:s3], $0xF7A  }
0x26: {  	[smem:$0x3F9C] =	sst s1;
	(tag) =	ssettag s2;
	_ =	strace s9  }
0x27: {  	s1 =	sld [smem:$0x3FAC]  }
0x28: {  	s2 =	sld [smem:$0x3FAD]  }
0x29: {  	s4 =	sld [smem:$0x3FAF]  }
0x2a: {  	p0 =	seq.s32 s5, $0x0;
	s5 =	sld [smem:$0x3FB0]  }
0x2b: {  	s6 =	sld [smem:$0x3FB1]  }
0x2c: {  	s7 =	sld [smem:$0x3FB2]  }
0x2d: {  	s3 =	simm.s32 $0x108;
	s8 =	sld [smem:$0x3FB3]  }
0x2e: {  	s3 =	simm.s32 @!p0 $0x1082;
	s9 =	sld [smem:$0x3FB4]  }
0x2f: {  	lr =	sadd.s32 s0, s3;
	s0 =	sld [smem:$0x3FAB]  }
0x30: {  	s3 =	sld [smem:$0x3FAE]  }
0x31: {  	[smem:$0x3FB7] =	sst s10  }
0x32: {  	s10 =	sld [smem:$0x3FB5];
	_ =	sdelay $0x3  }
0x33: {  	p0 =	seq.s32 s10, $0x1;
	s10 =	sld [smem:$0x3FB7];
	_ =	sdelay $0x3  }
0x34: {  	[smem:$0x3FB7] =	sst s10  }
0x35: {  	s10 =	sld [smem:$0x3FB6];
	_ =	sdelay $0x3  }
0x36: {  	p1 =	seq.s32 s10, $0x1;
	s10 =	sld [smem:$0x3FB7];
	_ =	sdelay $0x3  }
0x37: {  	[smem:$0x3FB7] =	sst s10  }
0x38: {  	s10 =	sld [smem:$0x3FB8]  }
0x39: {  	_ = 	snop;
	(pc) =	sbr.ind lr, $3  }
0x3a: {  	_ = 	snop  }
0x3b: {  	_ = 	snop  }
0x3c: {  	p2 =	seq.s32 s10, $0x1;
	s10 =	sld [smem:$0x3FB7]  }
0x3d: {  	_ =	shalt  }
0x3e: {  	_ =	shalt  }
0x3f: {  	_ =	shalt  }
0x40: {  	_ =	shalt  }
0x41: {  	_ =	shalt  }
0x42: {  	_ =	shalt  }
0x43: {  	_ =	shalt  }
0x44: {  	_ =	shalt  }
0x45: {  	_ =	shalt  }
0x46: {  	_ =	shalt  }
0x47: {  	_ =	shalt  }
0x48: {  	_ =	shalt  }
0x49: {  	_ =	shalt  }
0x4a: {  	_ =	shalt  }
0x4b: {  	_ =	shalt  }
0x4c: {  	_ =	shalt  }
0x4d: {  	_ =	shalt  }
0x4e: {  	_ =	shalt  }
0x4f: {  	_ =	shalt  }
0x50: {  	_ =	shalt  }
0x51: {  	_ =	shalt  }
0x52: {  	_ =	shalt  }
0x53: {  	_ =	shalt  }
0x54: {  	_ =	shalt  }
0x55: {  	_ =	shalt  }
0x56: {  	_ =	shalt  }
0x57: {  	_ =	shalt  }
0x58: {  	_ =	shalt  }
0x59: {  	_ =	shalt  }
0x5a: {  	_ =	shalt  }
0x5b: {  	_ =	shalt  }
0x5c: {  	_ =	shalt  }
0x5d: {  	_ =	shalt  }
0x5e: {  	_ =	shalt  }
0x5f: {  	_ =	shalt  }
0x60: {  	_ =	shalt  }
0x61: {  	_ =	shalt  }
0x62: {  	_ =	shalt  }
0x63: {  	_ =	shalt  }
0x64: {  	_ =	shalt  }
0x65: {  	_ =	shalt  }
0x66: {  	_ =	shalt  }
0x67: {  	_ =	shalt  }
0x68: {  	_ =	shalt  }
0x69: {  	_ =	shalt  }
0x6a: {  	_ =	shalt  }
0x6b: {  	_ =	shalt  }
0x6c: {  	_ =	shalt  }
0x6d: {  	_ =	shalt  }
0x6e: {  	_ =	shalt  }
0x6f: {  	_ =	shalt  }
0x70: {  	_ =	shalt  }
0x71: {  	_ =	shalt  }
0x72: {  	_ =	shalt  }
0x73: {  	_ =	shalt  }
0x74: {  	_ =	shalt  }
0x75: {  	_ =	shalt  }
0x76: {  	_ =	shalt  }
0x77: {  	_ =	shalt  }
0x78: {  	_ =	shalt  }
0x79: {  	_ =	shalt  }
0x7a: {  	_ =	shalt  }
0x7b: {  	_ =	shalt  }
0x7c: {  	_ =	shalt  }
0x7d: {  	_ =	shalt  }
0x7e: {  	_ =	shalt  }
0x7f: {  	_ =	shalt  }
0x80: {  	_ =	shalt  }
0x81: {  	_ =	shalt  }
0x82: {  	_ =	shalt  }
0x83: {  	_ =	shalt  }
0x84: {  	_ =	shalt  }
0x85: {  	_ =	shalt  }
0x86: {  	_ =	shalt  }
0x87: {  	_ =	shalt  }
.Lfunc_end0:
.L_simem_size_0:
called_computation.1_lowered:
.L_overlay_start_0:
0x88: {  	s2 =	sld [smem:$0x3FD9]  }
0x89: {  	s3 =	sld [smem:$0x3FFE];
	_ =	sdelay $0x1  }
0x8a: {  	s1 =	srdreg.scid  }
0x8b: {  	s0 =	sand.u32 $0x1, s1  }
0x8c: {  	s14 =	sshll.u32 s0, $0xA;
	s2 =	sadd.s32 s3, s2  }
0x8d: {  	s2 =	sadd.s32 s2, s14  }
0x8e: {  	[smem:$0x3FC3] =	sst s2  }
0x8f: {  	_ = 	snop  }
0x90: {  	s2 =	sld [smem:$0x3FD0];
	_ =	sdelay $0x2  }
0x91: {  	s15 =	simm.s32 $0xA;
	s4 =	simm.s32 $0x10  }
0x92: {  	[smem:s4], [sflag:s15] =	dma.local [hbm:s2], $0x1  }
0x93: {  	_ =	swait.eq [sflag:s15], $0x1  }
0x94: {  	[sflag:s15] =	ssyncset.done $0x0  }
0x95: {  	[sflag:s15] =	ssyncadd.s32 $0xFFFFFFFF  }
0x96: {  	s16 =	sld [smem:$0x10];
	(tm) =	ssettm $0x1  }
0x97: {  	s17 =	sld [smem:$0x3FFB];
	_ =	sdelay $0x3  }
0x98: {  	_ =	strace s17  }
0x99: {  	s3 =	sld [smem:$0x3FFC];
	_ =	sdelay $0x3  }
0x9a: {  	_ =	strace s3  }
0x9b: {  	s3 =	sld [smem:$0x3FFD];
	_ =	sdelay $0x3  }
0x9c: {  	_ =	strace s3  }
0x9d: {  	_ =	strace $0x8FFFFFFF  }
0x9e: {  	s18 =	sld [smem:$0x3FDB];
	_ =	sdelay $0x1  }
0x9f: {  	s19 =	simm.s32 $_scs_section_size  }
0xa0: {  	s5 =	simm.s32 $_size__tile_overlayer_lowered;
	s6 =	simm.s32 $_tile_overlayer_lowered  }
0xa1: {  	s22 =	simm.s32 $0x1BFF;
	s21 =	sshll.u32 s6, $0x1;
	s3 =	sadd.s32 s19, s18  }
0xa2: {  	s7 =	simm.s32 $0x0;
	s20 =	sshll.u32 s5, $0x1;
	s5 =	sadd.s32 s21, s3  }
0xa3: {  	[timem:s7], [sflag:s22] =	dma.local [hbm:s5], s20  }
0xa4: {  	_ =	swait.ge [sflag:s22], s20  }
0xa5: {  	s4 =	ssub.s32 $0x0, s20;
	[sflag:s22] =	ssyncset.done $0x0  }
0xa6: {  	[sflag:s22] =	ssyncadd.s32 s4;
	_ =	sdelay $0x1  }
0xa7: {  	s23 =	simm.s32 $0x1B8B  }
0xa8: {  	_ =	swait.ge [sflag:s23], $0x1  }
0xa9: {  	[sflag:s23] =	ssyncset.done $0x0  }
0xaa: {  	s25 =	simm.s32 $0x1B8E;
	s24 =	sld [smem:$0x3FFE];
	[sflag:s23] =	ssyncadd.s32 $0xFFFFFFFF  }
0xab: {  	s26 =	simm.s32 $execute0_lowered;
	[smem:$0x3FD2] =	sst s25  }
0xac: {  	s5 =	sshll.u32 s26, $0x1;
	_ =	strace $0x80000049;
	[dreg:$0x1] =	wrdreg $0xFFFFFFFF  }
0xad: {  	s28 =	simm.s32 $_size_execute0_lowered;
	s3 =	sadd.s32 s3, s5;
	[dreg:$0x0] =	wrdreg $0x0  }
0xae: {  	s5 =	sshll.u32 s28, $0x1;
	[dreg:$0x2] =	wrdreg s3  }
0xaf: {  	[dreg:$0x3] =	wrdreg s5  }
0xb0: {  	[dreg:$0x4] =	wrdreg $0xC0  }
0xb1: {  	_ =	task [dreg:s7], $0x5FFFF  }
0xb2: {  	[dreg:$0x1] =	wrdreg $0xFFFFFFFF  }
0xb3: {  	[dreg:$0x0] =	wrdreg $0x60  }
0xb4: {  	[dreg:$0x2] =	wrdreg s24  }
0xb5: {  	[dreg:$0x3] =	wrdreg s16  }
0xb6: {  	[dreg:$0x4] =	wrdreg $0x9  }
0xb7: {  	_ =	task.clear_ibuf [dreg:s7], $0x5FFFF;
	_ =	strace $0x90000049  }
0xb8: {  	s29 =	simm.s32 $0x9;
	_ =	strace $0x8000004B  }
0xb9: {  	_ =	swait.ge [sflag:s29], $0x1  }
0xba: {  	[sflag:s29] =	ssyncadd.s32 $0xFFFFFFFF  }
0xbb: {  	_ =	strace $0x9000004B  }
0xbc: {  	_ =	sfence  }
0xbd: {  	s30 =	sld [smem:$0x0];
	_ =	sdelay $0x2  }
0xbe: {  	s31 =	sshll.u32 s1, $0xD;
	s1 =	sshrl.u32 s1, $0x2  }
0xbf: {  	s3 =	sand.u32 $0x4000, s31;
	s1 =	sadd.s32 s1, s30  }
0xc0: {  	s0 =	sor.u32 s3, s0;
	s1 =	sshll.u32 s1, $0x11  }
0xc1: {  	s0 =	sor.u32 s1, s0  }
0xc2: {  	s0 =	sadd.s32 $0x8F2B, s0  }
0xc3: {  	[sflag:s0] =	ssyncadd.remote.s32 $0x1  }
0xc4: {  	_ =	sfence.sel $0xFFFF  }
0xc5: {  	[dreg:$0x0] =	wrdreg $0xFFFFFFFF;
	(pc) =	sbr.abs _section_cstart, $3  }
0xc6: {  	[dreg:$0x1] =	wrdreg $0xFFFFFFFF  }
0xc7: {  	_ =	task.clear_ibuf [dreg:s7], $0x2FFFF;
	_ =	strace $0x9FFFFFFF  }
0xc8: {  	(tm) =	ssettm $0x7FFFFFFF  }
0xc9: {  	_ =	shalt  }
tec
execute0_lowered:
.L_overlay_start_1:
0x0: {  	(tag) =	ssettag $0x1  }
0x1: {  	s1 =	srdreg.scid  }
0x2: {  	s8 =	rddreg [dreg:$0x0];
	s0 =	stileid.u32  }
0x3: {  	s3 =	rddreg [dreg:$0x1];
	s2 =	simm.s32 $0x0;
	s6 =	sand.u32 $0x1, s1  }
0x4: {  	s4 =	sshll.u32 s0, $0x8;
	s1 =	rddreg [dreg:$0x2];
	s5 =	sshll.u32 s6, $0x7  }
0x5: {  	s7 =	simm.s32 $0x1;
	[smem:$0x7FF] =	sst s2;
	s9 =	sor.u32 s5, s4  }
0x6: {  	_ =	strace $0x8000004A;
	s10 =	ssub.s32 $0x2, s6;
	s4 =	sshrl.u32 s9, $0x3  }
0x7: {  	s6 =	simm.s32 $0x80;
	s4 =	sadd.s32 s3, s4;
	s3 =	simm.s32 $0x2  }
0x8: {  	[tilespmem:s2], [sflag:$0x2] =	stream.linear.gather [hbm4b:s4+s2], $0x80, $0x38;
	[tilespmem:$0x880] =	vst v63  }
0x9: {  	s5 =	sadd.s32 $0x26E00, s8;
	s11 =	sshrl.u32 s10, $0x1;
	_ =	swait.ge [sflag:s3], $0x80  }
0xa: {  	s9 =	sshll.u32 s9, $0x1;
	s31 =	ssub.s32 s10, s11;
	[sflag:s3] =	ssyncset.done $0x0  }
0xb: {  	s8 =	sadd.s32 s9, s8;
	s9 =	smax.u32 s31, $0x1;
	[sflag:s3] =	ssyncadd.s32 $0xFFFFFF80  }
0xc: {  	[tilespmem:s6], [sflag:$0x1] =	stream.indirect.gather [hbm4b:s5+s6], $0x10, s2, s6, $0xb8;
	[tilespmem:$0x880] =	vst v63  }
0xd: {  	p0 =	sne.s32 s9, $0x1;
	_ =	swait.ge [sflag:s7], $0x800  }
.Ltmp0:
0xe: {  	[sflag:s7] =	ssyncset.done $0x0;
	(pc) =	sbr.rel @!p0 .LBB2_2-.Ltmp0, $4  }
0xf: {  	s8 =	sadd.s32 $0x7000, s8;
	[sflag:s7] =	ssyncadd.s32 $0xFFFFF800  }
0x10: {  	[hbm4b:s8+s2] =	stream.linear.scatter [tilespmem:s6], [sflag:$0x2], $0x800, $0x38;
	[tilespmem:$0x880] =	vst v63  }
0x11: {  	_ =	swait.ge [sflag:s3], $0x800  }
0x12: {  	s9 =	sadd.s32 $0xFFFFFFFF, s9;
	[sflag:s3] =	ssyncset.done $0x0  }
.LBB2_1:
0x13: {  	p0 =	sne.s32 s9, $0x1;
	s9 =	sadd.s32 $0xFFFFFFFF, s9;
	[sflag:s3] =	ssyncadd.s32 $0xFFFFF800  }
0x14: {  	[tilespmem:s2], [sflag:$0x2] =	stream.linear.gather [hbm4b:s4+s2], $0x80, $0x38;
	[tilespmem:$0x880] =	vst v63  }
0x15: {  	_ =	swait.ge [sflag:s3], $0x80  }
0x16: {  	[sflag:s3] =	ssyncset.done $0x0  }
0x17: {  	[sflag:s3] =	ssyncadd.s32 $0xFFFFFF80  }
0x18: {  	[tilespmem:s6], [sflag:$0x1] =	stream.indirect.gather [hbm4b:s5+s6], $0x10, s2, s6, $0xb8;
	[tilespmem:$0x880] =	vst v63  }
0x19: {  	_ =	swait.ge [sflag:s7], $0x800  }
.Ltmp1:
0x1a: {  	[sflag:s7] =	ssyncset.done $0x0;
	(pc) =	sbr.rel @p0 .LBB2_1-.Ltmp1, $4  }
0x1b: {  	[sflag:s7] =	ssyncadd.s32 $0xFFFFF800  }
0x1c: {  	[hbm4b:s8+s2] =	stream.linear.scatter [tilespmem:s6], [sflag:$0x2], $0x800, $0x38;
	[tilespmem:$0x880] =	vst v63  }
0x1d: {  	_ =	swait.ge [sflag:s3], $0x800  }
0x1e: {  	[sflag:s3] =	ssyncset.done $0x0  }
.LBB2_2:
0x1f: {  	[sflag:s3] =	ssyncadd.s32 $0xFFFFF800  }
0x20: {  	_ =	sfence.sel $0x180000  }
0x21: {  	[bflag:$0x0] =	sbarrier.arrive $0xFFFF  }
0x22: {  	p0 =	sne.s32 s0, $0x0;
	_ =	strace $0x9000004A  }
0x23: {  	s0 =	sadd.s32 @!p0 $0x100000, s1;
	[bflag:$0x2] =	sbarrier.arrive $0xFFFF  }
0x24: {  	[sflag:s0] =	ssyncadd.tile.s32 @!p0 $0x1;
	_ =	shalt  }
.Lfunc_end2:
_tile_overlayer_lowered:
.L_overlay_start_2:
0x25: {  	(tag) =	ssettag $0x2  }
0x26: {  	s0 =	rddreg [dreg:$0x0];
	s2 =	stileid.u32  }
0x27: {  	s1 =	rddreg [dreg:$0x1];
	p0 =	sne.s32 s2, $0x0  }
0x28: {  	s3 =	rddreg [dreg:$0x2];
	[bflag:$0x3] =	sbarrier.arrive $0xFFFF;
	s2 =	simm.s32 @!p0 $0x1C02  }
0x29: {  	[timem:s3], [sflag:s2] =	dma.local @!p0 [hbm:s0], s1  }
0x2a: {  	s0 =	simm.s32 @!p0 $0x2  }
0x2b: {  	_ =	swait.ge @!p0 [sflag:s0], s1  }
0x2c: {  	s1 =	ssub.s32 @!p0 $0x0, s1;
	[sflag:s0] =	ssyncset.done @!p0 $0x0  }
0x2d: {  	[sflag:s0] =	ssyncadd.s32 @!p0 s1  }
0x2e: {  	[bflag:$0x3] =	sbarrier.arrive $0xFFFF  }
0x2f: {  	_ =	shalt  }

// kernel: kernel.14.cloned.1.call-start
scs
__scs_entry_jumppad:
0x0: {  	(pc) =	sbr.rel $0x88, $3  }
0x1: {  	(tag) =	ssettag $0x0;
	lr =	simm.s32 $0x1  }
0x2: {  	[smem:$0x3F9C] =	sst lr;
	_ =	strace $0xD0000000  }
0x3: {  	_ = 	snop  }
0x4: {  	_ = 	snop  }
0x5: {  	_ = 	snop  }
0x6: {  	_ = 	snop  }
0x7: {  	_ = 	snop  }
__scs_overlays_trampoline_lowered:
0x8: {  	[smem:$0x3FAB] =	sst s0  }
0x9: {  	[smem:$0x3FAC] =	sst s1  }
0xa: {  	[smem:$0x3FAD] =	sst s2  }
0xb: {  	[smem:$0x3FAE] =	sst s3  }
0xc: {  	[smem:$0x3FAF] =	sst s4  }
0xd: {  	[smem:$0x3FB0] =	sst s5  }
0xe: {  	[smem:$0x3FB1] =	sst s6  }
0xf: {  	[smem:$0x3FB2] =	sst s7  }
0x10: {  	[smem:$0x3FB3] =	sst s8  }
0x11: {  	[smem:$0x3FB4] =	sst s9;
	s0 =	simm.s32 @!p0 $0x0  }
0x12: {  	s1 =	sld [smem:$0x3F9A];
	s0 =	simm.s32 @p0 $0x1  }
0x13: {  	[smem:$0x3FB5] =	sst s0;
	s0 =	simm.s32 @!p1 $0x0  }
0x14: {  	s2 =	sld [smem:$0x3F99];
	s0 =	simm.s32 @p1 $0x1  }
0x15: {  	[smem:$0x3FB6] =	sst s0;
	s0 =	simm.s32 @!p2 $0x0  }
0x16: {  	s3 =	sld [smem:$0x3FDB];
	s0 =	simm.s32 @p2 $0x1  }
0x17: {  	s4 =	simm.s32 $0x1BF5;
	[smem:$0x3FB8] =	sst s0  }
0x18: {  	s0 =	sld [smem:$0x3F9B];
	_ =	swait.ge [sflag:s4], $0x0  }
0x19: {  	s7 =	sld [smem:$0x3F9C]  }
0x1a: {  	s8 =	sadd.s32 $0xFFFFE003, lr  }
0x1b: {  	s9 =	sadd.s32 $0xFFFFFEF7, lr;
	s5 =	simm.s32 $0xFFFFFFFF;
	p2 =	slt.u32 s8, $0xFFFFF086  }
0x1c: {  	p1 =	slt.u32 s9, $0xF7A;
	s5 =	simm.s32 @!p2 $0x0  }
0x1d: {  	s5 =	simm.s32 @p1 $0x1;
	p0 =	seq.s32 s7, s2  }
0x1e: {  	s7 =	smul.u32 @!p0 $0xF7A, s2;
	p2 =	seq.s32 @!p0 s5, $0x0  }
0x1f: {  	s9 =	smul.u32 $0xF7A, s1;
	s8 =	simm.s32 @!p0 $0x1BF5;
	p2 =	por !p2, p0  }
0x20: {  	[sflag:s8] =	ssyncset.s32 @!p0 $0xFFFFF086;
	s6 =	sadd.s32 @!p0 s3, s7;
	s7 =	simm.s32 @!p0 $0x108  }
0x21: {  	s3 =	sadd.s32 s3, s9;
	s6 =	sadd.s32 @!p0 $0x88, s6;
	s7 =	simm.s32 @p2 $0x1082  }
0x22: {  	[simem:s7], [sflag:s8] =	dma.local @!p0 [hbm:s6], $0xF7A  }
0x23: {  	s9 =	sor.u32 $0xD0000000, s2;
	s6 =	simm.s32 $0x108;
	_ =	swait.ge @!p0 [sflag:s8], $0x0  }
0x24: {  	s3 =	sadd.s32 $0x88, s3;
	s6 =	simm.s32 @!p1 $0x1082;
	[sflag:s4] =	ssyncset.s32 $0xFFFFF086  }
0x25: {  	[simem:s6], [sflag:s4] =	dma.local [hbm:s3], $0xF7A  }
0x26: {  	[smem:$0x3F9C] =	sst s1;
	(tag) =	ssettag s2;
	_ =	strace s9  }
0x27: {  	s1 =	sld [smem:$0x3FAC]  }
0x28: {  	s2 =	sld [smem:$0x3FAD]  }
0x29: {  	s4 =	sld [smem:$0x3FAF]  }
0x2a: {  	p0 =	seq.s32 s5, $0x0;
	s5 =	sld [smem:$0x3FB0]  }
0x2b: {  	s6 =	sld [smem:$0x3FB1]  }
0x2c: {  	s7 =	sld [smem:$0x3FB2]  }
0x2d: {  	s3 =	simm.s32 $0x108;
	s8 =	sld [smem:$0x3FB3]  }
0x2e: {  	s3 =	simm.s32 @!p0 $0x1082;
	s9 =	sld [smem:$0x3FB4]  }
0x2f: {  	lr =	sadd.s32 s0, s3;
	s0 =	sld [smem:$0x3FAB]  }
0x30: {  	s3 =	sld [smem:$0x3FAE]  }
0x31: {  	[smem:$0x3FB7] =	sst s10  }
0x32: {  	s10 =	sld [smem:$0x3FB5];
	_ =	sdelay $0x3  }
0x33: {  	p0 =	seq.s32 s10, $0x1;
	s10 =	sld [smem:$0x3FB7];
	_ =	sdelay $0x3  }
0x34: {  	[smem:$0x3FB7] =	sst s10  }
0x35: {  	s10 =	sld [smem:$0x3FB6];
	_ =	sdelay $0x3  }
0x36: {  	p1 =	seq.s32 s10, $0x1;
	s10 =	sld [smem:$0x3FB7];
	_ =	sdelay $0x3  }
0x37: {  	[smem:$0x3FB7] =	sst s10  }
0x38: {  	s10 =	sld [smem:$0x3FB8]  }
0x39: {  	_ = 	snop;
	(pc) =	sbr.ind lr, $3  }
0x3a: {  	_ = 	snop  }
0x3b: {  	_ = 	snop  }
0x3c: {  	p2 =	seq.s32 s10, $0x1;
	s10 =	sld [smem:$0x3FB7]  }
0x3d: {  	_ =	shalt  }
0x3e: {  	_ =	shalt  }
0x3f: {  	_ =	shalt  }
0x40: {  	_ =	shalt  }
0x41: {  	_ =	shalt  }
0x42: {  	_ =	shalt  }
0x43: {  	_ =	shalt  }
0x44: {  	_ =	shalt  }
0x45: {  	_ =	shalt  }
0x46: {  	_ =	shalt  }
0x47: {  	_ =	shalt  }
0x48: {  	_ =	shalt  }
0x49: {  	_ =	shalt  }
0x4a: {  	_ =	shalt  }
0x4b: {  	_ =	shalt  }
0x4c: {  	_ =	shalt  }
0x4d: {  	_ =	shalt  }
0x4e: {  	_ =	shalt  }
0x4f: {  	_ =	shalt  }
0x50: {  	_ =	shalt  }
0x51: {  	_ =	shalt  }
0x52: {  	_ =	shalt  }
0x53: {  	_ =	shalt  }
0x54: {  	_ =	shalt  }
0x55: {  	_ =	shalt  }
0x56: {  	_ =	shalt  }
0x57: {  	_ =	shalt  }
0x58: {  	_ =	shalt  }
0x59: {  	_ =	shalt  }
0x5a: {  	_ =	shalt  }
0x5b: {  	_ =	shalt  }
0x5c: {  	_ =	shalt  }
0x5d: {  	_ =	shalt  }
0x5e: {  	_ =	shalt  }
0x5f: {  	_ =	shalt  }
0x60: {  	_ =	shalt  }
0x61: {  	_ =	shalt  }
0x62: {  	_ =	shalt  }
0x63: {  	_ =	shalt  }
0x64: {  	_ =	shalt  }
0x65: {  	_ =	shalt  }
0x66: {  	_ =	shalt  }
0x67: {  	_ =	shalt  }
0x68: {  	_ =	shalt  }
0x69: {  	_ =	shalt  }
0x6a: {  	_ =	shalt  }
0x6b: {  	_ =	shalt  }
0x6c: {  	_ =	shalt  }
0x6d: {  	_ =	shalt  }
0x6e: {  	_ =	shalt  }
0x6f: {  	_ =	shalt  }
0x70: {  	_ =	shalt  }
0x71: {  	_ =	shalt  }
0x72: {  	_ =	shalt  }
0x73: {  	_ =	shalt  }
0x74: {  	_ =	shalt  }
0x75: {  	_ =	shalt  }
0x76: {  	_ =	shalt  }
0x77: {  	_ =	shalt  }
0x78: {  	_ =	shalt  }
0x79: {  	_ =	shalt  }
0x7a: {  	_ =	shalt  }
0x7b: {  	_ =	shalt  }
0x7c: {  	_ =	shalt  }
0x7d: {  	_ =	shalt  }
0x7e: {  	_ =	shalt  }
0x7f: {  	_ =	shalt  }
0x80: {  	_ =	shalt  }
0x81: {  	_ =	shalt  }
0x82: {  	_ =	shalt  }
0x83: {  	_ =	shalt  }
0x84: {  	_ =	shalt  }
0x85: {  	_ =	shalt  }
0x86: {  	_ =	shalt  }
0x87: {  	_ =	shalt  }
.Lfunc_end0:
.L_simem_size_0:
called_computation.2_lowered:
.L_overlay_start_0:
0x88: {  	s2 =	sld [smem:$0x3FD9]  }
0x89: {  	s3 =	sld [smem:$0x3FFE];
	_ =	sdelay $0x1  }
0x8a: {  	s1 =	srdreg.scid  }
0x8b: {  	s0 =	sand.u32 $0x1, s1  }
0x8c: {  	s16 =	sshll.u32 s0, $0xA;
	s2 =	sadd.s32 s3, s2  }
0x8d: {  	s2 =	sadd.s32 s2, s16  }
0x8e: {  	[smem:$0x3FC3] =	sst s2  }
0x8f: {  	_ = 	snop  }
0x90: {  	(tm) =	ssettm $0x1  }
0x91: {  	s17 =	sld [smem:$0x3FFB];
	_ =	sdelay $0x3  }
0x92: {  	_ =	strace s17  }
0x93: {  	s2 =	sld [smem:$0x3FFC];
	_ =	sdelay $0x3  }
0x94: {  	_ =	strace s2  }
0x95: {  	s2 =	sld [smem:$0x3FFD];
	_ =	sdelay $0x3  }
0x96: {  	_ =	strace s2  }
0x97: {  	_ =	strace $0x8FFFFFFF  }
0x98: {  	s18 =	sld [smem:$0x3FDB];
	_ =	sdelay $0x1  }
0x99: {  	s19 =	simm.s32 $_scs_section_size  }
0x9a: {  	s4 =	simm.s32 $_size__tile_overlayer_lowered;
	s5 =	simm.s32 $_tile_overlayer_lowered  }
0x9b: {  	s22 =	simm.s32 $0x1BFF;
	s21 =	sshll.u32 s5, $0x1;
	s2 =	sadd.s32 s19, s18  }
0x9c: {  	s6 =	simm.s32 $0x0;
	s20 =	sshll.u32 s4, $0x1;
	s4 =	sadd.s32 s21, s2  }
0x9d: {  	[timem:s6], [sflag:s22] =	dma.local [hbm:s4], s20  }
0x9e: {  	_ =	swait.ge [sflag:s22], s20  }
0x9f: {  	s3 =	ssub.s32 $0x0, s20;
	[sflag:s22] =	ssyncset.done $0x0  }
0xa0: {  	[sflag:s22] =	ssyncadd.s32 s3;
	_ =	sdelay $0x1  }
0xa1: {  	s23 =	simm.s32 $0x1B8B  }
0xa2: {  	_ =	swait.ge [sflag:s23], $0x1  }
0xa3: {  	[sflag:s23] =	ssyncset.done $0x0  }
0xa4: {  	s25 =	simm.s32 $0x1B8E;
	s24 =	sld [smem:$0x3FFE];
	[sflag:s23] =	ssyncadd.s32 $0xFFFFFFFF  }
0xa5: {  	s26 =	simm.s32 $execute0_lowered;
	[smem:$0x3FD2] =	sst s25  }
0xa6: {  	s4 =	sshll.u32 s26, $0x1;
	_ =	strace $0x8000004C;
	[dreg:$0x1] =	wrdreg $0xFFFFFFFF  }
0xa7: {  	s28 =	simm.s32 $_size_execute0_lowered;
	s2 =	sadd.s32 s2, s4;
	[dreg:$0x0] =	wrdreg $0x0  }
0xa8: {  	s4 =	sshll.u32 s28, $0x1;
	[dreg:$0x2] =	wrdreg s2  }
0xa9: {  	[dreg:$0x3] =	wrdreg s4  }
0xaa: {  	[dreg:$0x4] =	wrdreg $0xC0  }
0xab: {  	_ =	task [dreg:s6], $0x5FFFF  }
0xac: {  	[dreg:$0x1] =	wrdreg $0xFFFFFFFF  }
0xad: {  	[dreg:$0x0] =	wrdreg $0x60  }
0xae: {  	[dreg:$0x2] =	wrdreg s24  }
0xaf: {  	[dreg:$0x3] =	wrdreg $0x9  }
0xb0: {  	_ =	task.clear_ibuf [dreg:s6], $0x4FFFF;
	_ =	strace $0x9000004C  }
0xb1: {  	s29 =	simm.s32 $0x9;
	_ =	strace $0x8000004E  }
0xb2: {  	_ =	swait.ge [sflag:s29], $0x1  }
0xb3: {  	[sflag:s29] =	ssyncadd.s32 $0xFFFFFFFF  }
0xb4: {  	_ =	strace $0x9000004E  }
0xb5: {  	_ =	sfence  }
0xb6: {  	s30 =	sld [smem:$0x0];
	_ =	sdelay $0x2  }
0xb7: {  	s31 =	sshll.u32 s1, $0xD;
	s1 =	sshrl.u32 s1, $0x2  }
0xb8: {  	s3 =	sand.u32 $0x4000, s31;
	s1 =	sadd.s32 s1, s30  }
0xb9: {  	s0 =	sor.u32 s3, s0;
	s1 =	sshll.u32 s1, $0x11  }
0xba: {  	s0 =	sor.u32 s1, s0  }
0xbb: {  	s0 =	sadd.s32 $0x8F2B, s0  }
0xbc: {  	[sflag:s0] =	ssyncadd.remote.s32 $0x1  }
0xbd: {  	_ =	sfence.sel $0xFFFF  }
0xbe: {  	[dreg:$0x0] =	wrdreg $0xFFFFFFFF;
	(pc) =	sbr.abs _section_cstart, $3  }
0xbf: {  	[dreg:$0x1] =	wrdreg $0xFFFFFFFF  }
0xc0: {  	_ =	task.clear_ibuf [dreg:s6], $0x2FFFF;
	_ =	strace $0x9FFFFFFF  }
0xc1: {  	(tm) =	ssettm $0x7FFFFFFF  }
tec
execute0_lowered:
.L_overlay_start_1:
0x0: {  	(tag) =	ssettag $0x1  }
0x1: {  	s1 =	srdreg.scid;
	s0 =	stileid.u32  }
0x2: {  	s10 =	sand.u32 $0x1, s1;
	s30 =	sshll.u32 s0, $0x1  }
0x3: {  	s9 =	sor.u32 s10, s30  }
0x4: {  	s11 =	rddreg [dreg:$0x0];
	s3 =	smul.u32 $0x30, s9  }
0x5: {  	s2 =	simm.s32 $0x0;
	s1 =	rddreg [dreg:$0x1]  }
0x6: {  	[smem:$0x7FF] =	sst s2;
	s3 =	sadd.s32 s3, s11  }
0x7: {  	_ =	strace $0x8000004D;
	s4 =	sadd.s32 $0x7000, s3;
	s3 =	simm.s32 $0x2  }
0x8: {  	[tilespmem:s2], [sflag:$0x2] =	stream.linear.gather [hbm4b:s4+s2], $0x180, $0x38;
	[tilespmem:$0x3180] =	vst v63  }
0x9: {  	_ =	swait.ge [sflag:s3], $0x180  }
0xa: {  	s6 =	simm.s32 $0x180;
	[sflag:s3] =	ssyncset.done $0x0  }
0xb: {  	s7 =	simm.s32 $0x1;
	s5 =	sadd.s32 $0x2000, s11;
	[sflag:s3] =	ssyncadd.s32 $0xFFFFFE80  }
0xc: {  	[tilespmem:s6], [sflag:$0x1] =	stream.indirect.gather [hbm4b:s5+s6], $0x10, s2, s6, $0xb8;
	[tilespmem:$0x3180] =	vst v63  }
0xd: {  	_ =	swait.ge [sflag:s7], $0x1800  }
0xe: {  	s8 =	sadd.s32 $0x9000, s11;
	s31 =	ssub.s32 $0x2, s10;
	[sflag:s7] =	ssyncset.done $0x0  }
0xf: {  	s12 =	smul.u32 $0x300, s9;
	s9 =	simm.s32 $0x1980;
	[sflag:s7] =	ssyncadd.s32 $0xFFFFE800  }
0x10: {  	[tilespmem:s9], [sflag:$0x1] =	stream.indirect.gather [hbm4b:s8+s6], $0x10, s2, s6, $0xb8;
	[tilespmem:$0x3180] =	vst v63  }
0x11: {  	s13 =	sshrl.u32 s31, $0x1;
	_ =	swait.ge [sflag:s7], $0x1800  }
0x12: {  	s11 =	sadd.s32 s12, s11;
	s12 =	ssub.s32 s31, s13;
	[sflag:s7] =	ssyncset.done $0x0  }
0x13: {  	s10 =	sadd.s32 $0xE000, s11;
	s12 =	smax.u32 s12, $0x1;
	[sflag:s7] =	ssyncadd.s32 $0xFFFFE800  }
0x14: {  	[hbm4b:s10+s2] =	stream.linear.scatter [tilespmem:s6], [sflag:$0x2], $0x1800, $0x38;
	[tilespmem:$0x3180] =	vst v63  }
0x15: {  	p0 =	sne.s32 s12, $0x1;
	_ =	swait.ge [sflag:s3], $0x1800  }
.Ltmp0:
0x16: {  	[sflag:s3] =	ssyncset.done $0x0;
	(pc) =	sbr.rel @!p0 .LBB2_2-.Ltmp0, $4  }
0x17: {  	s11 =	sadd.s32 $0x14000, s11;
	[sflag:s3] =	ssyncadd.s32 $0xFFFFE800  }
0x18: {  	[hbm4b:s11+s2] =	stream.linear.scatter [tilespmem:s9], [sflag:$0x2], $0x1800, $0x38;
	[tilespmem:$0x3180] =	vst v63  }
0x19: {  	_ =	swait.ge [sflag:s3], $0x1800  }
0x1a: {  	s12 =	sadd.s32 $0xFFFFFFFF, s12;
	[sflag:s3] =	ssyncset.done $0x0  }
.LBB2_1:
0x1b: {  	p0 =	sne.s32 s12, $0x1;
	s12 =	sadd.s32 $0xFFFFFFFF, s12;
	[sflag:s3] =	ssyncadd.s32 $0xFFFFE800  }
0x1c: {  	[tilespmem:s2], [sflag:$0x2] =	stream.linear.gather [hbm4b:s4+s2], $0x180, $0x38;
	[tilespmem:$0x3180] =	vst v63  }
0x1d: {  	_ =	swait.ge [sflag:s3], $0x180  }
0x1e: {  	[sflag:s3] =	ssyncset.done $0x0  }
0x1f: {  	[sflag:s3] =	ssyncadd.s32 $0xFFFFFE80  }
0x20: {  	[tilespmem:s6], [sflag:$0x1] =	stream.indirect.gather [hbm4b:s5+s6], $0x10, s2, s6, $0xb8;
	[tilespmem:$0x3180] =	vst v63  }
0x21: {  	_ =	swait.ge [sflag:s7], $0x1800  }
0x22: {  	[sflag:s7] =	ssyncset.done $0x0  }
0x23: {  	[sflag:s7] =	ssyncadd.s32 $0xFFFFE800  }
0x24: {  	[tilespmem:s9], [sflag:$0x1] =	stream.indirect.gather [hbm4b:s8+s6], $0x10, s2, s6, $0xb8;
	[tilespmem:$0x3180] =	vst v63  }
0x25: {  	_ =	swait.ge [sflag:s7], $0x1800  }
0x26: {  	[sflag:s7] =	ssyncset.done $0x0  }
0x27: {  	[sflag:s7] =	ssyncadd.s32 $0xFFFFE800  }
0x28: {  	[hbm4b:s10+s2] =	stream.linear.scatter [tilespmem:s6], [sflag:$0x2], $0x1800, $0x38;
	[tilespmem:$0x3180] =	vst v63  }
0x29: {  	_ =	swait.ge [sflag:s3], $0x1800  }
.Ltmp1:
0x2a: {  	[sflag:s3] =	ssyncset.done $0x0;
	(pc) =	sbr.rel @p0 .LBB2_1-.Ltmp1, $4  }
0x2b: {  	[sflag:s3] =	ssyncadd.s32 $0xFFFFE800  }
0x2c: {  	[hbm4b:s11+s2] =	stream.linear.scatter [tilespmem:s9], [sflag:$0x2], $0x1800, $0x38;
	[tilespmem:$0x3180] =	vst v63  }
0x2d: {  	_ =	swait.ge [sflag:s3], $0x1800  }
0x2e: {  	[sflag:s3] =	ssyncset.done $0x0  }
.LBB2_2:
0x2f: {  	[sflag:s3] =	ssyncadd.s32 $0xFFFFE800  }
0x30: {  	_ =	sfence.sel $0x180000  }
0x31: {  	[bflag:$0x0] =	sbarrier.arrive $0xFFFF  }
0x32: {  	p0 =	sne.s32 s0, $0x0;
	_ =	strace $0x9000004D  }
0x33: {  	s0 =	sadd.s32 @!p0 $0x100000, s1;
	[bflag:$0x2] =	sbarrier.arrive $0xFFFF  }
0x34: {  	[sflag:s0] =	ssyncadd.tile.s32 @!p0 $0x1;
	_ =	shalt  }
.Lfunc_end2:
_tile_overlayer_lowered:
.L_overlay_start_2:
0x35: {  	(tag) =	ssettag $0x2  }
0x36: {  	s0 =	rddreg [dreg:$0x0];
	s2 =	stileid.u32  }
0x37: {  	s1 =	rddreg [dreg:$0x1];
	p0 =	sne.s32 s2, $0x0  }
0x38: {  	s3 =	rddreg [dreg:$0x2];
	[bflag:$0x3] =	sbarrier.arrive $0xFFFF;
	s2 =	simm.s32 @!p0 $0x1C02  }
0x39: {  	[timem:s3], [sflag:s2] =	dma.local @!p0 [hbm:s0], s1  }
0x3a: {  	s0 =	simm.s32 @!p0 $0x2  }
0x3b: {  	_ =	swait.ge @!p0 [sflag:s0], s1  }
0x3c: {  	s1 =	ssub.s32 @!p0 $0x0, s1;
	[sflag:s0] =	ssyncset.done @!p0 $0x0  }
0x3d: {  	[sflag:s0] =	ssyncadd.s32 @!p0 s1  }
0x3e: {  	[bflag:$0x3] =	sbarrier.arrive $0xFFFF  }
0x3f: {  	_ =	shalt  }

// kernel: kernel.8.cloned.1.call-start
scs
__scs_entry_jumppad:
0x0: {  	(pc) =	sbr.rel $0x88, $3  }
0x1: {  	(tag) =	ssettag $0x0;
	lr =	simm.s32 $0x1  }
0x2: {  	[smem:$0x3F9C] =	sst lr;
	_ =	strace $0xD0000000  }
0x3: {  	_ = 	snop  }
0x4: {  	_ = 	snop  }
0x5: {  	_ = 	snop  }
0x6: {  	_ = 	snop  }
0x7: {  	_ = 	snop  }
__scs_overlays_trampoline_lowered:
0x8: {  	[smem:$0x3FAB] =	sst s0  }
0x9: {  	[smem:$0x3FAC] =	sst s1  }
0xa: {  	[smem:$0x3FAD] =	sst s2  }
0xb: {  	[smem:$0x3FAE] =	sst s3  }
0xc: {  	[smem:$0x3FAF] =	sst s4  }
0xd: {  	[smem:$0x3FB0] =	sst s5  }
0xe: {  	[smem:$0x3FB1] =	sst s6  }
0xf: {  	[smem:$0x3FB2] =	sst s7  }
0x10: {  	[smem:$0x3FB3] =	sst s8  }
0x11: {  	[smem:$0x3FB4] =	sst s9;
	s0 =	simm.s32 @!p0 $0x0  }
0x12: {  	s1 =	sld [smem:$0x3F9A];
	s0 =	simm.s32 @p0 $0x1  }
0x13: {  	[smem:$0x3FB5] =	sst s0;
	s0 =	simm.s32 @!p1 $0x0  }
0x14: {  	s2 =	sld [smem:$0x3F99];
	s0 =	simm.s32 @p1 $0x1  }
0x15: {  	[smem:$0x3FB6] =	sst s0;
	s0 =	simm.s32 @!p2 $0x0  }
0x16: {  	s3 =	sld [smem:$0x3FDB];
	s0 =	simm.s32 @p2 $0x1  }
0x17: {  	s4 =	simm.s32 $0x1BF5;
	[smem:$0x3FB8] =	sst s0  }
0x18: {  	s0 =	sld [smem:$0x3F9B];
	_ =	swait.ge [sflag:s4], $0x0  }
0x19: {  	s7 =	sld [smem:$0x3F9C]  }
0x1a: {  	s8 =	sadd.s32 $0xFFFFE003, lr  }
0x1b: {  	s9 =	sadd.s32 $0xFFFFFEF7, lr;
	s5 =	simm.s32 $0xFFFFFFFF;
	p2 =	slt.u32 s8, $0xFFFFF086  }
0x1c: {  	p1 =	slt.u32 s9, $0xF7A;
	s5 =	simm.s32 @!p2 $0x0  }
0x1d: {  	s5 =	simm.s32 @p1 $0x1;
	p0 =	seq.s32 s7, s2  }
0x1e: {  	s7 =	smul.u32 @!p0 $0xF7A, s2;
	p2 =	seq.s32 @!p0 s5, $0x0  }
0x1f: {  	s9 =	smul.u32 $0xF7A, s1;
	s8 =	simm.s32 @!p0 $0x1BF5;
	p2 =	por !p2, p0  }
0x20: {  	[sflag:s8] =	ssyncset.s32 @!p0 $0xFFFFF086;
	s6 =	sadd.s32 @!p0 s3, s7;
	s7 =	simm.s32 @!p0 $0x108  }
0x21: {  	s3 =	sadd.s32 s3, s9;
	s6 =	sadd.s32 @!p0 $0x88, s6;
	s7 =	simm.s32 @p2 $0x1082  }
0x22: {  	[simem:s7], [sflag:s8] =	dma.local @!p0 [hbm:s6], $0xF7A  }
0x23: {  	s9 =	sor.u32 $0xD0000000, s2;
	s6 =	simm.s32 $0x108;
	_ =	swait.ge @!p0 [sflag:s8], $0x0  }
0x24: {  	s3 =	sadd.s32 $0x88, s3;
	s6 =	simm.s32 @!p1 $0x1082;
	[sflag:s4] =	ssyncset.s32 $0xFFFFF086  }
0x25: {  	[simem:s6], [sflag:s4] =	dma.local [hbm:s3], $0xF7A  }
0x26: {  	[smem:$0x3F9C] =	sst s1;
	(tag) =	ssettag s2;
	_ =	strace s9  }
0x27: {  	s1 =	sld [smem:$0x3FAC]  }
0x28: {  	s2 =	sld [smem:$0x3FAD]  }
0x29: {  	s4 =	sld [smem:$0x3FAF]  }
0x2a: {  	p0 =	seq.s32 s5, $0x0;
	s5 =	sld [smem:$0x3FB0]  }
0x2b: {  	s6 =	sld [smem:$0x3FB1]  }
0x2c: {  	s7 =	sld [smem:$0x3FB2]  }
0x2d: {  	s3 =	simm.s32 $0x108;
	s8 =	sld [smem:$0x3FB3]  }
0x2e: {  	s3 =	simm.s32 @!p0 $0x1082;
	s9 =	sld [smem:$0x3FB4]  }
0x2f: {  	lr =	sadd.s32 s0, s3;
	s0 =	sld [smem:$0x3FAB]  }
0x30: {  	s3 =	sld [smem:$0x3FAE]  }
0x31: {  	[smem:$0x3FB7] =	sst s10  }
0x32: {  	s10 =	sld [smem:$0x3FB5];
	_ =	sdelay $0x3  }
0x33: {  	p0 =	seq.s32 s10, $0x1;
	s10 =	sld [smem:$0x3FB7];
	_ =	sdelay $0x3  }
0x34: {  	[smem:$0x3FB7] =	sst s10  }
0x35: {  	s10 =	sld [smem:$0x3FB6];
	_ =	sdelay $0x3  }
0x36: {  	p1 =	seq.s32 s10, $0x1;
	s10 =	sld [smem:$0x3FB7];
	_ =	sdelay $0x3  }
0x37: {  	[smem:$0x3FB7] =	sst s10  }
0x38: {  	s10 =	sld [smem:$0x3FB8]  }
0x39: {  	_ = 	snop;
	(pc) =	sbr.ind lr, $3  }
0x3a: {  	_ = 	snop  }
0x3b: {  	_ = 	snop  }
0x3c: {  	p2 =	seq.s32 s10, $0x1;
	s10 =	sld [smem:$0x3FB7]  }
0x3d: {  	_ =	shalt  }
0x3e: {  	_ =	shalt  }
0x3f: {  	_ =	shalt  }
0x40: {  	_ =	shalt  }
0x41: {  	_ =	shalt  }
0x42: {  	_ =	shalt  }
0x43: {  	_ =	shalt  }
0x44: {  	_ =	shalt  }
0x45: {  	_ =	shalt  }
0x46: {  	_ =	shalt  }
0x47: {  	_ =	shalt  }
0x48: {  	_ =	shalt  }
0x49: {  	_ =	shalt  }
0x4a: {  	_ =	shalt  }
0x4b: {  	_ =	shalt  }
0x4c: {  	_ =	shalt  }
0x4d: {  	_ =	shalt  }
0x4e: {  	_ =	shalt  }
0x4f: {  	_ =	shalt  }
0x50: {  	_ =	shalt  }
0x51: {  	_ =	shalt  }
0x52: {  	_ =	shalt  }
0x53: {  	_ =	shalt  }
0x54: {  	_ =	shalt  }
0x55: {  	_ =	shalt  }
0x56: {  	_ =	shalt  }
0x57: {  	_ =	shalt  }
0x58: {  	_ =	shalt  }
0x59: {  	_ =	shalt  }
0x5a: {  	_ =	shalt  }
0x5b: {  	_ =	shalt  }
0x5c: {  	_ =	shalt  }
0x5d: {  	_ =	shalt  }
0x5e: {  	_ =	shalt  }
0x5f: {  	_ =	shalt  }
0x60: {  	_ =	shalt  }
0x61: {  	_ =	shalt  }
0x62: {  	_ =	shalt  }
0x63: {  	_ =	shalt  }
0x64: {  	_ =	shalt  }
0x65: {  	_ =	shalt  }
0x66: {  	_ =	shalt  }
0x67: {  	_ =	shalt  }
0x68: {  	_ =	shalt  }
0x69: {  	_ =	shalt  }
0x6a: {  	_ =	shalt  }
0x6b: {  	_ =	shalt  }
0x6c: {  	_ =	shalt  }
0x6d: {  	_ =	shalt  }
0x6e: {  	_ =	shalt  }
0x6f: {  	_ =	shalt  }
0x70: {  	_ =	shalt  }
0x71: {  	_ =	shalt  }
0x72: {  	_ =	shalt  }
0x73: {  	_ =	shalt  }
0x74: {  	_ =	shalt  }
0x75: {  	_ =	shalt  }
0x76: {  	_ =	shalt  }
0x77: {  	_ =	shalt  }
0x78: {  	_ =	shalt  }
0x79: {  	_ =	shalt  }
0x7a: {  	_ =	shalt  }
0x7b: {  	_ =	shalt  }
0x7c: {  	_ =	shalt  }
0x7d: {  	_ =	shalt  }
0x7e: {  	_ =	shalt  }
0x7f: {  	_ =	shalt  }
0x80: {  	_ =	shalt  }
0x81: {  	_ =	shalt  }
0x82: {  	_ =	shalt  }
0x83: {  	_ =	shalt  }
0x84: {  	_ =	shalt  }
0x85: {  	_ =	shalt  }
0x86: {  	_ =	shalt  }
0x87: {  	_ =	shalt  }
.Lfunc_end0:
.L_simem_size_0:
called_computation_lowered:
.L_overlay_start_0:
0x88: {  	s2 =	sld [smem:$0x3FD9]  }
0x89: {  	s3 =	sld [smem:$0x3FFE];
	_ =	sdelay $0x1  }
0x8a: {  	s1 =	srdreg.scid  }
0x8b: {  	s0 =	sand.u32 $0x1, s1  }
0x8c: {  	s16 =	sshll.u32 s0, $0xA;
	s2 =	sadd.s32 s3, s2  }
0x8d: {  	s2 =	sadd.s32 s2, s16  }
0x8e: {  	[smem:$0x3FC3] =	sst s2  }
0x8f: {  	_ = 	snop  }
0x90: {  	(tm) =	ssettm $0x1  }
0x91: {  	s17 =	sld [smem:$0x3FFB];
	_ =	sdelay $0x3  }
0x92: {  	_ =	strace s17  }
0x93: {  	s2 =	sld [smem:$0x3FFC];
	_ =	sdelay $0x3  }
0x94: {  	_ =	strace s2  }
0x95: {  	s2 =	sld [smem:$0x3FFD];
	_ =	sdelay $0x3  }
0x96: {  	_ =	strace s2  }
0x97: {  	_ =	strace $0x8FFFFFFF  }
0x98: {  	s18 =	sld [smem:$0x3FDB];
	_ =	sdelay $0x1  }
0x99: {  	s19 =	simm.s32 $_scs_section_size  }
0x9a: {  	s4 =	simm.s32 $_size__tile_overlayer_lowered;
	s5 =	simm.s32 $_tile_overlayer_lowered  }
0x9b: {  	s22 =	simm.s32 $0x1BFF;
	s21 =	sshll.u32 s5, $0x1;
	s2 =	sadd.s32 s19, s18  }
0x9c: {  	s6 =	simm.s32 $0x0;
	s20 =	sshll.u32 s4, $0x1;
	s4 =	sadd.s32 s21, s2  }
0x9d: {  	[timem:s6], [sflag:s22] =	dma.local [hbm:s4], s20  }
0x9e: {  	_ =	swait.ge [sflag:s22], s20  }
0x9f: {  	s3 =	ssub.s32 $0x0, s20;
	[sflag:s22] =	ssyncset.done $0x0  }
0xa0: {  	[sflag:s22] =	ssyncadd.s32 s3;
	_ =	sdelay $0x1  }
0xa1: {  	s23 =	simm.s32 $0x1B8B  }
0xa2: {  	_ =	swait.ge [sflag:s23], $0x1  }
0xa3: {  	[sflag:s23] =	ssyncset.done $0x0  }
0xa4: {  	s25 =	simm.s32 $0x1B8E;
	s24 =	sld [smem:$0x3FFE];
	[sflag:s23] =	ssyncadd.s32 $0xFFFFFFFF  }
0xa5: {  	s26 =	simm.s32 $execute0_lowered;
	[smem:$0x3FD2] =	sst s25  }
0xa6: {  	s4 =	sshll.u32 s26, $0x1;
	_ =	strace $0x80000046;
	[dreg:$0x1] =	wrdreg $0xFFFFFFFF  }
0xa7: {  	s28 =	simm.s32 $_size_execute0_lowered;
	s2 =	sadd.s32 s2, s4;
	[dreg:$0x0] =	wrdreg $0x0  }
0xa8: {  	s4 =	sshll.u32 s28, $0x1;
	[dreg:$0x2] =	wrdreg s2  }
0xa9: {  	[dreg:$0x3] =	wrdreg s4  }
0xaa: {  	[dreg:$0x4] =	wrdreg $0xC0  }
0xab: {  	_ =	task [dreg:s6], $0x5FFFF  }
0xac: {  	[dreg:$0x1] =	wrdreg $0xFFFFFFFF  }
0xad: {  	[dreg:$0x0] =	wrdreg $0x60  }
0xae: {  	[dreg:$0x2] =	wrdreg s24  }
0xaf: {  	[dreg:$0x3] =	wrdreg $0x9  }
0xb0: {  	_ =	task.clear_ibuf [dreg:s6], $0x4FFFF;
	_ =	strace $0x90000046  }
0xb1: {  	s29 =	simm.s32 $0x9;
	_ =	strace $0x80000048  }
0xb2: {  	_ =	swait.ge [sflag:s29], $0x1  }
0xb3: {  	[sflag:s29] =	ssyncadd.s32 $0xFFFFFFFF  }
0xb4: {  	_ =	strace $0x90000048  }
0xb5: {  	_ =	sfence  }
0xb6: {  	s30 =	sld [smem:$0x0];
	_ =	sdelay $0x2  }
0xb7: {  	s31 =	sshll.u32 s1, $0xD;
	s1 =	sshrl.u32 s1, $0x2  }
0xb8: {  	s3 =	sand.u32 $0x4000, s31;
	s1 =	sadd.s32 s1, s30  }
0xb9: {  	s0 =	sor.u32 s3, s0;
	s1 =	sshll.u32 s1, $0x11  }
0xba: {  	s0 =	sor.u32 s1, s0  }
0xbb: {  	s0 =	sadd.s32 $0x8F2B, s0  }
0xbc: {  	[sflag:s0] =	ssyncadd.remote.s32 $0x1  }
0xbd: {  	_ =	sfence.sel $0xFFFF  }
0xbe: {  	[dreg:$0x0] =	wrdreg $0xFFFFFFFF;
	(pc) =	sbr.abs _section_cstart, $3  }
0xbf: {  	[dreg:$0x1] =	wrdreg $0xFFFFFFFF  }
0xc0: {  	_ =	task.clear_ibuf [dreg:s6], $0x2FFFF;
	_ =	strace $0x9FFFFFFF  }
0xc1: {  	(tm) =	ssettm $0x7FFFFFFF  }
tec
execute0_lowered:
.L_overlay_start_1:
0x0: {  	(tag) =	ssettag $0x1  }
0x1: {  	s1 =	srdreg.scid;
	s0 =	stileid.u32  }
0x2: {  	s6 =	sand.u32 $0x1, s1;
	s30 =	sshll.u32 s0, $0x1  }
0x3: {  	s8 =	rddreg [dreg:$0x0];
	s7 =	sor.u32 s6, s30  }
0x4: {  	s2 =	simm.s32 $0x0;
	s1 =	rddreg [dreg:$0x1];
	s3 =	smul.u32 $0xF0, s7  }
0x5: {  	[smem:$0x7FF] =	sst s2;
	s5 =	sadd.s32 $0x2000, s8  }
0x6: {  	_ =	strace $0x80000047;
	s10 =	ssub.s32 $0x2, s6;
	s3 =	sadd.s32 s3, s8  }
0x7: {  	s6 =	simm.s32 $0x780;
	s4 =	sadd.s32 $0x7000, s3;
	s3 =	simm.s32 $0x2  }
0x8: {  	[tilespmem:s2], [sflag:$0x2] =	stream.linear.gather [hbm4b:s4+s2], $0x780, $0x38;
	[tilespmem:$0x7F80] =	vst v63  }
0x9: {  	s9 =	smul.u32 $0xF00, s7;
	s11 =	sshrl.u32 s10, $0x1;
	_ =	swait.ge [sflag:s3], $0x780  }
0xa: {  	s7 =	simm.s32 $0x1;
	s31 =	ssub.s32 s10, s11;
	[sflag:s3] =	ssyncset.done $0x0  }
0xb: {  	s8 =	sadd.s32 s9, s8;
	s9 =	smax.u32 s31, $0x1;
	[sflag:s3] =	ssyncadd.s32 $0xFFFFF880  }
0xc: {  	[tilespmem:s6], [sflag:$0x1] =	stream.indirect.gather [hbm4b:s5+s6], $0x10, s2, s6, $0xb8;
	[tilespmem:$0x7F80] =	vst v63  }
0xd: {  	p0 =	sne.s32 s9, $0x1;
	_ =	swait.ge [sflag:s7], $0x7800  }
.Ltmp0:
0xe: {  	[sflag:s7] =	ssyncset.done $0x0;
	(pc) =	sbr.rel @!p0 .LBB2_2-.Ltmp0, $4  }
0xf: {  	s8 =	sadd.s32 $0x8E00, s8;
	[sflag:s7] =	ssyncadd.s32 $0xFFFF8800  }
0x10: {  	[hbm4b:s8+s2] =	stream.linear.scatter [tilespmem:s6], [sflag:$0x2], $0x7800, $0x38;
	[tilespmem:$0x7F80] =	vst v63  }
0x11: {  	_ =	swait.ge [sflag:s3], $0x7800  }
0x12: {  	s9 =	sadd.s32 $0xFFFFFFFF, s9;
	[sflag:s3] =	ssyncset.done $0x0  }
.LBB2_1:
0x13: {  	p0 =	sne.s32 s9, $0x1;
	s9 =	sadd.s32 $0xFFFFFFFF, s9;
	[sflag:s3] =	ssyncadd.s32 $0xFFFF8800  }
0x14: {  	[tilespmem:s2], [sflag:$0x2] =	stream.linear.gather [hbm4b:s4+s2], $0x780, $0x38;
	[tilespmem:$0x7F80] =	vst v63  }
0x15: {  	_ =	swait.ge [sflag:s3], $0x780  }
0x16: {  	[sflag:s3] =	ssyncset.done $0x0  }
0x17: {  	[sflag:s3] =	ssyncadd.s32 $0xFFFFF880  }
0x18: {  	[tilespmem:s6], [sflag:$0x1] =	stream.indirect.gather [hbm4b:s5+s6], $0x10, s2, s6, $0xb8;
	[tilespmem:$0x7F80] =	vst v63  }
0x19: {  	_ =	swait.ge [sflag:s7], $0x7800  }
.Ltmp1:
0x1a: {  	[sflag:s7] =	ssyncset.done $0x0;
	(pc) =	sbr.rel @p0 .LBB2_1-.Ltmp1, $4  }
0x1b: {  	[sflag:s7] =	ssyncadd.s32 $0xFFFF8800  }
0x1c: {  	[hbm4b:s8+s2] =	stream.linear.scatter [tilespmem:s6], [sflag:$0x2], $0x7800, $0x38;
	[tilespmem:$0x7F80] =	vst v63  }
0x1d: {  	_ =	swait.ge [sflag:s3], $0x7800  }
0x1e: {  	[sflag:s3] =	ssyncset.done $0x0  }
.LBB2_2:
0x1f: {  	[sflag:s3] =	ssyncadd.s32 $0xFFFF8800  }
0x20: {  	_ =	sfence.sel $0x180000  }
0x21: {  	[bflag:$0x0] =	sbarrier.arrive $0xFFFF  }
0x22: {  	p0 =	sne.s32 s0, $0x0;
	_ =	strace $0x90000047  }
0x23: {  	s0 =	sadd.s32 @!p0 $0x100000, s1;
	[bflag:$0x2] =	sbarrier.arrive $0xFFFF  }
0x24: {  	[sflag:s0] =	ssyncadd.tile.s32 @!p0 $0x1;
	_ =	shalt  }
.Lfunc_end2:
_tile_overlayer_lowered:
.L_overlay_start_2:
0x25: {  	(tag) =	ssettag $0x2  }
0x26: {  	s0 =	rddreg [dreg:$0x0];
	s2 =	stileid.u32  }
0x27: {  	s1 =	rddreg [dreg:$0x1];
	p0 =	sne.s32 s2, $0x0  }
0x28: {  	s3 =	rddreg [dreg:$0x2];
	[bflag:$0x3] =	sbarrier.arrive $0xFFFF;
	s2 =	simm.s32 @!p0 $0x1C02  }
0x29: {  	[timem:s3], [sflag:s2] =	dma.local @!p0 [hbm:s0], s1  }
0x2a: {  	s0 =	simm.s32 @!p0 $0x2  }
0x2b: {  	_ =	swait.ge @!p0 [sflag:s0], s1  }
0x2c: {  	s1 =	ssub.s32 @!p0 $0x0, s1;
	[sflag:s0] =	ssyncset.done @!p0 $0x0  }
0x2d: {  	[sflag:s0] =	ssyncadd.s32 @!p0 s1  }
0x2e: {  	[bflag:$0x3] =	sbarrier.arrive $0xFFFF  }
0x2f: {  	_ =	shalt  }

</sc_bundles>
